<compile_context>
chip_gen: v7x
topology: tpu7x:2x2x1
jax: 0.10.2.dev20260603
libtpu: 0.0.44.dev20260713+nightly
codegen_flags: <defaults>
</compile_context>

<pallas_src>
import functools

import jax
import jax.numpy as jnp
from jax import lax
from jax.experimental import pallas as pl
from jax.experimental.pallas import tpu as pltpu
from jax.experimental.pallas import tpu_sc as plsc

N = 10000
E = 320000
D = 128
G = 64

NC = 2
NS = 16
EC = E // NC
ET = EC // NS
K = 80
NCHUNK = ET // K

DEGW = 128

@functools.cache
def _mesh():
    return plsc.VectorSubcoreMesh(
        core_axis_name="c", subcore_axis_name="s",
        num_cores=NC, num_subcores=NS)



NROW = 80


def _degree_body(ei_hbm, zeros_hbm, out_hbm, dst_all, hist, idx80, acc):
    c = lax.axis_index("c")
    s = lax.axis_index("s")
    w = c * NS + s
    pltpu.sync_copy(ei_hbm.at[pl.ds(E + w * ET, ET)], dst_all)
    pltpu.sync_copy(zeros_hbm, hist)

    @pl.when(s == 0)
    def _():
        pltpu.sync_copy(zeros_hbm, acc)

    for j in range(NROW // 16):
        idx80[pl.ds(j * 16, 16)] = lax.iota(jnp.int32, 16) + j * 16

    ones16 = jnp.ones((16,), jnp.float32)

    def add(i, carry):
        idx = dst_all[pl.ds(i * 16, 16)]
        plsc.addupdate_scatter(hist, [idx >> 7, idx & 127], ones16)
        return carry

    lax.fori_loop(0, ET // 16, add, 0)
    plsc.subcore_barrier()
    pltpu.sync_copy(hist, acc.at[idx80], add=True)
    plsc.subcore_barrier()

    @pl.when(s == 0)
    def _():
        pltpu.sync_copy(acc, out_hbm.at[c])


@functools.cache
def _build_sc_degree():
    return pl.kernel(
        _degree_body,
        out_type=jax.ShapeDtypeStruct((NC, NROW, 128), jnp.float32),
        mesh=_mesh(),
        compiler_params=pltpu.CompilerParams(needs_layout_passes=False),
        scratch_types=[
            pltpu.VMEM((ET,), jnp.int32),
            pltpu.VMEM((NROW, 128), jnp.float32),
            pltpu.VMEM((NROW,), jnp.int32),
            pltpu.VMEM_SHARED((NROW, 128), jnp.float32),
        ],
    )


def _sc_degree(edge_index, zeros_row):
    return _build_sc_degree()(edge_index, zeros_row)



NBUF = 3
GAHEAD = 2
JCH = (NCHUNK - 1) // NBUF


def _segsum_body(hs_hbm, ei_hbm, out_hbm, src_all, dst_all, rows,
                 gsems, ssems, isem, acc):
    c = lax.axis_index("c")
    s = lax.axis_index("s")
    w = c * NS + s

    @pl.when(s == 0)
    def _():
        pltpu.async_copy(hs_hbm, acc, isem)

    pltpu.sync_copy(ei_hbm.at[pl.ds(w * ET, ET)], src_all)
    pltpu.sync_copy(ei_hbm.at[pl.ds(E + w * ET, ET)], dst_all)

    @pl.when(s == 0)
    def _():
        pltpu.make_async_copy(hs_hbm, acc, isem).wait()

    def issue_gather(i, b):
        pltpu.async_copy(
            hs_hbm.at[src_all.at[pl.ds(i * K, K)]], rows[b], gsems[b])

    def wait_gather(i, b):
        pltpu.make_async_copy(
            hs_hbm.at[src_all.at[pl.ds(i * K, K)]], rows[b], gsems[b]).wait()

    for b in range(GAHEAD):
        issue_gather(b, b)
    plsc.subcore_barrier()

    def _maybe(cond, fn):
        if isinstance(cond, bool):
            if cond:
                fn()
        else:
            pl.when(cond)(fn)

    def issue_scatter(i, b):
        pltpu.async_copy(rows[b], acc.at[dst_all.at[pl.ds(i * K, K)]],
                         ssems[b], add=True)

    def wait_scatter(i, b):
        pltpu.make_async_copy(rows[b], acc.at[dst_all.at[pl.ds(i * K, K)]],
                              ssems[b]).wait()

    def step(i, b):
        wait_gather(i, b)
        _maybe(i >= 1, lambda: wait_scatter(i - 1, (b + NBUF - 1) % NBUF))
        bg = (b + GAHEAD) % NBUF
        _maybe(i + GAHEAD < NCHUNK,
               lambda: issue_gather(i + GAHEAD, bg))
        issue_scatter(i, b)

    def outer(j, carry):
        for b in range(NBUF):
            step(j * NBUF + b, b)
        return carry

    lax.fori_loop(0, JCH, outer, 0)
    for i in range(JCH * NBUF, NCHUNK):
        step(i, i % NBUF)
    wait_scatter(NCHUNK - 1, (NCHUNK - 1) % NBUF)
    plsc.subcore_barrier()

    @pl.when(s == 0)
    def _():
        pltpu.sync_copy(acc, out_hbm.at[c])


@functools.cache
def _build_sc_segsum():
    return pl.kernel(
        _segsum_body,
        out_type=jax.ShapeDtypeStruct((NC, N, D), jnp.float32),
        mesh=_mesh(),
        scratch_types=[
            pltpu.VMEM((ET,), jnp.int32),
            pltpu.VMEM((ET,), jnp.int32),
            [pltpu.VMEM((K, D), jnp.float32) for _ in range(NBUF)],
            [pltpu.SemaphoreType.DMA for _ in range(NBUF)],
            [pltpu.SemaphoreType.DMA for _ in range(NBUF)],
            pltpu.SemaphoreType.DMA,
            pltpu.VMEM_SHARED((N, D), jnp.float32),
        ],
    )


def _sc_segsum(hs, edge_index):
    return _build_sc_segsum()(hs, edge_index)



_RB = 2000
_NB = N // _RB


def _mm0_body(x_ref, w_ref, deg_ref, hs_ref, dinv_ref):
    dinv = lax.rsqrt(deg_ref[0] + deg_ref[1] + 1.0)
    h = jnp.dot(x_ref[...], w_ref[...], preferred_element_type=jnp.float32)
    hs_ref[...] = h * dinv
    dinv_ref[...] = dinv


def _tc_mm0(x, W0, deg_p):
    return pl.pallas_call(
        _mm0_body,
        grid=(_NB,),
        in_specs=[
            pl.BlockSpec((_RB, D), lambda i: (i, 0)),
            pl.BlockSpec((D, D), lambda i: (0, 0)),
            pl.BlockSpec((NC, _RB, 1), lambda i: (0, i, 0)),
        ],
        out_specs=[
            pl.BlockSpec((_RB, D), lambda i: (i, 0)),
            pl.BlockSpec((_RB, 1), lambda i: (i, 0)),
        ],
        out_shape=[
            jax.ShapeDtypeStruct((N, D), jnp.float32),
            jax.ShapeDtypeStruct((N, 1), jnp.float32),
        ],
    )(x, W0, deg_p)


def _mm_body(p_ref, hs_ref, dinv_ref, b_ref, w_ref, out_ref):
    dinv = dinv_ref[...]
    x = dinv * (p_ref[0] + p_ref[1] - hs_ref[...]) + b_ref[...]
    x = jnp.maximum(x, 0.0)
    h = jnp.dot(x, w_ref[...], preferred_element_type=jnp.float32)
    out_ref[...] = h * dinv


def _tc_mm(p, hs, dinv, b, W):
    return pl.pallas_call(
        _mm_body,
        grid=(_NB,),
        in_specs=[
            pl.BlockSpec((NC, _RB, D), lambda i: (0, i, 0)),
            pl.BlockSpec((_RB, D), lambda i: (i, 0)),
            pl.BlockSpec((_RB, 1), lambda i: (i, 0)),
            pl.BlockSpec((1, D), lambda i: (0, 0)),
            pl.BlockSpec((D, D), lambda i: (0, 0)),
        ],
        out_specs=pl.BlockSpec((_RB, D), lambda i: (i, 0)),
        out_shape=jax.ShapeDtypeStruct((N, D), jnp.float32),
    )(p, hs, dinv, b, W)


def _final_body(p_ref, hs_ref, dinv_ref, b_ref, m0_ref, mb0_ref, m1_ref,
                mb1_ref, batch_ref, out_ref, acc_s, acc_c):
    i = pl.program_id(0)

    @pl.when(i == 0)
    def _():
        acc_s[...] = jnp.zeros_like(acc_s)
        acc_c[...] = jnp.zeros_like(acc_c)

    x = dinv_ref[...] * (p_ref[0] + p_ref[1] - hs_ref[...]) + b_ref[...]
    r = jnp.maximum(
        jnp.dot(x, m0_ref[...], preferred_element_type=jnp.float32)
        + mb0_ref[...], 0.0)
    y = jnp.dot(r, m1_ref[...], preferred_element_type=jnp.float32) \
        + mb1_ref[...]
    gids = lax.broadcasted_iota(jnp.int32, (1, G), 1)
    onehot = (batch_ref[...] == gids).astype(jnp.float32)
    acc_s[...] += lax.dot_general(
        onehot, y, (((0,), (0,)), ((), ())),
        preferred_element_type=jnp.float32)
    acc_c[...] += lax.dot_general(
        onehot, jnp.ones_like(y), (((0,), (0,)), ((), ())),
        preferred_element_type=jnp.float32)

    @pl.when(i == _NB - 1)
    def _():
        out_ref[...] = acc_s[...] / jnp.maximum(acc_c[...], 1.0)


def _tc_final(p, hs, dinv, b2, M0, mb0, M1, mb1, batch2d):
    return pl.pallas_call(
        _final_body,
        grid=(_NB,),
        in_specs=[
            pl.BlockSpec((NC, _RB, D), lambda i: (0, i, 0)),
            pl.BlockSpec((_RB, D), lambda i: (i, 0)),
            pl.BlockSpec((_RB, 1), lambda i: (i, 0)),
            pl.BlockSpec((1, D), lambda i: (0, 0)),
            pl.BlockSpec((D, D // 2), lambda i: (0, 0)),
            pl.BlockSpec((1, D // 2), lambda i: (0, 0)),
            pl.BlockSpec((D // 2, 1), lambda i: (0, 0)),
            pl.BlockSpec((1, 1), lambda i: (0, 0)),
            pl.BlockSpec((_RB, 1), lambda i: (i, 0)),
        ],
        out_specs=pl.BlockSpec((G, 1), lambda i: (0, 0)),
        out_shape=jax.ShapeDtypeStruct((G, 1), jnp.float32),
        scratch_shapes=[
            pltpu.VMEM((G, 1), jnp.float32),
            pltpu.VMEM((G, 1), jnp.float32),
        ],
    )(p, hs, dinv, b2, M0, mb0, M1, mb1, batch2d)



def kernel(x, edge_index, batch, W0, b0, W1, b1, W2, b2, M0, mb0, M1, mb1):
    zeros_row = jnp.zeros((NROW, 128), jnp.float32)

    ei_flat = edge_index.reshape(2 * E)
    deg_p = _sc_degree(ei_flat, zeros_row)
    deg_p = deg_p.reshape(NC, NROW * 128)[:, :N].reshape(NC, N, 1)
    hs, dinv = _tc_mm0(x, W0, deg_p)
    p = _sc_segsum(hs, ei_flat)
    hs = _tc_mm(p, hs, dinv, b0.reshape(1, D), W1)
    p = _sc_segsum(hs, ei_flat)
    hs = _tc_mm(p, hs, dinv, b1.reshape(1, D), W2)
    p = _sc_segsum(hs, ei_flat)

    return _tc_final(p, hs, dinv, b2.reshape(1, D), M0, mb0.reshape(1, D // 2),
                     M1, mb1.reshape(1, 1), batch.reshape(N, 1))

# --- scband reference (transcript-rebuilt; emitter-appended) ---
"""Pipeline reference for scband-petri-gcn-39496519254488 (READ-ONLY COPY).

The authoritative reference and input builder live on the scoring server;
editing this copy changes nothing except your own understanding.
"""

import jax, jax.numpy as jnp
import numpy as np

N = 10000
E = 320000
D = 128
H = 128
G = 64


def _glorot(key, shape):
    fan_in, fan_out = shape[0], shape[1]
    std = (2.0 / (fan_in + fan_out)) ** 0.5
    return jax.random.normal(key, shape, dtype=jnp.float32) * std


def setup_inputs(seed: int = 0):
    key = jax.random.key(seed)
    ks = jax.random.split(key, 12)
    x = jax.random.normal(ks[0], (N, D), dtype=jnp.float32)
    edge_index = jax.random.randint(ks[1], (2, E), 0, N, dtype=jnp.int32)
    batch = jnp.sort(jax.random.randint(ks[2], (N,), 0, G, dtype=jnp.int32))
    W0 = _glorot(ks[3], (D, H)); b0 = jnp.zeros((H,), jnp.float32)
    W1 = _glorot(ks[4], (H, H)); b1 = jnp.zeros((H,), jnp.float32)
    W2 = _glorot(ks[5], (H, H)); b2 = jnp.zeros((H,), jnp.float32)
    M0 = _glorot(ks[6], (H, H // 2)); mb0 = jnp.zeros((H // 2,), jnp.float32)
    M1 = _glorot(ks[7], (H // 2, 1)); mb1 = jnp.zeros((1,), jnp.float32)
    return {"x": x, "edge_index": edge_index, "batch": batch,
            "W0": W0, "b0": b0, "W1": W1, "b1": b1, "W2": W2, "b2": b2,
            "M0": M0, "mb0": mb0, "M1": M1, "mb1": mb1}


def _gcn_conv(x, edge_index, W, b):
    n = x.shape[0]
    loop = jnp.arange(n, dtype=edge_index.dtype)
    src = jnp.concatenate([edge_index[0], loop])
    dst = jnp.concatenate([edge_index[1], loop])
    deg = jnp.zeros((n,), x.dtype).at[dst].add(1.0)
    dinv = jnp.where(deg > 0, deg ** -0.5, 0.0)
    norm = dinv[src] * dinv[dst]
    h = x @ W
    msg = h[src] * norm[:, None]
    out = jax.ops.segment_sum(msg, dst, num_segments=n)
    return out + b


def reference(x, edge_index, batch, W0, b0, W1, b1, W2, b2, M0, mb0, M1, mb1):
    # GCN backbone: act between layers, no act after last layer
    h = _gcn_conv(x, edge_index, W0, b0)
    h = jax.nn.relu(h)
    h = _gcn_conv(h, edge_index, W1, b1)
    h = jax.nn.relu(h)
    h = _gcn_conv(h, edge_index, W2, b2)
    # MLPReadout: Linear(H, H//2) -> relu -> Linear(H//2, 1)
    h = jax.nn.relu(h @ M0 + mb0)
    h = h @ M1 + mb1
    # scatter mean over graph batch assignment
    s = jax.ops.segment_sum(h, batch, num_segments=G)
    cnt = jax.ops.segment_sum(jnp.ones((h.shape[0],), h.dtype), batch, num_segments=G)
    return s / jnp.clip(cnt, 1.0)[:, None]

if __name__ == "__main__":
    import jax
    _d = setup_inputs()
    print(jax.jit(kernel)(*tuple(_d.values())))

</pallas_src>

<mosaic_0001>
#map = affine_map<(d0, d1) -> (0, 0)>
#map1 = affine_map<(d0, d1) -> (0)>
#map2 = affine_map<(d0, d1) -> (0, 0, 0)>
module attributes {stable_mosaic.version = 14 : i64} {
  func.func @_segsum_body(%arg0: i32, %arg1: i32, %arg2: memref<10000x128xf32, #tpu.memory_space<hbm>>, %arg3: memref<640000xi32, #tpu.memory_space<hbm>>, %arg4: memref<2x10000x128xf32, #tpu.memory_space<hbm>>, %arg5: memref<10000xi32, #tpu.memory_space<vmem>>, %arg6: memref<10000xi32, #tpu.memory_space<vmem>>, %arg7: memref<80x128xf32, #tpu.memory_space<vmem>>, %arg8: memref<80x128xf32, #tpu.memory_space<vmem>>, %arg9: memref<80x128xf32, #tpu.memory_space<vmem>>, %arg10: memref<!tpu.dma_semaphore, #tpu.memory_space<semaphore_mem>>, %arg11: memref<!tpu.dma_semaphore, #tpu.memory_space<semaphore_mem>>, %arg12: memref<!tpu.dma_semaphore, #tpu.memory_space<semaphore_mem>>, %arg13: memref<!tpu.dma_semaphore, #tpu.memory_space<semaphore_mem>>, %arg14: memref<!tpu.dma_semaphore, #tpu.memory_space<semaphore_mem>>, %arg15: memref<!tpu.dma_semaphore, #tpu.memory_space<semaphore_mem>>, %arg16: memref<!tpu.dma_semaphore, #tpu.memory_space<semaphore_mem>>, %arg17: memref<10000x128xf32, #tpu.memory_space<vmem_shared>>) attributes {dimension_semantics = [#tpu.dimension_semantics<core_parallel>, #tpu.dimension_semantics<subcore_parallel>], iteration_bounds = array<i64: 2, 16>, scalar_prefetch = 0 : i64, scratch_operands = 13 : i64, tpu.core_type = #tpu.core_type<sc_vector_subcore>, window_params = [{transform_indices = #map}, {transform_indices = #map1}, {transform_indices = #map2}]} {
    %mul3A = arith.constant 16 : i32
    %mul3A_0 = arith.muli %arg0, %mul3A : i32
    %add3A = arith.addi %mul3A_0, %arg1 : i32
    %eq3A = arith.constant 0 : i32
    %eq3A_1 = arith.cmpi eq, %arg1, %eq3A : i32
    %convert_element_type3A = arith.extui %eq3A_1 : i1 to i32
    %cond3A = arith.constant 0 : i32
    %cond3A_2 = arith.cmpi ne, %convert_element_type3A, %cond3A : i32
    scf.if %cond3A_2 {
      tpu.enqueue_dma source(%arg2 : memref<10000x128xf32, #tpu.memory_space<hbm>>) target(%arg17 : memref<10000x128xf32, #tpu.memory_space<vmem_shared>>) target_semaphore(%arg16 : memref<!tpu.dma_semaphore, #tpu.memory_space<semaphore_mem>>)
    } else {
    }
    %mul3A_3 = arith.constant 10000 : i32
    %mul3A_4 = arith.muli %add3A, %mul3A_3 : i32
    "tpu.region"() ({
      %run_scoped3A = tpu.sem_alloc : memref<!tpu.dma_semaphore, #tpu.memory_space<semaphore_mem>>
      %dma_start3A_68 = tpu.memref_slice %arg3[%mul3A_4] : memref<640000xi32, #tpu.memory_space<hbm>> -> memref<10000xi32, #tpu.memory_space<hbm>>
      %dma_start3A_69 = tpu.memref_slice %arg3[%mul3A_4] : memref<640000xi32, #tpu.memory_space<hbm>> -> memref<10000xi32, #tpu.memory_space<hbm>>
      tpu.enqueue_dma source(%dma_start3A_69 : memref<10000xi32, #tpu.memory_space<hbm>>) target(%arg5 : memref<10000xi32, #tpu.memory_space<vmem>>) target_semaphore(%run_scoped3A : memref<!tpu.dma_semaphore, #tpu.memory_space<semaphore_mem>>)
      %dma_wait3A_70 = tpu.memref_slice %arg3[%mul3A_4] : memref<640000xi32, #tpu.memory_space<hbm>> -> memref<10000xi32, #tpu.memory_space<hbm>>
      %dma_wait3A_71 = tpu.memref_slice %arg3[%mul3A_4] : memref<640000xi32, #tpu.memory_space<hbm>> -> memref<10000xi32, #tpu.memory_space<hbm>>
      tpu.wait_dma2 semaphore(%run_scoped3A : memref<!tpu.dma_semaphore, #tpu.memory_space<semaphore_mem>>) src(%dma_wait3A_71 : memref<10000xi32, #tpu.memory_space<hbm>>) dst(%arg5 : memref<10000xi32, #tpu.memory_space<vmem>>)
      tpu.yield
    }) : () -> ()
    %mul3A_5 = arith.constant 10000 : i32
    %mul3A_6 = arith.muli %add3A, %mul3A_5 : i32
    %add3A_7 = arith.constant 320000 : i32
    %add3A_8 = arith.addi %add3A_7, %mul3A_6 : i32
    "tpu.region"() ({
      %run_scoped3A = tpu.sem_alloc : memref<!tpu.dma_semaphore, #tpu.memory_space<semaphore_mem>>
      %dma_start3A_68 = tpu.memref_slice %arg3[%add3A_8] : memref<640000xi32, #tpu.memory_space<hbm>> -> memref<10000xi32, #tpu.memory_space<hbm>>
      %dma_start3A_69 = tpu.memref_slice %arg3[%add3A_8] : memref<640000xi32, #tpu.memory_space<hbm>> -> memref<10000xi32, #tpu.memory_space<hbm>>
      tpu.enqueue_dma source(%dma_start3A_69 : memref<10000xi32, #tpu.memory_space<hbm>>) target(%arg6 : memref<10000xi32, #tpu.memory_space<vmem>>) target_semaphore(%run_scoped3A : memref<!tpu.dma_semaphore, #tpu.memory_space<semaphore_mem>>)
      %dma_wait3A_70 = tpu.memref_slice %arg3[%add3A_8] : memref<640000xi32, #tpu.memory_space<hbm>> -> memref<10000xi32, #tpu.memory_space<hbm>>
      %dma_wait3A_71 = tpu.memref_slice %arg3[%add3A_8] : memref<640000xi32, #tpu.memory_space<hbm>> -> memref<10000xi32, #tpu.memory_space<hbm>>
      tpu.wait_dma2 semaphore(%run_scoped3A : memref<!tpu.dma_semaphore, #tpu.memory_space<semaphore_mem>>) src(%dma_wait3A_71 : memref<10000xi32, #tpu.memory_space<hbm>>) dst(%arg6 : memref<10000xi32, #tpu.memory_space<vmem>>)
      tpu.yield
    }) : () -> ()
    %eq3A_9 = arith.constant 0 : i32
    %eq3A_10 = arith.cmpi eq, %arg1, %eq3A_9 : i32
    %convert_element_type3A_11 = arith.extui %eq3A_10 : i1 to i32
    %cond3A_12 = arith.constant 0 : i32
    %cond3A_13 = arith.cmpi ne, %convert_element_type3A_11, %cond3A_12 : i32
    scf.if %cond3A_13 {
      tpu.wait_dma2 semaphore(%arg16 : memref<!tpu.dma_semaphore, #tpu.memory_space<semaphore_mem>>) src(%arg2 : memref<10000x128xf32, #tpu.memory_space<hbm>>) dst(%arg17 : memref<10000x128xf32, #tpu.memory_space<vmem_shared>>)
    } else {
    }
    %dma_start3A = arith.constant 0 : i32
    %dma_start3A_14 = tpu.memref_slice %arg5[%dma_start3A] : memref<10000xi32, #tpu.memory_space<vmem>> -> memref<80xi32, #tpu.memory_space<vmem>>
    %dma_start3A_15 = arith.constant 0 : i32
    %dma_start3A_16 = arith.constant 0 : i32
    %dma_start3A_17 = tpu.memref_slice %arg2[%dma_start3A_15, %dma_start3A_16] : memref<10000x128xf32, #tpu.memory_space<hbm>> -> memref<10000x128xf32, #tpu.memory_space<hbm>>
    tpu.enqueue_indirect_dma source(%dma_start3A_17 : memref<10000x128xf32, #tpu.memory_space<hbm>>) target(%arg7 : memref<80x128xf32, #tpu.memory_space<vmem>>) offsets(%dma_start3A_14 : memref<80xi32, #tpu.memory_space<vmem>>) semaphore(%arg10 : memref<!tpu.dma_semaphore, #tpu.memory_space<semaphore_mem>>)
    %dma_start3A_18 = arith.constant 80 : i32
    %dma_start3A_19 = tpu.memref_slice %arg5[%dma_start3A_18] : memref<10000xi32, #tpu.memory_space<vmem>> -> memref<80xi32, #tpu.memory_space<vmem>>
    %dma_start3A_20 = arith.constant 0 : i32
    %dma_start3A_21 = arith.constant 0 : i32
    %dma_start3A_22 = tpu.memref_slice %arg2[%dma_start3A_20, %dma_start3A_21] : memref<10000x128xf32, #tpu.memory_space<hbm>> -> memref<10000x128xf32, #tpu.memory_space<hbm>>
    tpu.enqueue_indirect_dma source(%dma_start3A_22 : memref<10000x128xf32, #tpu.memory_space<hbm>>) target(%arg8 : memref<80x128xf32, #tpu.memory_space<vmem>>) offsets(%dma_start3A_19 : memref<80xi32, #tpu.memory_space<vmem>>) semaphore(%arg11 : memref<!tpu.dma_semaphore, #tpu.memory_space<semaphore_mem>>)
    %barrier3A = arith.constant 0 : index
    tpu.barrier barrier_id(%barrier3A)
    %scan3A = arith.constant 0 : i32
    %scan3A_23 = arith.constant 0 : i32
    %scan3A_24 = arith.constant 41 : i32
    %scan3A_25 = arith.addi %scan3A_23, %scan3A_24 : i32
    %scan3A_26 = arith.constant 1 : i32
    scf.for %scan3A_68 = %scan3A_23 to %scan3A_25 step %scan3A_26  : i32 {
      %mul3A_69 = arith.constant 3 : i32
      %mul3A_70 = arith.muli %scan3A_68, %mul3A_69 : i32
      %add3A_71 = arith.constant 0 : i32
      %add3A_72 = arith.addi %mul3A_70, %add3A_71 : i32
      %mul3A_73 = arith.constant 80 : i32
      %mul3A_74 = arith.muli %add3A_72, %mul3A_73 : i32
      %dma_wait3A_75 = tpu.memref_slice %arg5[%mul3A_74] : memref<10000xi32, #tpu.memory_space<vmem>> -> memref<80xi32, #tpu.memory_space<vmem>>
      %dma_wait3A_76 = arith.constant 0 : i32
      %dma_wait3A_77 = arith.constant 0 : i32
      %dma_wait3A_78 = tpu.memref_slice %arg2[%dma_wait3A_76, %dma_wait3A_77] : memref<10000x128xf32, #tpu.memory_space<hbm>> -> memref<10000x128xf32, #tpu.memory_space<hbm>>
      tpu.wait_indirect_dma semaphore(%arg10 : memref<!tpu.dma_semaphore, #tpu.memory_space<semaphore_mem>>) src(%dma_wait3A_78 : memref<10000x128xf32, #tpu.memory_space<hbm>>) dst(%arg7 : memref<80x128xf32, #tpu.memory_space<vmem>>)
      %ge3A = arith.constant 1 : i32
      %ge3A_79 = arith.cmpi sge, %add3A_72, %ge3A : i32
      %convert_element_type3A_80 = arith.extui %ge3A_79 : i1 to i32
      %cond3A_81 = arith.constant 0 : i32
      %cond3A_82 = arith.cmpi ne, %convert_element_type3A_80, %cond3A_81 : i32
      scf.if %cond3A_82 {
        %sub3A = arith.constant 1 : i32
        %sub3A_151 = arith.subi %add3A_72, %sub3A : i32
        %mul3A_152 = arith.constant 80 : i32
        %mul3A_153 = arith.muli %sub3A_151, %mul3A_152 : i32
        %dma_wait3A_154 = tpu.memref_slice %arg6[%mul3A_153] : memref<10000xi32, #tpu.memory_space<vmem>> -> memref<80xi32, #tpu.memory_space<vmem>>
        %dma_wait3A_155 = arith.constant 0 : i32
        %dma_wait3A_156 = arith.constant 0 : i32
        %dma_wait3A_157 = tpu.memref_slice %arg17[%dma_wait3A_155, %dma_wait3A_156] : memref<10000x128xf32, #tpu.memory_space<vmem_shared>> -> memref<10000x128xf32, #tpu.memory_space<vmem_shared>>
        tpu.wait_indirect_dma semaphore(%arg15 : memref<!tpu.dma_semaphore, #tpu.memory_space<semaphore_mem>>) src(%arg9 : memref<80x128xf32, #tpu.memory_space<vmem>>) dst(%dma_wait3A_157 : memref<10000x128xf32, #tpu.memory_space<vmem_shared>>)
      } else {
      }
      %add3A_83 = arith.constant 2 : i32
      %add3A_84 = arith.addi %add3A_72, %add3A_83 : i32
      %lt3A = arith.constant 125 : i32
      %lt3A_85 = arith.cmpi slt, %add3A_84, %lt3A : i32
      %convert_element_type3A_86 = arith.extui %lt3A_85 : i1 to i32
      %cond3A_87 = arith.constant 0 : i32
      %cond3A_88 = arith.cmpi ne, %convert_element_type3A_86, %cond3A_87 : i32
      scf.if %cond3A_88 {
        %add3A_151 = arith.constant 2 : i32
        %add3A_152 = arith.addi %add3A_72, %add3A_151 : i32
        %mul3A_153 = arith.constant 80 : i32
        %mul3A_154 = arith.muli %add3A_152, %mul3A_153 : i32
        %dma_start3A_155 = tpu.memref_slice %arg5[%mul3A_154] : memref<10000xi32, #tpu.memory_space<vmem>> -> memref<80xi32, #tpu.memory_space<vmem>>
        %dma_start3A_156 = arith.constant 0 : i32
        %dma_start3A_157 = arith.constant 0 : i32
        %dma_start3A_158 = tpu.memref_slice %arg2[%dma_start3A_156, %dma_start3A_157] : memref<10000x128xf32, #tpu.memory_space<hbm>> -> memref<10000x128xf32, #tpu.memory_space<hbm>>
        tpu.enqueue_indirect_dma source(%dma_start3A_158 : memref<10000x128xf32, #tpu.memory_space<hbm>>) target(%arg9 : memref<80x128xf32, #tpu.memory_space<vmem>>) offsets(%dma_start3A_155 : memref<80xi32, #tpu.memory_space<vmem>>) semaphore(%arg12 : memref<!tpu.dma_semaphore, #tpu.memory_space<semaphore_mem>>)
      } else {
      }
      %mul3A_89 = arith.constant 80 : i32
      %mul3A_90 = arith.muli %add3A_72, %mul3A_89 : i32
      %dma_start3A_91 = tpu.memref_slice %arg6[%mul3A_90] : memref<10000xi32, #tpu.memory_space<vmem>> -> memref<80xi32, #tpu.memory_space<vmem>>
      %dma_start3A_92 = arith.constant 0 : i32
      %dma_start3A_93 = arith.constant 0 : i32
      %dma_start3A_94 = tpu.memref_slice %arg17[%dma_start3A_92, %dma_start3A_93] : memref<10000x128xf32, #tpu.memory_space<vmem_shared>> -> memref<10000x128xf32, #tpu.memory_space<vmem_shared>>
      tpu.enqueue_indirect_dma source(%arg7 : memref<80x128xf32, #tpu.memory_space<vmem>>) target(%dma_start3A_94 : memref<10000x128xf32, #tpu.memory_space<vmem_shared>>) offsets(%dma_start3A_91 : memref<80xi32, #tpu.memory_space<vmem>>) semaphore(%arg13 : memref<!tpu.dma_semaphore, #tpu.memory_space<semaphore_mem>>) {add = true}
      %mul3A_95 = arith.constant 3 : i32
      %mul3A_96 = arith.muli %scan3A_68, %mul3A_95 : i32
      %add3A_97 = arith.constant 1 : i32
      %add3A_98 = arith.addi %mul3A_96, %add3A_97 : i32
      %mul3A_99 = arith.constant 80 : i32
      %mul3A_100 = arith.muli %add3A_98, %mul3A_99 : i32
      %dma_wait3A_101 = tpu.memref_slice %arg5[%mul3A_100] : memref<10000xi32, #tpu.memory_space<vmem>> -> memref<80xi32, #tpu.memory_space<vmem>>
      %dma_wait3A_102 = arith.constant 0 : i32
      %dma_wait3A_103 = arith.constant 0 : i32
      %dma_wait3A_104 = tpu.memref_slice %arg2[%dma_wait3A_102, %dma_wait3A_103] : memref<10000x128xf32, #tpu.memory_space<hbm>> -> memref<10000x128xf32, #tpu.memory_space<hbm>>
      tpu.wait_indirect_dma semaphore(%arg11 : memref<!tpu.dma_semaphore, #tpu.memory_space<semaphore_mem>>) src(%dma_wait3A_104 : memref<10000x128xf32, #tpu.memory_space<hbm>>) dst(%arg8 : memref<80x128xf32, #tpu.memory_space<vmem>>)
      %ge3A_105 = arith.constant 1 : i32
      %ge3A_106 = arith.cmpi sge, %add3A_98, %ge3A_105 : i32
      %convert_element_type3A_107 = arith.extui %ge3A_106 : i1 to i32
      %cond3A_108 = arith.constant 0 : i32
      %cond3A_109 = arith.cmpi ne, %convert_element_type3A_107, %cond3A_108 : i32
      scf.if %cond3A_109 {
        %sub3A = arith.constant 1 : i32
        %sub3A_151 = arith.subi %add3A_98, %sub3A : i32
        %mul3A_152 = arith.constant 80 : i32
        %mul3A_153 = arith.muli %sub3A_151, %mul3A_152 : i32
        %dma_wait3A_154 = tpu.memref_slice %arg6[%mul3A_153] : memref<10000xi32, #tpu.memory_space<vmem>> -> memref<80xi32, #tpu.memory_space<vmem>>
        %dma_wait3A_155 = arith.constant 0 : i32
        %dma_wait3A_156 = arith.constant 0 : i32
        %dma_wait3A_157 = tpu.memref_slice %arg17[%dma_wait3A_155, %dma_wait3A_156] : memref<10000x128xf32, #tpu.memory_space<vmem_shared>> -> memref<10000x128xf32, #tpu.memory_space<vmem_shared>>
        tpu.wait_indirect_dma semaphore(%arg13 : memref<!tpu.dma_semaphore, #tpu.memory_space<semaphore_mem>>) src(%arg7 : memref<80x128xf32, #tpu.memory_space<vmem>>) dst(%dma_wait3A_157 : memref<10000x128xf32, #tpu.memory_space<vmem_shared>>)
      } else {
      }
      %add3A_110 = arith.constant 2 : i32
      %add3A_111 = arith.addi %add3A_98, %add3A_110 : i32
      %lt3A_112 = arith.constant 125 : i32
      %lt3A_113 = arith.cmpi slt, %add3A_111, %lt3A_112 : i32
      %convert_element_type3A_114 = arith.extui %lt3A_113 : i1 to i32
      %cond3A_115 = arith.constant 0 : i32
      %cond3A_116 = arith.cmpi ne, %convert_element_type3A_114, %cond3A_115 : i32
      scf.if %cond3A_116 {
        %add3A_151 = arith.constant 2 : i32
        %add3A_152 = arith.addi %add3A_98, %add3A_151 : i32
        %mul3A_153 = arith.constant 80 : i32
        %mul3A_154 = arith.muli %add3A_152, %mul3A_153 : i32
        %dma_start3A_155 = tpu.memref_slice %arg5[%mul3A_154] : memref<10000xi32, #tpu.memory_space<vmem>> -> memref<80xi32, #tpu.memory_space<vmem>>
        %dma_start3A_156 = arith.constant 0 : i32
        %dma_start3A_157 = arith.constant 0 : i32
        %dma_start3A_158 = tpu.memref_slice %arg2[%dma_start3A_156, %dma_start3A_157] : memref<10000x128xf32, #tpu.memory_space<hbm>> -> memref<10000x128xf32, #tpu.memory_space<hbm>>
        tpu.enqueue_indirect_dma source(%dma_start3A_158 : memref<10000x128xf32, #tpu.memory_space<hbm>>) target(%arg7 : memref<80x128xf32, #tpu.memory_space<vmem>>) offsets(%dma_start3A_155 : memref<80xi32, #tpu.memory_space<vmem>>) semaphore(%arg10 : memref<!tpu.dma_semaphore, #tpu.memory_space<semaphore_mem>>)
      } else {
      }
      %mul3A_117 = arith.constant 80 : i32
      %mul3A_118 = arith.muli %add3A_98, %mul3A_117 : i32
      %dma_start3A_119 = tpu.memref_slice %arg6[%mul3A_118] : memref<10000xi32, #tpu.memory_space<vmem>> -> memref<80xi32, #tpu.memory_space<vmem>>
      %dma_start3A_120 = arith.constant 0 : i32
      %dma_start3A_121 = arith.constant 0 : i32
      %dma_start3A_122 = tpu.memref_slice %arg17[%dma_start3A_120, %dma_start3A_121] : memref<10000x128xf32, #tpu.memory_space<vmem_shared>> -> memref<10000x128xf32, #tpu.memory_space<vmem_shared>>
      tpu.enqueue_indirect_dma source(%arg8 : memref<80x128xf32, #tpu.memory_space<vmem>>) target(%dma_start3A_122 : memref<10000x128xf32, #tpu.memory_space<vmem_shared>>) offsets(%dma_start3A_119 : memref<80xi32, #tpu.memory_space<vmem>>) semaphore(%arg14 : memref<!tpu.dma_semaphore, #tpu.memory_space<semaphore_mem>>) {add = true}
      %mul3A_123 = arith.constant 3 : i32
      %mul3A_124 = arith.muli %scan3A_68, %mul3A_123 : i32
      %add3A_125 = arith.constant 2 : i32
      %add3A_126 = arith.addi %mul3A_124, %add3A_125 : i32
      %mul3A_127 = arith.constant 80 : i32
      %mul3A_128 = arith.muli %add3A_126, %mul3A_127 : i32
      %dma_wait3A_129 = tpu.memref_slice %arg5[%mul3A_128] : memref<10000xi32, #tpu.memory_space<vmem>> -> memref<80xi32, #tpu.memory_space<vmem>>
      %dma_wait3A_130 = arith.constant 0 : i32
      %dma_wait3A_131 = arith.constant 0 : i32
      %dma_wait3A_132 = tpu.memref_slice %arg2[%dma_wait3A_130, %dma_wait3A_131] : memref<10000x128xf32, #tpu.memory_space<hbm>> -> memref<10000x128xf32, #tpu.memory_space<hbm>>
      tpu.wait_indirect_dma semaphore(%arg12 : memref<!tpu.dma_semaphore, #tpu.memory_space<semaphore_mem>>) src(%dma_wait3A_132 : memref<10000x128xf32, #tpu.memory_space<hbm>>) dst(%arg9 : memref<80x128xf32, #tpu.memory_space<vmem>>)
      %ge3A_133 = arith.constant 1 : i32
      %ge3A_134 = arith.cmpi sge, %add3A_126, %ge3A_133 : i32
      %convert_element_type3A_135 = arith.extui %ge3A_134 : i1 to i32
      %cond3A_136 = arith.constant 0 : i32
      %cond3A_137 = arith.cmpi ne, %convert_element_type3A_135, %cond3A_136 : i32
      scf.if %cond3A_137 {
        %sub3A = arith.constant 1 : i32
        %sub3A_151 = arith.subi %add3A_126, %sub3A : i32
        %mul3A_152 = arith.constant 80 : i32
        %mul3A_153 = arith.muli %sub3A_151, %mul3A_152 : i32
        %dma_wait3A_154 = tpu.memref_slice %arg6[%mul3A_153] : memref<10000xi32, #tpu.memory_space<vmem>> -> memref<80xi32, #tpu.memory_space<vmem>>
        %dma_wait3A_155 = arith.constant 0 : i32
        %dma_wait3A_156 = arith.constant 0 : i32
        %dma_wait3A_157 = tpu.memref_slice %arg17[%dma_wait3A_155, %dma_wait3A_156] : memref<10000x128xf32, #tpu.memory_space<vmem_shared>> -> memref<10000x128xf32, #tpu.memory_space<vmem_shared>>
        tpu.wait_indirect_dma semaphore(%arg14 : memref<!tpu.dma_semaphore, #tpu.memory_space<semaphore_mem>>) src(%arg8 : memref<80x128xf32, #tpu.memory_space<vmem>>) dst(%dma_wait3A_157 : memref<10000x128xf32, #tpu.memory_space<vmem_shared>>)
      } else {
      }
      %add3A_138 = arith.constant 2 : i32
      %add3A_139 = arith.addi %add3A_126, %add3A_138 : i32
      %lt3A_140 = arith.constant 125 : i32
      %lt3A_141 = arith.cmpi slt, %add3A_139, %lt3A_140 : i32
      %convert_element_type3A_142 = arith.extui %lt3A_141 : i1 to i32
      %cond3A_143 = arith.constant 0 : i32
      %cond3A_144 = arith.cmpi ne, %convert_element_type3A_142, %cond3A_143 : i32
      scf.if %cond3A_144 {
        %add3A_151 = arith.constant 2 : i32
        %add3A_152 = arith.addi %add3A_126, %add3A_151 : i32
        %mul3A_153 = arith.constant 80 : i32
        %mul3A_154 = arith.muli %add3A_152, %mul3A_153 : i32
        %dma_start3A_155 = tpu.memref_slice %arg5[%mul3A_154] : memref<10000xi32, #tpu.memory_space<vmem>> -> memref<80xi32, #tpu.memory_space<vmem>>
        %dma_start3A_156 = arith.constant 0 : i32
        %dma_start3A_157 = arith.constant 0 : i32
        %dma_start3A_158 = tpu.memref_slice %arg2[%dma_start3A_156, %dma_start3A_157] : memref<10000x128xf32, #tpu.memory_space<hbm>> -> memref<10000x128xf32, #tpu.memory_space<hbm>>
        tpu.enqueue_indirect_dma source(%dma_start3A_158 : memref<10000x128xf32, #tpu.memory_space<hbm>>) target(%arg8 : memref<80x128xf32, #tpu.memory_space<vmem>>) offsets(%dma_start3A_155 : memref<80xi32, #tpu.memory_space<vmem>>) semaphore(%arg11 : memref<!tpu.dma_semaphore, #tpu.memory_space<semaphore_mem>>)
      } else {
      }
      %mul3A_145 = arith.constant 80 : i32
      %mul3A_146 = arith.muli %add3A_126, %mul3A_145 : i32
      %dma_start3A_147 = tpu.memref_slice %arg6[%mul3A_146] : memref<10000xi32, #tpu.memory_space<vmem>> -> memref<80xi32, #tpu.memory_space<vmem>>
      %dma_start3A_148 = arith.constant 0 : i32
      %dma_start3A_149 = arith.constant 0 : i32
      %dma_start3A_150 = tpu.memref_slice %arg17[%dma_start3A_148, %dma_start3A_149] : memref<10000x128xf32, #tpu.memory_space<vmem_shared>> -> memref<10000x128xf32, #tpu.memory_space<vmem_shared>>
      tpu.enqueue_indirect_dma source(%arg9 : memref<80x128xf32, #tpu.memory_space<vmem>>) target(%dma_start3A_150 : memref<10000x128xf32, #tpu.memory_space<vmem_shared>>) offsets(%dma_start3A_147 : memref<80xi32, #tpu.memory_space<vmem>>) semaphore(%arg15 : memref<!tpu.dma_semaphore, #tpu.memory_space<semaphore_mem>>) {add = true}
    }
    %scan3A_27 = arith.constant 41 : i32
    %dma_wait3A = arith.constant 9840 : i32
    %dma_wait3A_28 = tpu.memref_slice %arg5[%dma_wait3A] : memref<10000xi32, #tpu.memory_space<vmem>> -> memref<80xi32, #tpu.memory_space<vmem>>
    %dma_wait3A_29 = arith.constant 0 : i32
    %dma_wait3A_30 = arith.constant 0 : i32
    %dma_wait3A_31 = tpu.memref_slice %arg2[%dma_wait3A_29, %dma_wait3A_30] : memref<10000x128xf32, #tpu.memory_space<hbm>> -> memref<10000x128xf32, #tpu.memory_space<hbm>>
    tpu.wait_indirect_dma semaphore(%arg10 : memref<!tpu.dma_semaphore, #tpu.memory_space<semaphore_mem>>) src(%dma_wait3A_31 : memref<10000x128xf32, #tpu.memory_space<hbm>>) dst(%arg7 : memref<80x128xf32, #tpu.memory_space<vmem>>)
    %dma_wait3A_32 = arith.constant 9760 : i32
    %dma_wait3A_33 = tpu.memref_slice %arg6[%dma_wait3A_32] : memref<10000xi32, #tpu.memory_space<vmem>> -> memref<80xi32, #tpu.memory_space<vmem>>
    %dma_wait3A_34 = arith.constant 0 : i32
    %dma_wait3A_35 = arith.constant 0 : i32
    %dma_wait3A_36 = tpu.memref_slice %arg17[%dma_wait3A_34, %dma_wait3A_35] : memref<10000x128xf32, #tpu.memory_space<vmem_shared>> -> memref<10000x128xf32, #tpu.memory_space<vmem_shared>>
    tpu.wait_indirect_dma semaphore(%arg15 : memref<!tpu.dma_semaphore, #tpu.memory_space<semaphore_mem>>) src(%arg9 : memref<80x128xf32, #tpu.memory_space<vmem>>) dst(%dma_wait3A_36 : memref<10000x128xf32, #tpu.memory_space<vmem_shared>>)
    %dma_start3A_37 = arith.constant 9840 : i32
    %dma_start3A_38 = tpu.memref_slice %arg6[%dma_start3A_37] : memref<10000xi32, #tpu.memory_space<vmem>> -> memref<80xi32, #tpu.memory_space<vmem>>
    %dma_start3A_39 = arith.constant 0 : i32
    %dma_start3A_40 = arith.constant 0 : i32
    %dma_start3A_41 = tpu.memref_slice %arg17[%dma_start3A_39, %dma_start3A_40] : memref<10000x128xf32, #tpu.memory_space<vmem_shared>> -> memref<10000x128xf32, #tpu.memory_space<vmem_shared>>
    tpu.enqueue_indirect_dma source(%arg7 : memref<80x128xf32, #tpu.memory_space<vmem>>) target(%dma_start3A_41 : memref<10000x128xf32, #tpu.memory_space<vmem_shared>>) offsets(%dma_start3A_38 : memref<80xi32, #tpu.memory_space<vmem>>) semaphore(%arg13 : memref<!tpu.dma_semaphore, #tpu.memory_space<semaphore_mem>>) {add = true}
    %dma_wait3A_42 = arith.constant 9920 : i32
    %dma_wait3A_43 = tpu.memref_slice %arg5[%dma_wait3A_42] : memref<10000xi32, #tpu.memory_space<vmem>> -> memref<80xi32, #tpu.memory_space<vmem>>
    %dma_wait3A_44 = arith.constant 0 : i32
    %dma_wait3A_45 = arith.constant 0 : i32
    %dma_wait3A_46 = tpu.memref_slice %arg2[%dma_wait3A_44, %dma_wait3A_45] : memref<10000x128xf32, #tpu.memory_space<hbm>> -> memref<10000x128xf32, #tpu.memory_space<hbm>>
    tpu.wait_indirect_dma semaphore(%arg11 : memref<!tpu.dma_semaphore, #tpu.memory_space<semaphore_mem>>) src(%dma_wait3A_46 : memref<10000x128xf32, #tpu.memory_space<hbm>>) dst(%arg8 : memref<80x128xf32, #tpu.memory_space<vmem>>)
    %dma_wait3A_47 = arith.constant 9840 : i32
    %dma_wait3A_48 = tpu.memref_slice %arg6[%dma_wait3A_47] : memref<10000xi32, #tpu.memory_space<vmem>> -> memref<80xi32, #tpu.memory_space<vmem>>
    %dma_wait3A_49 = arith.constant 0 : i32
    %dma_wait3A_50 = arith.constant 0 : i32
    %dma_wait3A_51 = tpu.memref_slice %arg17[%dma_wait3A_49, %dma_wait3A_50] : memref<10000x128xf32, #tpu.memory_space<vmem_shared>> -> memref<10000x128xf32, #tpu.memory_space<vmem_shared>>
    tpu.wait_indirect_dma semaphore(%arg13 : memref<!tpu.dma_semaphore, #tpu.memory_space<semaphore_mem>>) src(%arg7 : memref<80x128xf32, #tpu.memory_space<vmem>>) dst(%dma_wait3A_51 : memref<10000x128xf32, #tpu.memory_space<vmem_shared>>)
    %dma_start3A_52 = arith.constant 9920 : i32
    %dma_start3A_53 = tpu.memref_slice %arg6[%dma_start3A_52] : memref<10000xi32, #tpu.memory_space<vmem>> -> memref<80xi32, #tpu.memory_space<vmem>>
    %dma_start3A_54 = arith.constant 0 : i32
    %dma_start3A_55 = arith.constant 0 : i32
    %dma_start3A_56 = tpu.memref_slice %arg17[%dma_start3A_54, %dma_start3A_55] : memref<10000x128xf32, #tpu.memory_space<vmem_shared>> -> memref<10000x128xf32, #tpu.memory_space<vmem_shared>>
    tpu.enqueue_indirect_dma source(%arg8 : memref<80x128xf32, #tpu.memory_space<vmem>>) target(%dma_start3A_56 : memref<10000x128xf32, #tpu.memory_space<vmem_shared>>) offsets(%dma_start3A_53 : memref<80xi32, #tpu.memory_space<vmem>>) semaphore(%arg14 : memref<!tpu.dma_semaphore, #tpu.memory_space<semaphore_mem>>) {add = true}
    %dma_wait3A_57 = arith.constant 9920 : i32
    %dma_wait3A_58 = tpu.memref_slice %arg6[%dma_wait3A_57] : memref<10000xi32, #tpu.memory_space<vmem>> -> memref<80xi32, #tpu.memory_space<vmem>>
    %dma_wait3A_59 = arith.constant 0 : i32
    %dma_wait3A_60 = arith.constant 0 : i32
    %dma_wait3A_61 = tpu.memref_slice %arg17[%dma_wait3A_59, %dma_wait3A_60] : memref<10000x128xf32, #tpu.memory_space<vmem_shared>> -> memref<10000x128xf32, #tpu.memory_space<vmem_shared>>
    tpu.wait_indirect_dma semaphore(%arg14 : memref<!tpu.dma_semaphore, #tpu.memory_space<semaphore_mem>>) src(%arg8 : memref<80x128xf32, #tpu.memory_space<vmem>>) dst(%dma_wait3A_61 : memref<10000x128xf32, #tpu.memory_space<vmem_shared>>)
    %barrier3A_62 = arith.constant 0 : index
    tpu.barrier barrier_id(%barrier3A_62)
    %eq3A_63 = arith.constant 0 : i32
    %eq3A_64 = arith.cmpi eq, %arg1, %eq3A_63 : i32
    %convert_element_type3A_65 = arith.extui %eq3A_64 : i1 to i32
    %cond3A_66 = arith.constant 0 : i32
    %cond3A_67 = arith.cmpi ne, %convert_element_type3A_65, %cond3A_66 : i32
    scf.if %cond3A_67 {
      "tpu.region"() ({
        %run_scoped3A = tpu.sem_alloc : memref<!tpu.dma_semaphore, #tpu.memory_space<semaphore_mem>>
        %dma_start3A_68 = arith.constant 0 : i32
        %dma_start3A_69 = arith.constant 0 : i32
        %dma_start3A_70 = tpu.memref_slice %arg4[%arg0, %dma_start3A_68, %dma_start3A_69] : memref<2x10000x128xf32, #tpu.memory_space<hbm>> -> memref<1x10000x128xf32, #tpu.memory_space<hbm>>
        %dma_start3A_71 = tpu.memref_squeeze %dma_start3A_70 : memref<1x10000x128xf32, #tpu.memory_space<hbm>> -> memref<10000x128xf32, #tpu.memory_space<hbm>>
        tpu.enqueue_dma source(%arg17 : memref<10000x128xf32, #tpu.memory_space<vmem_shared>>) target(%dma_start3A_71 : memref<10000x128xf32, #tpu.memory_space<hbm>>) target_semaphore(%run_scoped3A : memref<!tpu.dma_semaphore, #tpu.memory_space<semaphore_mem>>)
        %dma_wait3A_72 = arith.constant 0 : i32
        %dma_wait3A_73 = arith.constant 0 : i32
        %dma_wait3A_74 = tpu.memref_slice %arg4[%arg0, %dma_wait3A_72, %dma_wait3A_73] : memref<2x10000x128xf32, #tpu.memory_space<hbm>> -> memref<1x10000x128xf32, #tpu.memory_space<hbm>>
        %dma_wait3A_75 = tpu.memref_squeeze %dma_wait3A_74 : memref<1x10000x128xf32, #tpu.memory_space<hbm>> -> memref<10000x128xf32, #tpu.memory_space<hbm>>
        tpu.wait_dma2 semaphore(%run_scoped3A : memref<!tpu.dma_semaphore, #tpu.memory_space<semaphore_mem>>) src(%arg17 : memref<10000x128xf32, #tpu.memory_space<vmem_shared>>) dst(%dma_wait3A_75 : memref<10000x128xf32, #tpu.memory_space<hbm>>)
        tpu.yield
      }) : () -> ()
    } else {
    }
    return
  }
}

#map = affine_map<(d0, d1) -> (0, 0)>
#map1 = affine_map<(d0, d1) -> (0)>
#map2 = affine_map<(d0, d1) -> (0, 0, 0)>
module attributes {stable_mosaic.version = 14 : i64} {
  func.func @_segsum_body(%arg0: i32, %arg1: i32, %arg2: memref<10000x128xf32, #tpu.memory_space<hbm>>, %arg3: memref<640000xi32, #tpu.memory_space<hbm>>, %arg4: memref<2x10000x128xf32, #tpu.memory_space<hbm>>, %arg5: memref<10000xi32, #tpu.memory_space<vmem>>, %arg6: memref<10000xi32, #tpu.memory_space<vmem>>, %arg7: memref<80x128xf32, #tpu.memory_space<vmem>>, %arg8: memref<80x128xf32, #tpu.memory_space<vmem>>, %arg9: memref<80x128xf32, #tpu.memory_space<vmem>>, %arg10: memref<!tpu.dma_semaphore, #tpu.memory_space<semaphore_mem>>, %arg11: memref<!tpu.dma_semaphore, #tpu.memory_space<semaphore_mem>>, %arg12: memref<!tpu.dma_semaphore, #tpu.memory_space<semaphore_mem>>, %arg13: memref<!tpu.dma_semaphore, #tpu.memory_space<semaphore_mem>>, %arg14: memref<!tpu.dma_semaphore, #tpu.memory_space<semaphore_mem>>, %arg15: memref<!tpu.dma_semaphore, #tpu.memory_space<semaphore_mem>>, %arg16: memref<!tpu.dma_semaphore, #tpu.memory_space<semaphore_mem>>, %arg17: memref<10000x128xf32, #tpu.memory_space<vmem_shared>>) attributes {dimension_semantics = [#tpu.dimension_semantics<core_parallel>, #tpu.dimension_semantics<subcore_parallel>], iteration_bounds = array<i64: 2, 16>, scalar_prefetch = 0 : i64, scratch_operands = 13 : i64, tpu.core_type = #tpu.core_type<sc_vector_subcore>, window_params = [{transform_indices = #map}, {transform_indices = #map1}, {transform_indices = #map2}]} {
    %mul3A = arith.constant 16 : i32
    %mul3A_0 = arith.muli %arg0, %mul3A : i32
    %add3A = arith.addi %mul3A_0, %arg1 : i32
    %eq3A = arith.constant 0 : i32
    %eq3A_1 = arith.cmpi eq, %arg1, %eq3A : i32
    %convert_element_type3A = arith.extui %eq3A_1 : i1 to i32
    %cond3A = arith.constant 0 : i32
    %cond3A_2 = arith.cmpi ne, %convert_element_type3A, %cond3A : i32
    scf.if %cond3A_2 {
      tpu.enqueue_dma source(%arg2 : memref<10000x128xf32, #tpu.memory_space<hbm>>) target(%arg17 : memref<10000x128xf32, #tpu.memory_space<vmem_shared>>) target_semaphore(%arg16 : memref<!tpu.dma_semaphore, #tpu.memory_space<semaphore_mem>>)
    } else {
    }
    %mul3A_3 = arith.constant 10000 : i32
    %mul3A_4 = arith.muli %add3A, %mul3A_3 : i32
    "tpu.region"() ({
      %run_scoped3A = tpu.sem_alloc : memref<!tpu.dma_semaphore, #tpu.memory_space<semaphore_mem>>
      %dma_start3A_68 = tpu.memref_slice %arg3[%mul3A_4] : memref<640000xi32, #tpu.memory_space<hbm>> -> memref<10000xi32, #tpu.memory_space<hbm>>
      %dma_start3A_69 = tpu.memref_slice %arg3[%mul3A_4] : memref<640000xi32, #tpu.memory_space<hbm>> -> memref<10000xi32, #tpu.memory_space<hbm>>
      tpu.enqueue_dma source(%dma_start3A_69 : memref<10000xi32, #tpu.memory_space<hbm>>) target(%arg5 : memref<10000xi32, #tpu.memory_space<vmem>>) target_semaphore(%run_scoped3A : memref<!tpu.dma_semaphore, #tpu.memory_space<semaphore_mem>>)
      %dma_wait3A_70 = tpu.memref_slice %arg3[%mul3A_4] : memref<640000xi32, #tpu.memory_space<hbm>> -> memref<10000xi32, #tpu.memory_space<hbm>>
      %dma_wait3A_71 = tpu.memref_slice %arg3[%mul3A_4] : memref<640000xi32, #tpu.memory_space<hbm>> -> memref<10000xi32, #tpu.memory_space<hbm>>
      tpu.wait_dma2 semaphore(%run_scoped3A : memref<!tpu.dma_semaphore, #tpu.memory_space<semaphore_mem>>) src(%dma_wait3A_71 : memref<10000xi32, #tpu.memory_space<hbm>>) dst(%arg5 : memref<10000xi32, #tpu.memory_space<vmem>>)
      tpu.yield
    }) : () -> ()
    %mul3A_5 = arith.constant 10000 : i32
    %mul3A_6 = arith.muli %add3A, %mul3A_5 : i32
    %add3A_7 = arith.constant 320000 : i32
    %add3A_8 = arith.addi %add3A_7, %mul3A_6 : i32
    "tpu.region"() ({
      %run_scoped3A = tpu.sem_alloc : memref<!tpu.dma_semaphore, #tpu.memory_space<semaphore_mem>>
      %dma_start3A_68 = tpu.memref_slice %arg3[%add3A_8] : memref<640000xi32, #tpu.memory_space<hbm>> -> memref<10000xi32, #tpu.memory_space<hbm>>
      %dma_start3A_69 = tpu.memref_slice %arg3[%add3A_8] : memref<640000xi32, #tpu.memory_space<hbm>> -> memref<10000xi32, #tpu.memory_space<hbm>>
      tpu.enqueue_dma source(%dma_start3A_69 : memref<10000xi32, #tpu.memory_space<hbm>>) target(%arg6 : memref<10000xi32, #tpu.memory_space<vmem>>) target_semaphore(%run_scoped3A : memref<!tpu.dma_semaphore, #tpu.memory_space<semaphore_mem>>)
      %dma_wait3A_70 = tpu.memref_slice %arg3[%add3A_8] : memref<640000xi32, #tpu.memory_space<hbm>> -> memref<10000xi32, #tpu.memory_space<hbm>>
      %dma_wait3A_71 = tpu.memref_slice %arg3[%add3A_8] : memref<640000xi32, #tpu.memory_space<hbm>> -> memref<10000xi32, #tpu.memory_space<hbm>>
      tpu.wait_dma2 semaphore(%run_scoped3A : memref<!tpu.dma_semaphore, #tpu.memory_space<semaphore_mem>>) src(%dma_wait3A_71 : memref<10000xi32, #tpu.memory_space<hbm>>) dst(%arg6 : memref<10000xi32, #tpu.memory_space<vmem>>)
      tpu.yield
    }) : () -> ()
    %eq3A_9 = arith.constant 0 : i32
    %eq3A_10 = arith.cmpi eq, %arg1, %eq3A_9 : i32
    %convert_element_type3A_11 = arith.extui %eq3A_10 : i1 to i32
    %cond3A_12 = arith.constant 0 : i32
    %cond3A_13 = arith.cmpi ne, %convert_element_type3A_11, %cond3A_12 : i32
    scf.if %cond3A_13 {
      tpu.wait_dma2 semaphore(%arg16 : memref<!tpu.dma_semaphore, #tpu.memory_space<semaphore_mem>>) src(%arg2 : memref<10000x128xf32, #tpu.memory_space<hbm>>) dst(%arg17 : memref<10000x128xf32, #tpu.memory_space<vmem_shared>>)
    } else {
    }
    %dma_start3A = arith.constant 0 : i32
    %dma_start3A_14 = tpu.memref_slice %arg5[%dma_start3A] : memref<10000xi32, #tpu.memory_space<vmem>> -> memref<80xi32, #tpu.memory_space<vmem>>
    %dma_start3A_15 = arith.constant 0 : i32
    %dma_start3A_16 = arith.constant 0 : i32
    %dma_start3A_17 = tpu.memref_slice %arg2[%dma_start3A_15, %dma_start3A_16] : memref<10000x128xf32, #tpu.memory_space<hbm>> -> memref<10000x128xf32, #tpu.memory_space<hbm>>
    tpu.enqueue_indirect_dma source(%dma_start3A_17 : memref<10000x128xf32, #tpu.memory_space<hbm>>) target(%arg7 : memref<80x128xf32, #tpu.memory_space<vmem>>) offsets(%dma_start3A_14 : memref<80xi32, #tpu.memory_space<vmem>>) semaphore(%arg10 : memref<!tpu.dma_semaphore, #tpu.memory_space<semaphore_mem>>)
    %dma_start3A_18 = arith.constant 80 : i32
    %dma_start3A_19 = tpu.memref_slice %arg5[%dma_start3A_18] : memref<10000xi32, #tpu.memory_space<vmem>> -> memref<80xi32, #tpu.memory_space<vmem>>
    %dma_start3A_20 = arith.constant 0 : i32
    %dma_start3A_21 = arith.constant 0 : i32
    %dma_start3A_22 = tpu.memref_slice %arg2[%dma_start3A_20, %dma_start3A_21] : memref<10000x128xf32, #tpu.memory_space<hbm>> -> memref<10000x128xf32, #tpu.memory_space<hbm>>
    tpu.enqueue_indirect_dma source(%dma_start3A_22 : memref<10000x128xf32, #tpu.memory_space<hbm>>) target(%arg8 : memref<80x128xf32, #tpu.memory_space<vmem>>) offsets(%dma_start3A_19 : memref<80xi32, #tpu.memory_space<vmem>>) semaphore(%arg11 : memref<!tpu.dma_semaphore, #tpu.memory_space<semaphore_mem>>)
    %barrier3A = arith.constant 0 : index
    tpu.barrier barrier_id(%barrier3A)
    %scan3A = arith.constant 0 : i32
    %scan3A_23 = arith.constant 0 : i32
    %scan3A_24 = arith.constant 41 : i32
    %scan3A_25 = arith.addi %scan3A_23, %scan3A_24 : i32
    %scan3A_26 = arith.constant 1 : i32
    scf.for %scan3A_68 = %scan3A_23 to %scan3A_25 step %scan3A_26  : i32 {
      %mul3A_69 = arith.constant 3 : i32
      %mul3A_70 = arith.muli %scan3A_68, %mul3A_69 : i32
      %add3A_71 = arith.constant 0 : i32
      %add3A_72 = arith.addi %mul3A_70, %add3A_71 : i32
      %mul3A_73 = arith.constant 80 : i32
      %mul3A_74 = arith.muli %add3A_72, %mul3A_73 : i32
      %dma_wait3A_75 = tpu.memref_slice %arg5[%mul3A_74] : memref<10000xi32, #tpu.memory_space<vmem>> -> memref<80xi32, #tpu.memory_space<vmem>>
      %dma_wait3A_76 = arith.constant 0 : i32
      %dma_wait3A_77 = arith.constant 0 : i32
      %dma_wait3A_78 = tpu.memref_slice %arg2[%dma_wait3A_76, %dma_wait3A_77] : memref<10000x128xf32, #tpu.memory_space<hbm>> -> memref<10000x128xf32, #tpu.memory_space<hbm>>
      tpu.wait_indirect_dma semaphore(%arg10 : memref<!tpu.dma_semaphore, #tpu.memory_space<semaphore_mem>>) src(%dma_wait3A_78 : memref<10000x128xf32, #tpu.memory_space<hbm>>) dst(%arg7 : memref<80x128xf32, #tpu.memory_space<vmem>>)
      %ge3A = arith.constant 1 : i32
      %ge3A_79 = arith.cmpi sge, %add3A_72, %ge3A : i32
      %convert_element_type3A_80 = arith.extui %ge3A_79 : i1 to i32
      %cond3A_81 = arith.constant 0 : i32
      %cond3A_82 = arith.cmpi ne, %convert_element_type3A_80, %cond3A_81 : i32
      scf.if %cond3A_82 {
        %sub3A = arith.constant 1 : i32
        %sub3A_151 = arith.subi %add3A_72, %sub3A : i32
        %mul3A_152 = arith.constant 80 : i32
        %mul3A_153 = arith.muli %sub3A_151, %mul3A_152 : i32
        %dma_wait3A_154 = tpu.memref_slice %arg6[%mul3A_153] : memref<10000xi32, #tpu.memory_space<vmem>> -> memref<80xi32, #tpu.memory_space<vmem>>
        %dma_wait3A_155 = arith.constant 0 : i32
        %dma_wait3A_156 = arith.constant 0 : i32
        %dma_wait3A_157 = tpu.memref_slice %arg17[%dma_wait3A_155, %dma_wait3A_156] : memref<10000x128xf32, #tpu.memory_space<vmem_shared>> -> memref<10000x128xf32, #tpu.memory_space<vmem_shared>>
        tpu.wait_indirect_dma semaphore(%arg15 : memref<!tpu.dma_semaphore, #tpu.memory_space<semaphore_mem>>) src(%arg9 : memref<80x128xf32, #tpu.memory_space<vmem>>) dst(%dma_wait3A_157 : memref<10000x128xf32, #tpu.memory_space<vmem_shared>>)
      } else {
      }
      %add3A_83 = arith.constant 2 : i32
      %add3A_84 = arith.addi %add3A_72, %add3A_83 : i32
      %lt3A = arith.constant 125 : i32
      %lt3A_85 = arith.cmpi slt, %add3A_84, %lt3A : i32
      %convert_element_type3A_86 = arith.extui %lt3A_85 : i1 to i32
      %cond3A_87 = arith.constant 0 : i32
      %cond3A_88 = arith.cmpi ne, %convert_element_type3A_86, %cond3A_87 : i32
      scf.if %cond3A_88 {
        %add3A_151 = arith.constant 2 : i32
        %add3A_152 = arith.addi %add3A_72, %add3A_151 : i32
        %mul3A_153 = arith.constant 80 : i32
        %mul3A_154 = arith.muli %add3A_152, %mul3A_153 : i32
        %dma_start3A_155 = tpu.memref_slice %arg5[%mul3A_154] : memref<10000xi32, #tpu.memory_space<vmem>> -> memref<80xi32, #tpu.memory_space<vmem>>
        %dma_start3A_156 = arith.constant 0 : i32
        %dma_start3A_157 = arith.constant 0 : i32
        %dma_start3A_158 = tpu.memref_slice %arg2[%dma_start3A_156, %dma_start3A_157] : memref<10000x128xf32, #tpu.memory_space<hbm>> -> memref<10000x128xf32, #tpu.memory_space<hbm>>
        tpu.enqueue_indirect_dma source(%dma_start3A_158 : memref<10000x128xf32, #tpu.memory_space<hbm>>) target(%arg9 : memref<80x128xf32, #tpu.memory_space<vmem>>) offsets(%dma_start3A_155 : memref<80xi32, #tpu.memory_space<vmem>>) semaphore(%arg12 : memref<!tpu.dma_semaphore, #tpu.memory_space<semaphore_mem>>)
      } else {
      }
      %mul3A_89 = arith.constant 80 : i32
      %mul3A_90 = arith.muli %add3A_72, %mul3A_89 : i32
      %dma_start3A_91 = tpu.memref_slice %arg6[%mul3A_90] : memref<10000xi32, #tpu.memory_space<vmem>> -> memref<80xi32, #tpu.memory_space<vmem>>
      %dma_start3A_92 = arith.constant 0 : i32
      %dma_start3A_93 = arith.constant 0 : i32
      %dma_start3A_94 = tpu.memref_slice %arg17[%dma_start3A_92, %dma_start3A_93] : memref<10000x128xf32, #tpu.memory_space<vmem_shared>> -> memref<10000x128xf32, #tpu.memory_space<vmem_shared>>
      tpu.enqueue_indirect_dma source(%arg7 : memref<80x128xf32, #tpu.memory_space<vmem>>) target(%dma_start3A_94 : memref<10000x128xf32, #tpu.memory_space<vmem_shared>>) offsets(%dma_start3A_91 : memref<80xi32, #tpu.memory_space<vmem>>) semaphore(%arg13 : memref<!tpu.dma_semaphore, #tpu.memory_space<semaphore_mem>>) {add = true}
      %mul3A_95 = arith.constant 3 : i32
      %mul3A_96 = arith.muli %scan3A_68, %mul3A_95 : i32
      %add3A_97 = arith.constant 1 : i32
      %add3A_98 = arith.addi %mul3A_96, %add3A_97 : i32
      %mul3A_99 = arith.constant 80 : i32
      %mul3A_100 = arith.muli %add3A_98, %mul3A_99 : i32
      %dma_wait3A_101 = tpu.memref_slice %arg5[%mul3A_100] : memref<10000xi32, #tpu.memory_space<vmem>> -> memref<80xi32, #tpu.memory_space<vmem>>
      %dma_wait3A_102 = arith.constant 0 : i32
      %dma_wait3A_103 = arith.constant 0 : i32
      %dma_wait3A_104 = tpu.memref_slice %arg2[%dma_wait3A_102, %dma_wait3A_103] : memref<10000x128xf32, #tpu.memory_space<hbm>> -> memref<10000x128xf32, #tpu.memory_space<hbm>>
      tpu.wait_indirect_dma semaphore(%arg11 : memref<!tpu.dma_semaphore, #tpu.memory_space<semaphore_mem>>) src(%dma_wait3A_104 : memref<10000x128xf32, #tpu.memory_space<hbm>>) dst(%arg8 : memref<80x128xf32, #tpu.memory_space<vmem>>)
      %ge3A_105 = arith.constant 1 : i32
      %ge3A_106 = arith.cmpi sge, %add3A_98, %ge3A_105 : i32
      %convert_element_type3A_107 = arith.extui %ge3A_106 : i1 to i32
      %cond3A_108 = arith.constant 0 : i32
      %cond3A_109 = arith.cmpi ne, %convert_element_type3A_107, %cond3A_108 : i32
      scf.if %cond3A_109 {
        %sub3A = arith.constant 1 : i32
        %sub3A_151 = arith.subi %add3A_98, %sub3A : i32
        %mul3A_152 = arith.constant 80 : i32
        %mul3A_153 = arith.muli %sub3A_151, %mul3A_152 : i32
        %dma_wait3A_154 = tpu.memref_slice %arg6[%mul3A_153] : memref<10000xi32, #tpu.memory_space<vmem>> -> memref<80xi32, #tpu.memory_space<vmem>>
        %dma_wait3A_155 = arith.constant 0 : i32
        %dma_wait3A_156 = arith.constant 0 : i32
        %dma_wait3A_157 = tpu.memref_slice %arg17[%dma_wait3A_155, %dma_wait3A_156] : memref<10000x128xf32, #tpu.memory_space<vmem_shared>> -> memref<10000x128xf32, #tpu.memory_space<vmem_shared>>
        tpu.wait_indirect_dma semaphore(%arg13 : memref<!tpu.dma_semaphore, #tpu.memory_space<semaphore_mem>>) src(%arg7 : memref<80x128xf32, #tpu.memory_space<vmem>>) dst(%dma_wait3A_157 : memref<10000x128xf32, #tpu.memory_space<vmem_shared>>)
      } else {
      }
      %add3A_110 = arith.constant 2 : i32
      %add3A_111 = arith.addi %add3A_98, %add3A_110 : i32
      %lt3A_112 = arith.constant 125 : i32
      %lt3A_113 = arith.cmpi slt, %add3A_111, %lt3A_112 : i32
      %convert_element_type3A_114 = arith.extui %lt3A_113 : i1 to i32
      %cond3A_115 = arith.constant 0 : i32
      %cond3A_116 = arith.cmpi ne, %convert_element_type3A_114, %cond3A_115 : i32
      scf.if %cond3A_116 {
        %add3A_151 = arith.constant 2 : i32
        %add3A_152 = arith.addi %add3A_98, %add3A_151 : i32
        %mul3A_153 = arith.constant 80 : i32
        %mul3A_154 = arith.muli %add3A_152, %mul3A_153 : i32
        %dma_start3A_155 = tpu.memref_slice %arg5[%mul3A_154] : memref<10000xi32, #tpu.memory_space<vmem>> -> memref<80xi32, #tpu.memory_space<vmem>>
        %dma_start3A_156 = arith.constant 0 : i32
        %dma_start3A_157 = arith.constant 0 : i32
        %dma_start3A_158 = tpu.memref_slice %arg2[%dma_start3A_156, %dma_start3A_157] : memref<10000x128xf32, #tpu.memory_space<hbm>> -> memref<10000x128xf32, #tpu.memory_space<hbm>>
        tpu.enqueue_indirect_dma source(%dma_start3A_158 : memref<10000x128xf32, #tpu.memory_space<hbm>>) target(%arg7 : memref<80x128xf32, #tpu.memory_space<vmem>>) offsets(%dma_start3A_155 : memref<80xi32, #tpu.memory_space<vmem>>) semaphore(%arg10 : memref<!tpu.dma_semaphore, #tpu.memory_space<semaphore_mem>>)
      } else {
      }
      %mul3A_117 = arith.constant 80 : i32
      %mul3A_118 = arith.muli %add3A_98, %mul3A_117 : i32
      %dma_start3A_119 = tpu.memref_slice %arg6[%mul3A_118] : memref<10000xi32, #tpu.memory_space<vmem>> -> memref<80xi32, #tpu.memory_space<vmem>>
      %dma_start3A_120 = arith.constant 0 : i32
      %dma_start3A_121 = arith.constant 0 : i32
      %dma_start3A_122 = tpu.memref_slice %arg17[%dma_start3A_120, %dma_start3A_121] : memref<10000x128xf32, #tpu.memory_space<vmem_shared>> -> memref<10000x128xf32, #tpu.memory_space<vmem_shared>>
      tpu.enqueue_indirect_dma source(%arg8 : memref<80x128xf32, #tpu.memory_space<vmem>>) target(%dma_start3A_122 : memref<10000x128xf32, #tpu.memory_space<vmem_shared>>) offsets(%dma_start3A_119 : memref<80xi32, #tpu.memory_space<vmem>>) semaphore(%arg14 : memref<!tpu.dma_semaphore, #tpu.memory_space<semaphore_mem>>) {add = true}
      %mul3A_123 = arith.constant 3 : i32
      %mul3A_124 = arith.muli %scan3A_68, %mul3A_123 : i32
      %add3A_125 = arith.constant 2 : i32
      %add3A_126 = arith.addi %mul3A_124, %add3A_125 : i32
      %mul3A_127 = arith.constant 80 : i32
      %mul3A_128 = arith.muli %add3A_126, %mul3A_127 : i32
      %dma_wait3A_129 = tpu.memref_slice %arg5[%mul3A_128] : memref<10000xi32, #tpu.memory_space<vmem>> -> memref<80xi32, #tpu.memory_space<vmem>>
      %dma_wait3A_130 = arith.constant 0 : i32
      %dma_wait3A_131 = arith.constant 0 : i32
      %dma_wait3A_132 = tpu.memref_slice %arg2[%dma_wait3A_130, %dma_wait3A_131] : memref<10000x128xf32, #tpu.memory_space<hbm>> -> memref<10000x128xf32, #tpu.memory_space<hbm>>
      tpu.wait_indirect_dma semaphore(%arg12 : memref<!tpu.dma_semaphore, #tpu.memory_space<semaphore_mem>>) src(%dma_wait3A_132 : memref<10000x128xf32, #tpu.memory_space<hbm>>) dst(%arg9 : memref<80x128xf32, #tpu.memory_space<vmem>>)
      %ge3A_133 = arith.constant 1 : i32
      %ge3A_134 = arith.cmpi sge, %add3A_126, %ge3A_133 : i32
      %convert_element_type3A_135 = arith.extui %ge3A_134 : i1 to i32
      %cond3A_136 = arith.constant 0 : i32
      %cond3A_137 = arith.cmpi ne, %convert_element_type3A_135, %cond3A_136 : i32
      scf.if %cond3A_137 {
        %sub3A = arith.constant 1 : i32
        %sub3A_151 = arith.subi %add3A_126, %sub3A : i32
        %mul3A_152 = arith.constant 80 : i32
        %mul3A_153 = arith.muli %sub3A_151, %mul3A_152 : i32
        %dma_wait3A_154 = tpu.memref_slice %arg6[%mul3A_153] : memref<10000xi32, #tpu.memory_space<vmem>> -> memref<80xi32, #tpu.memory_space<vmem>>
        %dma_wait3A_155 = arith.constant 0 : i32
        %dma_wait3A_156 = arith.constant 0 : i32
        %dma_wait3A_157 = tpu.memref_slice %arg17[%dma_wait3A_155, %dma_wait3A_156] : memref<10000x128xf32, #tpu.memory_space<vmem_shared>> -> memref<10000x128xf32, #tpu.memory_space<vmem_shared>>
        tpu.wait_indirect_dma semaphore(%arg14 : memref<!tpu.dma_semaphore, #tpu.memory_space<semaphore_mem>>) src(%arg8 : memref<80x128xf32, #tpu.memory_space<vmem>>) dst(%dma_wait3A_157 : memref<10000x128xf32, #tpu.memory_space<vmem_shared>>)
      } else {
      }
      %add3A_138 = arith.constant 2 : i32
      %add3A_139 = arith.addi %add3A_126, %add3A_138 : i32
      %lt3A_140 = arith.constant 125 : i32
      %lt3A_141 = arith.cmpi slt, %add3A_139, %lt3A_140 : i32
      %convert_element_type3A_142 = arith.extui %lt3A_141 : i1 to i32
      %cond3A_143 = arith.constant 0 : i32
      %cond3A_144 = arith.cmpi ne, %convert_element_type3A_142, %cond3A_143 : i32
      scf.if %cond3A_144 {
        %add3A_151 = arith.constant 2 : i32
        %add3A_152 = arith.addi %add3A_126, %add3A_151 : i32
        %mul3A_153 = arith.constant 80 : i32
        %mul3A_154 = arith.muli %add3A_152, %mul3A_153 : i32
        %dma_start3A_155 = tpu.memref_slice %arg5[%mul3A_154] : memref<10000xi32, #tpu.memory_space<vmem>> -> memref<80xi32, #tpu.memory_space<vmem>>
        %dma_start3A_156 = arith.constant 0 : i32
        %dma_start3A_157 = arith.constant 0 : i32
        %dma_start3A_158 = tpu.memref_slice %arg2[%dma_start3A_156, %dma_start3A_157] : memref<10000x128xf32, #tpu.memory_space<hbm>> -> memref<10000x128xf32, #tpu.memory_space<hbm>>
        tpu.enqueue_indirect_dma source(%dma_start3A_158 : memref<10000x128xf32, #tpu.memory_space<hbm>>) target(%arg8 : memref<80x128xf32, #tpu.memory_space<vmem>>) offsets(%dma_start3A_155 : memref<80xi32, #tpu.memory_space<vmem>>) semaphore(%arg11 : memref<!tpu.dma_semaphore, #tpu.memory_space<semaphore_mem>>)
      } else {
      }
      %mul3A_145 = arith.constant 80 : i32
      %mul3A_146 = arith.muli %add3A_126, %mul3A_145 : i32
      %dma_start3A_147 = tpu.memref_slice %arg6[%mul3A_146] : memref<10000xi32, #tpu.memory_space<vmem>> -> memref<80xi32, #tpu.memory_space<vmem>>
      %dma_start3A_148 = arith.constant 0 : i32
      %dma_start3A_149 = arith.constant 0 : i32
      %dma_start3A_150 = tpu.memref_slice %arg17[%dma_start3A_148, %dma_start3A_149] : memref<10000x128xf32, #tpu.memory_space<vmem_shared>> -> memref<10000x128xf32, #tpu.memory_space<vmem_shared>>
      tpu.enqueue_indirect_dma source(%arg9 : memref<80x128xf32, #tpu.memory_space<vmem>>) target(%dma_start3A_150 : memref<10000x128xf32, #tpu.memory_space<vmem_shared>>) offsets(%dma_start3A_147 : memref<80xi32, #tpu.memory_space<vmem>>) semaphore(%arg15 : memref<!tpu.dma_semaphore, #tpu.memory_space<semaphore_mem>>) {add = true}
    }
    %scan3A_27 = arith.constant 41 : i32
    %dma_wait3A = arith.constant 9840 : i32
    %dma_wait3A_28 = tpu.memref_slice %arg5[%dma_wait3A] : memref<10000xi32, #tpu.memory_space<vmem>> -> memref<80xi32, #tpu.memory_space<vmem>>
    %dma_wait3A_29 = arith.constant 0 : i32
    %dma_wait3A_30 = arith.constant 0 : i32
    %dma_wait3A_31 = tpu.memref_slice %arg2[%dma_wait3A_29, %dma_wait3A_30] : memref<10000x128xf32, #tpu.memory_space<hbm>> -> memref<10000x128xf32, #tpu.memory_space<hbm>>
    tpu.wait_indirect_dma semaphore(%arg10 : memref<!tpu.dma_semaphore, #tpu.memory_space<semaphore_mem>>) src(%dma_wait3A_31 : memref<10000x128xf32, #tpu.memory_space<hbm>>) dst(%arg7 : memref<80x128xf32, #tpu.memory_space<vmem>>)
    %dma_wait3A_32 = arith.constant 9760 : i32
    %dma_wait3A_33 = tpu.memref_slice %arg6[%dma_wait3A_32] : memref<10000xi32, #tpu.memory_space<vmem>> -> memref<80xi32, #tpu.memory_space<vmem>>
    %dma_wait3A_34 = arith.constant 0 : i32
    %dma_wait3A_35 = arith.constant 0 : i32
    %dma_wait3A_36 = tpu.memref_slice %arg17[%dma_wait3A_34, %dma_wait3A_35] : memref<10000x128xf32, #tpu.memory_space<vmem_shared>> -> memref<10000x128xf32, #tpu.memory_space<vmem_shared>>
    tpu.wait_indirect_dma semaphore(%arg15 : memref<!tpu.dma_semaphore, #tpu.memory_space<semaphore_mem>>) src(%arg9 : memref<80x128xf32, #tpu.memory_space<vmem>>) dst(%dma_wait3A_36 : memref<10000x128xf32, #tpu.memory_space<vmem_shared>>)
    %dma_start3A_37 = arith.constant 9840 : i32
    %dma_start3A_38 = tpu.memref_slice %arg6[%dma_start3A_37] : memref<10000xi32, #tpu.memory_space<vmem>> -> memref<80xi32, #tpu.memory_space<vmem>>
    %dma_start3A_39 = arith.constant 0 : i32
    %dma_start3A_40 = arith.constant 0 : i32
    %dma_start3A_41 = tpu.memref_slice %arg17[%dma_start3A_39, %dma_start3A_40] : memref<10000x128xf32, #tpu.memory_space<vmem_shared>> -> memref<10000x128xf32, #tpu.memory_space<vmem_shared>>
    tpu.enqueue_indirect_dma source(%arg7 : memref<80x128xf32, #tpu.memory_space<vmem>>) target(%dma_start3A_41 : memref<10000x128xf32, #tpu.memory_space<vmem_shared>>) offsets(%dma_start3A_38 : memref<80xi32, #tpu.memory_space<vmem>>) semaphore(%arg13 : memref<!tpu.dma_semaphore, #tpu.memory_space<semaphore_mem>>) {add = true}
    %dma_wait3A_42 = arith.constant 9920 : i32
    %dma_wait3A_43 = tpu.memref_slice %arg5[%dma_wait3A_42] : memref<10000xi32, #tpu.memory_space<vmem>> -> memref<80xi32, #tpu.memory_space<vmem>>
    %dma_wait3A_44 = arith.constant 0 : i32
    %dma_wait3A_45 = arith.constant 0 : i32
    %dma_wait3A_46 = tpu.memref_slice %arg2[%dma_wait3A_44, %dma_wait3A_45] : memref<10000x128xf32, #tpu.memory_space<hbm>> -> memref<10000x128xf32, #tpu.memory_space<hbm>>
    tpu.wait_indirect_dma semaphore(%arg11 : memref<!tpu.dma_semaphore, #tpu.memory_space<semaphore_mem>>) src(%dma_wait3A_46 : memref<10000x128xf32, #tpu.memory_space<hbm>>) dst(%arg8 : memref<80x128xf32, #tpu.memory_space<vmem>>)
    %dma_wait3A_47 = arith.constant 9840 : i32
    %dma_wait3A_48 = tpu.memref_slice %arg6[%dma_wait3A_47] : memref<10000xi32, #tpu.memory_space<vmem>> -> memref<80xi32, #tpu.memory_space<vmem>>
    %dma_wait3A_49 = arith.constant 0 : i32
    %dma_wait3A_50 = arith.constant 0 : i32
    %dma_wait3A_51 = tpu.memref_slice %arg17[%dma_wait3A_49, %dma_wait3A_50] : memref<10000x128xf32, #tpu.memory_space<vmem_shared>> -> memref<10000x128xf32, #tpu.memory_space<vmem_shared>>
    tpu.wait_indirect_dma semaphore(%arg13 : memref<!tpu.dma_semaphore, #tpu.memory_space<semaphore_mem>>) src(%arg7 : memref<80x128xf32, #tpu.memory_space<vmem>>) dst(%dma_wait3A_51 : memref<10000x128xf32, #tpu.memory_space<vmem_shared>>)
    %dma_start3A_52 = arith.constant 9920 : i32
    %dma_start3A_53 = tpu.memref_slice %arg6[%dma_start3A_52] : memref<10000xi32, #tpu.memory_space<vmem>> -> memref<80xi32, #tpu.memory_space<vmem>>
    %dma_start3A_54 = arith.constant 0 : i32
    %dma_start3A_55 = arith.constant 0 : i32
    %dma_start3A_56 = tpu.memref_slice %arg17[%dma_start3A_54, %dma_start3A_55] : memref<10000x128xf32, #tpu.memory_space<vmem_shared>> -> memref<10000x128xf32, #tpu.memory_space<vmem_shared>>
    tpu.enqueue_indirect_dma source(%arg8 : memref<80x128xf32, #tpu.memory_space<vmem>>) target(%dma_start3A_56 : memref<10000x128xf32, #tpu.memory_space<vmem_shared>>) offsets(%dma_start3A_53 : memref<80xi32, #tpu.memory_space<vmem>>) semaphore(%arg14 : memref<!tpu.dma_semaphore, #tpu.memory_space<semaphore_mem>>) {add = true}
    %dma_wait3A_57 = arith.constant 9920 : i32
    %dma_wait3A_58 = tpu.memref_slice %arg6[%dma_wait3A_57] : memref<10000xi32, #tpu.memory_space<vmem>> -> memref<80xi32, #tpu.memory_space<vmem>>
    %dma_wait3A_59 = arith.constant 0 : i32
    %dma_wait3A_60 = arith.constant 0 : i32
    %dma_wait3A_61 = tpu.memref_slice %arg17[%dma_wait3A_59, %dma_wait3A_60] : memref<10000x128xf32, #tpu.memory_space<vmem_shared>> -> memref<10000x128xf32, #tpu.memory_space<vmem_shared>>
    tpu.wait_indirect_dma semaphore(%arg14 : memref<!tpu.dma_semaphore, #tpu.memory_space<semaphore_mem>>) src(%arg8 : memref<80x128xf32, #tpu.memory_space<vmem>>) dst(%dma_wait3A_61 : memref<10000x128xf32, #tpu.memory_space<vmem_shared>>)
    %barrier3A_62 = arith.constant 0 : index
    tpu.barrier barrier_id(%barrier3A_62)
    %eq3A_63 = arith.constant 0 : i32
    %eq3A_64 = arith.cmpi eq, %arg1, %eq3A_63 : i32
    %convert_element_type3A_65 = arith.extui %eq3A_64 : i1 to i32
    %cond3A_66 = arith.constant 0 : i32
    %cond3A_67 = arith.cmpi ne, %convert_element_type3A_65, %cond3A_66 : i32
    scf.if %cond3A_67 {
      "tpu.region"() ({
        %run_scoped3A = tpu.sem_alloc : memref<!tpu.dma_semaphore, #tpu.memory_space<semaphore_mem>>
        %dma_start3A_68 = arith.constant 0 : i32
        %dma_start3A_69 = arith.constant 0 : i32
        %dma_start3A_70 = tpu.memref_slice %arg4[%arg0, %dma_start3A_68, %dma_start3A_69] : memref<2x10000x128xf32, #tpu.memory_space<hbm>> -> memref<1x10000x128xf32, #tpu.memory_space<hbm>>
        %dma_start3A_71 = tpu.memref_squeeze %dma_start3A_70 : memref<1x10000x128xf32, #tpu.memory_space<hbm>> -> memref<10000x128xf32, #tpu.memory_space<hbm>>
        tpu.enqueue_dma source(%arg17 : memref<10000x128xf32, #tpu.memory_space<vmem_shared>>) target(%dma_start3A_71 : memref<10000x128xf32, #tpu.memory_space<hbm>>) target_semaphore(%run_scoped3A : memref<!tpu.dma_semaphore, #tpu.memory_space<semaphore_mem>>)
        %dma_wait3A_72 = arith.constant 0 : i32
        %dma_wait3A_73 = arith.constant 0 : i32
        %dma_wait3A_74 = tpu.memref_slice %arg4[%arg0, %dma_wait3A_72, %dma_wait3A_73] : memref<2x10000x128xf32, #tpu.memory_space<hbm>> -> memref<1x10000x128xf32, #tpu.memory_space<hbm>>
        %dma_wait3A_75 = tpu.memref_squeeze %dma_wait3A_74 : memref<1x10000x128xf32, #tpu.memory_space<hbm>> -> memref<10000x128xf32, #tpu.memory_space<hbm>>
        tpu.wait_dma2 semaphore(%run_scoped3A : memref<!tpu.dma_semaphore, #tpu.memory_space<semaphore_mem>>) src(%arg17 : memref<10000x128xf32, #tpu.memory_space<vmem_shared>>) dst(%dma_wait3A_75 : memref<10000x128xf32, #tpu.memory_space<hbm>>)
        tpu.yield
      }) : () -> ()
    } else {
    }
    return
  }
}

#map = affine_map<(d0, d1) -> (0)>
#map1 = affine_map<(d0, d1) -> (0, 0)>
#map2 = affine_map<(d0, d1) -> (0, 0, 0)>
module attributes {stable_mosaic.version = 14 : i64} {
  func.func @_degree_body(%arg0: i32, %arg1: i32, %arg2: memref<640000xi32, #tpu.memory_space<hbm>>, %arg3: memref<80x128xf32, #tpu.memory_space<hbm>>, %arg4: memref<2x80x128xf32, #tpu.memory_space<hbm>>, %arg5: memref<10000xi32, #tpu.memory_space<vmem>>, %arg6: memref<80x128xf32, #tpu.memory_space<vmem>>, %arg7: memref<80xi32, #tpu.memory_space<vmem>>, %arg8: memref<80x128xf32, #tpu.memory_space<vmem_shared>>) attributes {dimension_semantics = [#tpu.dimension_semantics<core_parallel>, #tpu.dimension_semantics<subcore_parallel>], iteration_bounds = array<i64: 2, 16>, scalar_prefetch = 0 : i64, scratch_operands = 4 : i64, tpu.core_type = #tpu.core_type<sc_vector_subcore>, window_params = [{transform_indices = #map}, {transform_indices = #map1}, {transform_indices = #map2}]} {
    %mul3A = arith.constant 16 : i32
    %mul3A_0 = arith.muli %arg0, %mul3A : i32
    %add3A = arith.addi %mul3A_0, %arg1 : i32
    %mul3A_1 = arith.constant 10000 : i32
    %mul3A_2 = arith.muli %add3A, %mul3A_1 : i32
    %add3A_3 = arith.constant 320000 : i32
    %add3A_4 = arith.addi %add3A_3, %mul3A_2 : i32
    "tpu.region"() ({
      %run_scoped3A = tpu.sem_alloc : memref<!tpu.dma_semaphore, #tpu.memory_space<semaphore_mem>>
      %dma_start3A = tpu.memref_slice %arg2[%add3A_4] : memref<640000xi32, #tpu.memory_space<hbm>> -> memref<10000xi32, #tpu.memory_space<hbm>>
      %dma_start3A_47 = tpu.memref_slice %arg2[%add3A_4] : memref<640000xi32, #tpu.memory_space<hbm>> -> memref<10000xi32, #tpu.memory_space<hbm>>
      tpu.enqueue_dma source(%dma_start3A_47 : memref<10000xi32, #tpu.memory_space<hbm>>) target(%arg5 : memref<10000xi32, #tpu.memory_space<vmem>>) target_semaphore(%run_scoped3A : memref<!tpu.dma_semaphore, #tpu.memory_space<semaphore_mem>>)
      %dma_wait3A = tpu.memref_slice %arg2[%add3A_4] : memref<640000xi32, #tpu.memory_space<hbm>> -> memref<10000xi32, #tpu.memory_space<hbm>>
      %dma_wait3A_48 = tpu.memref_slice %arg2[%add3A_4] : memref<640000xi32, #tpu.memory_space<hbm>> -> memref<10000xi32, #tpu.memory_space<hbm>>
      tpu.wait_dma2 semaphore(%run_scoped3A : memref<!tpu.dma_semaphore, #tpu.memory_space<semaphore_mem>>) src(%dma_wait3A_48 : memref<10000xi32, #tpu.memory_space<hbm>>) dst(%arg5 : memref<10000xi32, #tpu.memory_space<vmem>>)
      tpu.yield
    }) : () -> ()
    "tpu.region"() ({
      %run_scoped3A = tpu.sem_alloc : memref<!tpu.dma_semaphore, #tpu.memory_space<semaphore_mem>>
      tpu.enqueue_dma source(%arg3 : memref<80x128xf32, #tpu.memory_space<hbm>>) target(%arg6 : memref<80x128xf32, #tpu.memory_space<vmem>>) target_semaphore(%run_scoped3A : memref<!tpu.dma_semaphore, #tpu.memory_space<semaphore_mem>>)
      tpu.wait_dma2 semaphore(%run_scoped3A : memref<!tpu.dma_semaphore, #tpu.memory_space<semaphore_mem>>) src(%arg3 : memref<80x128xf32, #tpu.memory_space<hbm>>) dst(%arg6 : memref<80x128xf32, #tpu.memory_space<vmem>>)
      tpu.yield
    }) : () -> ()
    %eq3A = arith.constant 0 : i32
    %eq3A_5 = arith.cmpi eq, %arg1, %eq3A : i32
    %convert_element_type3A = arith.extui %eq3A_5 : i1 to i32
    %cond3A = arith.constant 0 : i32
    %cond3A_6 = arith.cmpi ne, %convert_element_type3A, %cond3A : i32
    scf.if %cond3A_6 {
      "tpu.region"() ({
        %run_scoped3A = tpu.sem_alloc : memref<!tpu.dma_semaphore, #tpu.memory_space<semaphore_mem>>
        tpu.enqueue_dma source(%arg3 : memref<80x128xf32, #tpu.memory_space<hbm>>) target(%arg8 : memref<80x128xf32, #tpu.memory_space<vmem_shared>>) target_semaphore(%run_scoped3A : memref<!tpu.dma_semaphore, #tpu.memory_space<semaphore_mem>>)
        tpu.wait_dma2 semaphore(%run_scoped3A : memref<!tpu.dma_semaphore, #tpu.memory_space<semaphore_mem>>) src(%arg3 : memref<80x128xf32, #tpu.memory_space<hbm>>) dst(%arg8 : memref<80x128xf32, #tpu.memory_space<vmem_shared>>)
        tpu.yield
      }) : () -> ()
    } else {
    }
    %iota3A = tpu.iota {dimensions = array<i32: 0>} : vector<16xi32>
    %add3A_7 = arith.constant 0 : i32
    %add3A_8 = vector.broadcast %add3A_7 : i32 to vector<16xi32>
    %add3A_9 = arith.addi %iota3A, %add3A_8 : vector<16xi32>
    %swap3A = arith.constant 0 : index
    %swap3A_10 = tpu.vector_load %arg7[%swap3A] {strides = array<i32>} : memref<80xi32, #tpu.memory_space<vmem>>, vector<16xi32>,
    tpu.vector_store %arg7[%swap3A], %add3A_9 {strides = array<i32>} : memref<80xi32, #tpu.memory_space<vmem>>, vector<16xi32>,
    %iota3A_11 = tpu.iota {dimensions = array<i32: 0>} : vector<16xi32>
    %add3A_12 = arith.constant 16 : i32
    %add3A_13 = vector.broadcast %add3A_12 : i32 to vector<16xi32>
    %add3A_14 = arith.addi %iota3A_11, %add3A_13 : vector<16xi32>
    %swap3A_15 = arith.constant 16 : index
    %swap3A_16 = tpu.vector_load %arg7[%swap3A_15] {strides = array<i32>} : memref<80xi32, #tpu.memory_space<vmem>>, vector<16xi32>,
    tpu.vector_store %arg7[%swap3A_15], %add3A_14 {strides = array<i32>} : memref<80xi32, #tpu.memory_space<vmem>>, vector<16xi32>,
    %iota3A_17 = tpu.iota {dimensions = array<i32: 0>} : vector<16xi32>
    %add3A_18 = arith.constant 32 : i32
    %add3A_19 = vector.broadcast %add3A_18 : i32 to vector<16xi32>
    %add3A_20 = arith.addi %iota3A_17, %add3A_19 : vector<16xi32>
    %swap3A_21 = arith.constant 32 : index
    %swap3A_22 = tpu.vector_load %arg7[%swap3A_21] {strides = array<i32>} : memref<80xi32, #tpu.memory_space<vmem>>, vector<16xi32>,
    tpu.vector_store %arg7[%swap3A_21], %add3A_20 {strides = array<i32>} : memref<80xi32, #tpu.memory_space<vmem>>, vector<16xi32>,
    %iota3A_23 = tpu.iota {dimensions = array<i32: 0>} : vector<16xi32>
    %add3A_24 = arith.constant 48 : i32
    %add3A_25 = vector.broadcast %add3A_24 : i32 to vector<16xi32>
    %add3A_26 = arith.addi %iota3A_23, %add3A_25 : vector<16xi32>
    %swap3A_27 = arith.constant 48 : index
    %swap3A_28 = tpu.vector_load %arg7[%swap3A_27] {strides = array<i32>} : memref<80xi32, #tpu.memory_space<vmem>>, vector<16xi32>,
    tpu.vector_store %arg7[%swap3A_27], %add3A_26 {strides = array<i32>} : memref<80xi32, #tpu.memory_space<vmem>>, vector<16xi32>,
    %iota3A_29 = tpu.iota {dimensions = array<i32: 0>} : vector<16xi32>
    %add3A_30 = arith.constant 64 : i32
    %add3A_31 = vector.broadcast %add3A_30 : i32 to vector<16xi32>
    %add3A_32 = arith.addi %iota3A_29, %add3A_31 : vector<16xi32>
    %swap3A_33 = arith.constant 64 : index
    %swap3A_34 = tpu.vector_load %arg7[%swap3A_33] {strides = array<i32>} : memref<80xi32, #tpu.memory_space<vmem>>, vector<16xi32>,
    tpu.vector_store %arg7[%swap3A_33], %add3A_32 {strides = array<i32>} : memref<80xi32, #tpu.memory_space<vmem>>, vector<16xi32>,
    %broadcast_in_dim3A = arith.constant 1.000000e+00 : f32
    %broadcast_in_dim3A_35 = vector.broadcast %broadcast_in_dim3A : f32 to vector<16xf32>
    %scan3A = arith.constant 0 : i32
    %scan3A_36 = arith.constant 0 : i32
    %scan3A_37 = arith.constant 625 : i32
    %scan3A_38 = arith.addi %scan3A_36, %scan3A_37 : i32
    %scan3A_39 = arith.constant 1 : i32
    scf.for %scan3A_47 = %scan3A_36 to %scan3A_38 step %scan3A_39  : i32 {
      %mul3A_48 = arith.constant 16 : i32
      %mul3A_49 = arith.muli %scan3A_47, %mul3A_48 : i32
      %get3A = arith.index_cast %mul3A_49 : i32 to index
      %get3A_50 = tpu.vector_load %arg5[%get3A] {strides = array<i32>} : memref<10000xi32, #tpu.memory_space<vmem>>, vector<16xi32>,
      %shift_right_arithmetic3A = arith.constant 7 : i32
      %shift_right_arithmetic3A_51 = vector.broadcast %shift_right_arithmetic3A : i32 to vector<16xi32>
      %shift_right_arithmetic3A_52 = arith.shrsi %get3A_50, %shift_right_arithmetic3A_51 : vector<16xi32>
      %and3A = arith.constant 127 : i32
      %and3A_53 = vector.broadcast %and3A : i32 to vector<16xi32>
      %and3A_54 = arith.andi %get3A_50, %and3A_53 : vector<16xi32>
      tpu.vector_store_idx %arg6[%shift_right_arithmetic3A_52, %and3A_54], %broadcast_in_dim3A_35 {add = true} : memref<80x128xf32, #tpu.memory_space<vmem>>[vector<16xi32>, vector<16xi32>], vector<16xf32>,
    }
    %scan3A_40 = arith.constant 625 : i32
    %barrier3A = arith.constant 0 : index
    tpu.barrier barrier_id(%barrier3A)
    "tpu.region"() ({
      %run_scoped3A = tpu.sem_alloc : memref<!tpu.dma_semaphore, #tpu.memory_space<semaphore_mem>>
      %dma_start3A = arith.constant 0 : i32
      %dma_start3A_47 = arith.constant 0 : i32
      %dma_start3A_48 = tpu.memref_slice %arg8[%dma_start3A, %dma_start3A_47] : memref<80x128xf32, #tpu.memory_space<vmem_shared>> -> memref<80x128xf32, #tpu.memory_space<vmem_shared>>
      tpu.enqueue_indirect_dma source(%arg6 : memref<80x128xf32, #tpu.memory_space<vmem>>) target(%dma_start3A_48 : memref<80x128xf32, #tpu.memory_space<vmem_shared>>) offsets(%arg7 : memref<80xi32, #tpu.memory_space<vmem>>) semaphore(%run_scoped3A : memref<!tpu.dma_semaphore, #tpu.memory_space<semaphore_mem>>) {add = true}
      %dma_wait3A = arith.constant 0 : i32
      %dma_wait3A_49 = arith.constant 0 : i32
      %dma_wait3A_50 = tpu.memref_slice %arg8[%dma_wait3A, %dma_wait3A_49] : memref<80x128xf32, #tpu.memory_space<vmem_shared>> -> memref<80x128xf32, #tpu.memory_space<vmem_shared>>
      tpu.wait_indirect_dma semaphore(%run_scoped3A : memref<!tpu.dma_semaphore, #tpu.memory_space<semaphore_mem>>) src(%arg6 : memref<80x128xf32, #tpu.memory_space<vmem>>) dst(%dma_wait3A_50 : memref<80x128xf32, #tpu.memory_space<vmem_shared>>)
      tpu.yield
    }) : () -> ()
    %barrier3A_41 = arith.constant 0 : index
    tpu.barrier barrier_id(%barrier3A_41)
    %eq3A_42 = arith.constant 0 : i32
    %eq3A_43 = arith.cmpi eq, %arg1, %eq3A_42 : i32
    %convert_element_type3A_44 = arith.extui %eq3A_43 : i1 to i32
    %cond3A_45 = arith.constant 0 : i32
    %cond3A_46 = arith.cmpi ne, %convert_element_type3A_44, %cond3A_45 : i32
    scf.if %cond3A_46 {
      "tpu.region"() ({
        %run_scoped3A = tpu.sem_alloc : memref<!tpu.dma_semaphore, #tpu.memory_space<semaphore_mem>>
        %dma_start3A = arith.constant 0 : i32
        %dma_start3A_47 = arith.constant 0 : i32
        %dma_start3A_48 = tpu.memref_slice %arg4[%arg0, %dma_start3A, %dma_start3A_47] : memref<2x80x128xf32, #tpu.memory_space<hbm>> -> memref<1x80x128xf32, #tpu.memory_space<hbm>>
        %dma_start3A_49 = tpu.memref_squeeze %dma_start3A_48 : memref<1x80x128xf32, #tpu.memory_space<hbm>> -> memref<80x128xf32, #tpu.memory_space<hbm>>
        tpu.enqueue_dma source(%arg8 : memref<80x128xf32, #tpu.memory_space<vmem_shared>>) target(%dma_start3A_49 : memref<80x128xf32, #tpu.memory_space<hbm>>) target_semaphore(%run_scoped3A : memref<!tpu.dma_semaphore, #tpu.memory_space<semaphore_mem>>)
        %dma_wait3A = arith.constant 0 : i32
        %dma_wait3A_50 = arith.constant 0 : i32
        %dma_wait3A_51 = tpu.memref_slice %arg4[%arg0, %dma_wait3A, %dma_wait3A_50] : memref<2x80x128xf32, #tpu.memory_space<hbm>> -> memref<1x80x128xf32, #tpu.memory_space<hbm>>
        %dma_wait3A_52 = tpu.memref_squeeze %dma_wait3A_51 : memref<1x80x128xf32, #tpu.memory_space<hbm>> -> memref<80x128xf32, #tpu.memory_space<hbm>>
        tpu.wait_dma2 semaphore(%run_scoped3A : memref<!tpu.dma_semaphore, #tpu.memory_space<semaphore_mem>>) src(%arg8 : memref<80x128xf32, #tpu.memory_space<vmem_shared>>) dst(%dma_wait3A_52 : memref<80x128xf32, #tpu.memory_space<hbm>>)
        tpu.yield
      }) : () -> ()
    } else {
    }
    return
  }
}

#map = affine_map<(d0, d1) -> (0, 0)>
#map1 = affine_map<(d0, d1) -> (0)>
#map2 = affine_map<(d0, d1) -> (0, 0, 0)>
module attributes {stable_mosaic.version = 14 : i64} {
  func.func @_segsum_body(%arg0: i32, %arg1: i32, %arg2: memref<10000x128xf32, #tpu.memory_space<hbm>>, %arg3: memref<640000xi32, #tpu.memory_space<hbm>>, %arg4: memref<2x10000x128xf32, #tpu.memory_space<hbm>>, %arg5: memref<10000xi32, #tpu.memory_space<vmem>>, %arg6: memref<10000xi32, #tpu.memory_space<vmem>>, %arg7: memref<80x128xf32, #tpu.memory_space<vmem>>, %arg8: memref<80x128xf32, #tpu.memory_space<vmem>>, %arg9: memref<80x128xf32, #tpu.memory_space<vmem>>, %arg10: memref<!tpu.dma_semaphore, #tpu.memory_space<semaphore_mem>>, %arg11: memref<!tpu.dma_semaphore, #tpu.memory_space<semaphore_mem>>, %arg12: memref<!tpu.dma_semaphore, #tpu.memory_space<semaphore_mem>>, %arg13: memref<!tpu.dma_semaphore, #tpu.memory_space<semaphore_mem>>, %arg14: memref<!tpu.dma_semaphore, #tpu.memory_space<semaphore_mem>>, %arg15: memref<!tpu.dma_semaphore, #tpu.memory_space<semaphore_mem>>, %arg16: memref<!tpu.dma_semaphore, #tpu.memory_space<semaphore_mem>>, %arg17: memref<10000x128xf32, #tpu.memory_space<vmem_shared>>) attributes {dimension_semantics = [#tpu.dimension_semantics<core_parallel>, #tpu.dimension_semantics<subcore_parallel>], iteration_bounds = array<i64: 2, 16>, scalar_prefetch = 0 : i64, scratch_operands = 13 : i64, tpu.core_type = #tpu.core_type<sc_vector_subcore>, window_params = [{transform_indices = #map}, {transform_indices = #map1}, {transform_indices = #map2}]} {
    %mul3A = arith.constant 16 : i32
    %mul3A_0 = arith.muli %arg0, %mul3A : i32
    %add3A = arith.addi %mul3A_0, %arg1 : i32
    %eq3A = arith.constant 0 : i32
    %eq3A_1 = arith.cmpi eq, %arg1, %eq3A : i32
    %convert_element_type3A = arith.extui %eq3A_1 : i1 to i32
    %cond3A = arith.constant 0 : i32
    %cond3A_2 = arith.cmpi ne, %convert_element_type3A, %cond3A : i32
    scf.if %cond3A_2 {
      tpu.enqueue_dma source(%arg2 : memref<10000x128xf32, #tpu.memory_space<hbm>>) target(%arg17 : memref<10000x128xf32, #tpu.memory_space<vmem_shared>>) target_semaphore(%arg16 : memref<!tpu.dma_semaphore, #tpu.memory_space<semaphore_mem>>)
    } else {
    }
    %mul3A_3 = arith.constant 10000 : i32
    %mul3A_4 = arith.muli %add3A, %mul3A_3 : i32
    "tpu.region"() ({
      %run_scoped3A = tpu.sem_alloc : memref<!tpu.dma_semaphore, #tpu.memory_space<semaphore_mem>>
      %dma_start3A_68 = tpu.memref_slice %arg3[%mul3A_4] : memref<640000xi32, #tpu.memory_space<hbm>> -> memref<10000xi32, #tpu.memory_space<hbm>>
      %dma_start3A_69 = tpu.memref_slice %arg3[%mul3A_4] : memref<640000xi32, #tpu.memory_space<hbm>> -> memref<10000xi32, #tpu.memory_space<hbm>>
      tpu.enqueue_dma source(%dma_start3A_69 : memref<10000xi32, #tpu.memory_space<hbm>>) target(%arg5 : memref<10000xi32, #tpu.memory_space<vmem>>) target_semaphore(%run_scoped3A : memref<!tpu.dma_semaphore, #tpu.memory_space<semaphore_mem>>)
      %dma_wait3A_70 = tpu.memref_slice %arg3[%mul3A_4] : memref<640000xi32, #tpu.memory_space<hbm>> -> memref<10000xi32, #tpu.memory_space<hbm>>
      %dma_wait3A_71 = tpu.memref_slice %arg3[%mul3A_4] : memref<640000xi32, #tpu.memory_space<hbm>> -> memref<10000xi32, #tpu.memory_space<hbm>>
      tpu.wait_dma2 semaphore(%run_scoped3A : memref<!tpu.dma_semaphore, #tpu.memory_space<semaphore_mem>>) src(%dma_wait3A_71 : memref<10000xi32, #tpu.memory_space<hbm>>) dst(%arg5 : memref<10000xi32, #tpu.memory_space<vmem>>)
      tpu.yield
    }) : () -> ()
    %mul3A_5 = arith.constant 10000 : i32
    %mul3A_6 = arith.muli %add3A, %mul3A_5 : i32
    %add3A_7 = arith.constant 320000 : i32
    %add3A_8 = arith.addi %add3A_7, %mul3A_6 : i32
    "tpu.region"() ({
      %run_scoped3A = tpu.sem_alloc : memref<!tpu.dma_semaphore, #tpu.memory_space<semaphore_mem>>
      %dma_start3A_68 = tpu.memref_slice %arg3[%add3A_8] : memref<640000xi32, #tpu.memory_space<hbm>> -> memref<10000xi32, #tpu.memory_space<hbm>>
      %dma_start3A_69 = tpu.memref_slice %arg3[%add3A_8] : memref<640000xi32, #tpu.memory_space<hbm>> -> memref<10000xi32, #tpu.memory_space<hbm>>
      tpu.enqueue_dma source(%dma_start3A_69 : memref<10000xi32, #tpu.memory_space<hbm>>) target(%arg6 : memref<10000xi32, #tpu.memory_space<vmem>>) target_semaphore(%run_scoped3A : memref<!tpu.dma_semaphore, #tpu.memory_space<semaphore_mem>>)
      %dma_wait3A_70 = tpu.memref_slice %arg3[%add3A_8] : memref<640000xi32, #tpu.memory_space<hbm>> -> memref<10000xi32, #tpu.memory_space<hbm>>
      %dma_wait3A_71 = tpu.memref_slice %arg3[%add3A_8] : memref<640000xi32, #tpu.memory_space<hbm>> -> memref<10000xi32, #tpu.memory_space<hbm>>
      tpu.wait_dma2 semaphore(%run_scoped3A : memref<!tpu.dma_semaphore, #tpu.memory_space<semaphore_mem>>) src(%dma_wait3A_71 : memref<10000xi32, #tpu.memory_space<hbm>>) dst(%arg6 : memref<10000xi32, #tpu.memory_space<vmem>>)
      tpu.yield
    }) : () -> ()
    %eq3A_9 = arith.constant 0 : i32
    %eq3A_10 = arith.cmpi eq, %arg1, %eq3A_9 : i32
    %convert_element_type3A_11 = arith.extui %eq3A_10 : i1 to i32
    %cond3A_12 = arith.constant 0 : i32
    %cond3A_13 = arith.cmpi ne, %convert_element_type3A_11, %cond3A_12 : i32
    scf.if %cond3A_13 {
      tpu.wait_dma2 semaphore(%arg16 : memref<!tpu.dma_semaphore, #tpu.memory_space<semaphore_mem>>) src(%arg2 : memref<10000x128xf32, #tpu.memory_space<hbm>>) dst(%arg17 : memref<10000x128xf32, #tpu.memory_space<vmem_shared>>)
    } else {
    }
    %dma_start3A = arith.constant 0 : i32
    %dma_start3A_14 = tpu.memref_slice %arg5[%dma_start3A] : memref<10000xi32, #tpu.memory_space<vmem>> -> memref<80xi32, #tpu.memory_space<vmem>>
    %dma_start3A_15 = arith.constant 0 : i32
    %dma_start3A_16 = arith.constant 0 : i32
    %dma_start3A_17 = tpu.memref_slice %arg2[%dma_start3A_15, %dma_start3A_16] : memref<10000x128xf32, #tpu.memory_space<hbm>> -> memref<10000x128xf32, #tpu.memory_space<hbm>>
    tpu.enqueue_indirect_dma source(%dma_start3A_17 : memref<10000x128xf32, #tpu.memory_space<hbm>>) target(%arg7 : memref<80x128xf32, #tpu.memory_space<vmem>>) offsets(%dma_start3A_14 : memref<80xi32, #tpu.memory_space<vmem>>) semaphore(%arg10 : memref<!tpu.dma_semaphore, #tpu.memory_space<semaphore_mem>>)
    %dma_start3A_18 = arith.constant 80 : i32
    %dma_start3A_19 = tpu.memref_slice %arg5[%dma_start3A_18] : memref<10000xi32, #tpu.memory_space<vmem>> -> memref<80xi32, #tpu.memory_space<vmem>>
    %dma_start3A_20 = arith.constant 0 : i32
    %dma_start3A_21 = arith.constant 0 : i32
    %dma_start3A_22 = tpu.memref_slice %arg2[%dma_start3A_20, %dma_start3A_21] : memref<10000x128xf32, #tpu.memory_space<hbm>> -> memref<10000x128xf32, #tpu.memory_space<hbm>>
    tpu.enqueue_indirect_dma source(%dma_start3A_22 : memref<10000x128xf32, #tpu.memory_space<hbm>>) target(%arg8 : memref<80x128xf32, #tpu.memory_space<vmem>>) offsets(%dma_start3A_19 : memref<80xi32, #tpu.memory_space<vmem>>) semaphore(%arg11 : memref<!tpu.dma_semaphore, #tpu.memory_space<semaphore_mem>>)
    %barrier3A = arith.constant 0 : index
    tpu.barrier barrier_id(%barrier3A)
    %scan3A = arith.constant 0 : i32
    %scan3A_23 = arith.constant 0 : i32
    %scan3A_24 = arith.constant 41 : i32
    %scan3A_25 = arith.addi %scan3A_23, %scan3A_24 : i32
    %scan3A_26 = arith.constant 1 : i32
    scf.for %scan3A_68 = %scan3A_23 to %scan3A_25 step %scan3A_26  : i32 {
      %mul3A_69 = arith.constant 3 : i32
      %mul3A_70 = arith.muli %scan3A_68, %mul3A_69 : i32
      %add3A_71 = arith.constant 0 : i32
      %add3A_72 = arith.addi %mul3A_70, %add3A_71 : i32
      %mul3A_73 = arith.constant 80 : i32
      %mul3A_74 = arith.muli %add3A_72, %mul3A_73 : i32
      %dma_wait3A_75 = tpu.memref_slice %arg5[%mul3A_74] : memref<10000xi32, #tpu.memory_space<vmem>> -> memref<80xi32, #tpu.memory_space<vmem>>
      %dma_wait3A_76 = arith.constant 0 : i32
      %dma_wait3A_77 = arith.constant 0 : i32
      %dma_wait3A_78 = tpu.memref_slice %arg2[%dma_wait3A_76, %dma_wait3A_77] : memref<10000x128xf32, #tpu.memory_space<hbm>> -> memref<10000x128xf32, #tpu.memory_space<hbm>>
      tpu.wait_indirect_dma semaphore(%arg10 : memref<!tpu.dma_semaphore, #tpu.memory_space<semaphore_mem>>) src(%dma_wait3A_78 : memref<10000x128xf32, #tpu.memory_space<hbm>>) dst(%arg7 : memref<80x128xf32, #tpu.memory_space<vmem>>)
      %ge3A = arith.constant 1 : i32
      %ge3A_79 = arith.cmpi sge, %add3A_72, %ge3A : i32
      %convert_element_type3A_80 = arith.extui %ge3A_79 : i1 to i32
      %cond3A_81 = arith.constant 0 : i32
      %cond3A_82 = arith.cmpi ne, %convert_element_type3A_80, %cond3A_81 : i32
      scf.if %cond3A_82 {
        %sub3A = arith.constant 1 : i32
        %sub3A_151 = arith.subi %add3A_72, %sub3A : i32
        %mul3A_152 = arith.constant 80 : i32
        %mul3A_153 = arith.muli %sub3A_151, %mul3A_152 : i32
        %dma_wait3A_154 = tpu.memref_slice %arg6[%mul3A_153] : memref<10000xi32, #tpu.memory_space<vmem>> -> memref<80xi32, #tpu.memory_space<vmem>>
        %dma_wait3A_155 = arith.constant 0 : i32
        %dma_wait3A_156 = arith.constant 0 : i32
        %dma_wait3A_157 = tpu.memref_slice %arg17[%dma_wait3A_155, %dma_wait3A_156] : memref<10000x128xf32, #tpu.memory_space<vmem_shared>> -> memref<10000x128xf32, #tpu.memory_space<vmem_shared>>
        tpu.wait_indirect_dma semaphore(%arg15 : memref<!tpu.dma_semaphore, #tpu.memory_space<semaphore_mem>>) src(%arg9 : memref<80x128xf32, #tpu.memory_space<vmem>>) dst(%dma_wait3A_157 : memref<10000x128xf32, #tpu.memory_space<vmem_shared>>)
      } else {
      }
      %add3A_83 = arith.constant 2 : i32
      %add3A_84 = arith.addi %add3A_72, %add3A_83 : i32
      %lt3A = arith.constant 125 : i32
      %lt3A_85 = arith.cmpi slt, %add3A_84, %lt3A : i32
      %convert_element_type3A_86 = arith.extui %lt3A_85 : i1 to i32
      %cond3A_87 = arith.constant 0 : i32
      %cond3A_88 = arith.cmpi ne, %convert_element_type3A_86, %cond3A_87 : i32
      scf.if %cond3A_88 {
        %add3A_151 = arith.constant 2 : i32
        %add3A_152 = arith.addi %add3A_72, %add3A_151 : i32
        %mul3A_153 = arith.constant 80 : i32
        %mul3A_154 = arith.muli %add3A_152, %mul3A_153 : i32
        %dma_start3A_155 = tpu.memref_slice %arg5[%mul3A_154] : memref<10000xi32, #tpu.memory_space<vmem>> -> memref<80xi32, #tpu.memory_space<vmem>>
        %dma_start3A_156 = arith.constant 0 : i32
        %dma_start3A_157 = arith.constant 0 : i32
        %dma_start3A_158 = tpu.memref_slice %arg2[%dma_start3A_156, %dma_start3A_157] : memref<10000x128xf32, #tpu.memory_space<hbm>> -> memref<10000x128xf32, #tpu.memory_space<hbm>>
        tpu.enqueue_indirect_dma source(%dma_start3A_158 : memref<10000x128xf32, #tpu.memory_space<hbm>>) target(%arg9 : memref<80x128xf32, #tpu.memory_space<vmem>>) offsets(%dma_start3A_155 : memref<80xi32, #tpu.memory_space<vmem>>) semaphore(%arg12 : memref<!tpu.dma_semaphore, #tpu.memory_space<semaphore_mem>>)
      } else {
      }
      %mul3A_89 = arith.constant 80 : i32
      %mul3A_90 = arith.muli %add3A_72, %mul3A_89 : i32
      %dma_start3A_91 = tpu.memref_slice %arg6[%mul3A_90] : memref<10000xi32, #tpu.memory_space<vmem>> -> memref<80xi32, #tpu.memory_space<vmem>>
      %dma_start3A_92 = arith.constant 0 : i32
      %dma_start3A_93 = arith.constant 0 : i32
      %dma_start3A_94 = tpu.memref_slice %arg17[%dma_start3A_92, %dma_start3A_93] : memref<10000x128xf32, #tpu.memory_space<vmem_shared>> -> memref<10000x128xf32, #tpu.memory_space<vmem_shared>>
      tpu.enqueue_indirect_dma source(%arg7 : memref<80x128xf32, #tpu.memory_space<vmem>>) target(%dma_start3A_94 : memref<10000x128xf32, #tpu.memory_space<vmem_shared>>) offsets(%dma_start3A_91 : memref<80xi32, #tpu.memory_space<vmem>>) semaphore(%arg13 : memref<!tpu.dma_semaphore, #tpu.memory_space<semaphore_mem>>) {add = true}
      %mul3A_95 = arith.constant 3 : i32
      %mul3A_96 = arith.muli %scan3A_68, %mul3A_95 : i32
      %add3A_97 = arith.constant 1 : i32
      %add3A_98 = arith.addi %mul3A_96, %add3A_97 : i32
      %mul3A_99 = arith.constant 80 : i32
      %mul3A_100 = arith.muli %add3A_98, %mul3A_99 : i32
      %dma_wait3A_101 = tpu.memref_slice %arg5[%mul3A_100] : memref<10000xi32, #tpu.memory_space<vmem>> -> memref<80xi32, #tpu.memory_space<vmem>>
      %dma_wait3A_102 = arith.constant 0 : i32
      %dma_wait3A_103 = arith.constant 0 : i32
      %dma_wait3A_104 = tpu.memref_slice %arg2[%dma_wait3A_102, %dma_wait3A_103] : memref<10000x128xf32, #tpu.memory_space<hbm>> -> memref<10000x128xf32, #tpu.memory_space<hbm>>
      tpu.wait_indirect_dma semaphore(%arg11 : memref<!tpu.dma_semaphore, #tpu.memory_space<semaphore_mem>>) src(%dma_wait3A_104 : memref<10000x128xf32, #tpu.memory_space<hbm>>) dst(%arg8 : memref<80x128xf32, #tpu.memory_space<vmem>>)
      %ge3A_105 = arith.constant 1 : i32
      %ge3A_106 = arith.cmpi sge, %add3A_98, %ge3A_105 : i32
      %convert_element_type3A_107 = arith.extui %ge3A_106 : i1 to i32
      %cond3A_108 = arith.constant 0 : i32
      %cond3A_109 = arith.cmpi ne, %convert_element_type3A_107, %cond3A_108 : i32
      scf.if %cond3A_109 {
        %sub3A = arith.constant 1 : i32
        %sub3A_151 = arith.subi %add3A_98, %sub3A : i32
        %mul3A_152 = arith.constant 80 : i32
        %mul3A_153 = arith.muli %sub3A_151, %mul3A_152 : i32
        %dma_wait3A_154 = tpu.memref_slice %arg6[%mul3A_153] : memref<10000xi32, #tpu.memory_space<vmem>> -> memref<80xi32, #tpu.memory_space<vmem>>
        %dma_wait3A_155 = arith.constant 0 : i32
        %dma_wait3A_156 = arith.constant 0 : i32
        %dma_wait3A_157 = tpu.memref_slice %arg17[%dma_wait3A_155, %dma_wait3A_156] : memref<10000x128xf32, #tpu.memory_space<vmem_shared>> -> memref<10000x128xf32, #tpu.memory_space<vmem_shared>>
        tpu.wait_indirect_dma semaphore(%arg13 : memref<!tpu.dma_semaphore, #tpu.memory_space<semaphore_mem>>) src(%arg7 : memref<80x128xf32, #tpu.memory_space<vmem>>) dst(%dma_wait3A_157 : memref<10000x128xf32, #tpu.memory_space<vmem_shared>>)
      } else {
      }
      %add3A_110 = arith.constant 2 : i32
      %add3A_111 = arith.addi %add3A_98, %add3A_110 : i32
      %lt3A_112 = arith.constant 125 : i32
      %lt3A_113 = arith.cmpi slt, %add3A_111, %lt3A_112 : i32
      %convert_element_type3A_114 = arith.extui %lt3A_113 : i1 to i32
      %cond3A_115 = arith.constant 0 : i32
      %cond3A_116 = arith.cmpi ne, %convert_element_type3A_114, %cond3A_115 : i32
      scf.if %cond3A_116 {
        %add3A_151 = arith.constant 2 : i32
        %add3A_152 = arith.addi %add3A_98, %add3A_151 : i32
        %mul3A_153 = arith.constant 80 : i32
        %mul3A_154 = arith.muli %add3A_152, %mul3A_153 : i32
        %dma_start3A_155 = tpu.memref_slice %arg5[%mul3A_154] : memref<10000xi32, #tpu.memory_space<vmem>> -> memref<80xi32, #tpu.memory_space<vmem>>
        %dma_start3A_156 = arith.constant 0 : i32
        %dma_start3A_157 = arith.constant 0 : i32
        %dma_start3A_158 = tpu.memref_slice %arg2[%dma_start3A_156, %dma_start3A_157] : memref<10000x128xf32, #tpu.memory_space<hbm>> -> memref<10000x128xf32, #tpu.memory_space<hbm>>
        tpu.enqueue_indirect_dma source(%dma_start3A_158 : memref<10000x128xf32, #tpu.memory_space<hbm>>) target(%arg7 : memref<80x128xf32, #tpu.memory_space<vmem>>) offsets(%dma_start3A_155 : memref<80xi32, #tpu.memory_space<vmem>>) semaphore(%arg10 : memref<!tpu.dma_semaphore, #tpu.memory_space<semaphore_mem>>)
      } else {
      }
      %mul3A_117 = arith.constant 80 : i32
      %mul3A_118 = arith.muli %add3A_98, %mul3A_117 : i32
      %dma_start3A_119 = tpu.memref_slice %arg6[%mul3A_118] : memref<10000xi32, #tpu.memory_space<vmem>> -> memref<80xi32, #tpu.memory_space<vmem>>
      %dma_start3A_120 = arith.constant 0 : i32
      %dma_start3A_121 = arith.constant 0 : i32
      %dma_start3A_122 = tpu.memref_slice %arg17[%dma_start3A_120, %dma_start3A_121] : memref<10000x128xf32, #tpu.memory_space<vmem_shared>> -> memref<10000x128xf32, #tpu.memory_space<vmem_shared>>
      tpu.enqueue_indirect_dma source(%arg8 : memref<80x128xf32, #tpu.memory_space<vmem>>) target(%dma_start3A_122 : memref<10000x128xf32, #tpu.memory_space<vmem_shared>>) offsets(%dma_start3A_119 : memref<80xi32, #tpu.memory_space<vmem>>) semaphore(%arg14 : memref<!tpu.dma_semaphore, #tpu.memory_space<semaphore_mem>>) {add = true}
      %mul3A_123 = arith.constant 3 : i32
      %mul3A_124 = arith.muli %scan3A_68, %mul3A_123 : i32
      %add3A_125 = arith.constant 2 : i32
      %add3A_126 = arith.addi %mul3A_124, %add3A_125 : i32
      %mul3A_127 = arith.constant 80 : i32
      %mul3A_128 = arith.muli %add3A_126, %mul3A_127 : i32
      %dma_wait3A_129 = tpu.memref_slice %arg5[%mul3A_128] : memref<10000xi32, #tpu.memory_space<vmem>> -> memref<80xi32, #tpu.memory_space<vmem>>
      %dma_wait3A_130 = arith.constant 0 : i32
      %dma_wait3A_131 = arith.constant 0 : i32
      %dma_wait3A_132 = tpu.memref_slice %arg2[%dma_wait3A_130, %dma_wait3A_131] : memref<10000x128xf32, #tpu.memory_space<hbm>> -> memref<10000x128xf32, #tpu.memory_space<hbm>>
      tpu.wait_indirect_dma semaphore(%arg12 : memref<!tpu.dma_semaphore, #tpu.memory_space<semaphore_mem>>) src(%dma_wait3A_132 : memref<10000x128xf32, #tpu.memory_space<hbm>>) dst(%arg9 : memref<80x128xf32, #tpu.memory_space<vmem>>)
      %ge3A_133 = arith.constant 1 : i32
      %ge3A_134 = arith.cmpi sge, %add3A_126, %ge3A_133 : i32
      %convert_element_type3A_135 = arith.extui %ge3A_134 : i1 to i32
      %cond3A_136 = arith.constant 0 : i32
      %cond3A_137 = arith.cmpi ne, %convert_element_type3A_135, %cond3A_136 : i32
      scf.if %cond3A_137 {
        %sub3A = arith.constant 1 : i32
        %sub3A_151 = arith.subi %add3A_126, %sub3A : i32
        %mul3A_152 = arith.constant 80 : i32
        %mul3A_153 = arith.muli %sub3A_151, %mul3A_152 : i32
        %dma_wait3A_154 = tpu.memref_slice %arg6[%mul3A_153] : memref<10000xi32, #tpu.memory_space<vmem>> -> memref<80xi32, #tpu.memory_space<vmem>>
        %dma_wait3A_155 = arith.constant 0 : i32
        %dma_wait3A_156 = arith.constant 0 : i32
        %dma_wait3A_157 = tpu.memref_slice %arg17[%dma_wait3A_155, %dma_wait3A_156] : memref<10000x128xf32, #tpu.memory_space<vmem_shared>> -> memref<10000x128xf32, #tpu.memory_space<vmem_shared>>
        tpu.wait_indirect_dma semaphore(%arg14 : memref<!tpu.dma_semaphore, #tpu.memory_space<semaphore_mem>>) src(%arg8 : memref<80x128xf32, #tpu.memory_space<vmem>>) dst(%dma_wait3A_157 : memref<10000x128xf32, #tpu.memory_space<vmem_shared>>)
      } else {
      }
      %add3A_138 = arith.constant 2 : i32
      %add3A_139 = arith.addi %add3A_126, %add3A_138 : i32
      %lt3A_140 = arith.constant 125 : i32
      %lt3A_141 = arith.cmpi slt, %add3A_139, %lt3A_140 : i32
      %convert_element_type3A_142 = arith.extui %lt3A_141 : i1 to i32
      %cond3A_143 = arith.constant 0 : i32
      %cond3A_144 = arith.cmpi ne, %convert_element_type3A_142, %cond3A_143 : i32
      scf.if %cond3A_144 {
        %add3A_151 = arith.constant 2 : i32
        %add3A_152 = arith.addi %add3A_126, %add3A_151 : i32
        %mul3A_153 = arith.constant 80 : i32
        %mul3A_154 = arith.muli %add3A_152, %mul3A_153 : i32
        %dma_start3A_155 = tpu.memref_slice %arg5[%mul3A_154] : memref<10000xi32, #tpu.memory_space<vmem>> -> memref<80xi32, #tpu.memory_space<vmem>>
        %dma_start3A_156 = arith.constant 0 : i32
        %dma_start3A_157 = arith.constant 0 : i32
        %dma_start3A_158 = tpu.memref_slice %arg2[%dma_start3A_156, %dma_start3A_157] : memref<10000x128xf32, #tpu.memory_space<hbm>> -> memref<10000x128xf32, #tpu.memory_space<hbm>>
        tpu.enqueue_indirect_dma source(%dma_start3A_158 : memref<10000x128xf32, #tpu.memory_space<hbm>>) target(%arg8 : memref<80x128xf32, #tpu.memory_space<vmem>>) offsets(%dma_start3A_155 : memref<80xi32, #tpu.memory_space<vmem>>) semaphore(%arg11 : memref<!tpu.dma_semaphore, #tpu.memory_space<semaphore_mem>>)
      } else {
      }
      %mul3A_145 = arith.constant 80 : i32
      %mul3A_146 = arith.muli %add3A_126, %mul3A_145 : i32
      %dma_start3A_147 = tpu.memref_slice %arg6[%mul3A_146] : memref<10000xi32, #tpu.memory_space<vmem>> -> memref<80xi32, #tpu.memory_space<vmem>>
      %dma_start3A_148 = arith.constant 0 : i32
      %dma_start3A_149 = arith.constant 0 : i32
      %dma_start3A_150 = tpu.memref_slice %arg17[%dma_start3A_148, %dma_start3A_149] : memref<10000x128xf32, #tpu.memory_space<vmem_shared>> -> memref<10000x128xf32, #tpu.memory_space<vmem_shared>>
      tpu.enqueue_indirect_dma source(%arg9 : memref<80x128xf32, #tpu.memory_space<vmem>>) target(%dma_start3A_150 : memref<10000x128xf32, #tpu.memory_space<vmem_shared>>) offsets(%dma_start3A_147 : memref<80xi32, #tpu.memory_space<vmem>>) semaphore(%arg15 : memref<!tpu.dma_semaphore, #tpu.memory_space<semaphore_mem>>) {add = true}
    }
    %scan3A_27 = arith.constant 41 : i32
    %dma_wait3A = arith.constant 9840 : i32
    %dma_wait3A_28 = tpu.memref_slice %arg5[%dma_wait3A] : memref<10000xi32, #tpu.memory_space<vmem>> -> memref<80xi32, #tpu.memory_space<vmem>>
    %dma_wait3A_29 = arith.constant 0 : i32
    %dma_wait3A_30 = arith.constant 0 : i32
    %dma_wait3A_31 = tpu.memref_slice %arg2[%dma_wait3A_29, %dma_wait3A_30] : memref<10000x128xf32, #tpu.memory_space<hbm>> -> memref<10000x128xf32, #tpu.memory_space<hbm>>
    tpu.wait_indirect_dma semaphore(%arg10 : memref<!tpu.dma_semaphore, #tpu.memory_space<semaphore_mem>>) src(%dma_wait3A_31 : memref<10000x128xf32, #tpu.memory_space<hbm>>) dst(%arg7 : memref<80x128xf32, #tpu.memory_space<vmem>>)
    %dma_wait3A_32 = arith.constant 9760 : i32
    %dma_wait3A_33 = tpu.memref_slice %arg6[%dma_wait3A_32] : memref<10000xi32, #tpu.memory_space<vmem>> -> memref<80xi32, #tpu.memory_space<vmem>>
    %dma_wait3A_34 = arith.constant 0 : i32
    %dma_wait3A_35 = arith.constant 0 : i32
    %dma_wait3A_36 = tpu.memref_slice %arg17[%dma_wait3A_34, %dma_wait3A_35] : memref<10000x128xf32, #tpu.memory_space<vmem_shared>> -> memref<10000x128xf32, #tpu.memory_space<vmem_shared>>
    tpu.wait_indirect_dma semaphore(%arg15 : memref<!tpu.dma_semaphore, #tpu.memory_space<semaphore_mem>>) src(%arg9 : memref<80x128xf32, #tpu.memory_space<vmem>>) dst(%dma_wait3A_36 : memref<10000x128xf32, #tpu.memory_space<vmem_shared>>)
    %dma_start3A_37 = arith.constant 9840 : i32
    %dma_start3A_38 = tpu.memref_slice %arg6[%dma_start3A_37] : memref<10000xi32, #tpu.memory_space<vmem>> -> memref<80xi32, #tpu.memory_space<vmem>>
    %dma_start3A_39 = arith.constant 0 : i32
    %dma_start3A_40 = arith.constant 0 : i32
    %dma_start3A_41 = tpu.memref_slice %arg17[%dma_start3A_39, %dma_start3A_40] : memref<10000x128xf32, #tpu.memory_space<vmem_shared>> -> memref<10000x128xf32, #tpu.memory_space<vmem_shared>>
    tpu.enqueue_indirect_dma source(%arg7 : memref<80x128xf32, #tpu.memory_space<vmem>>) target(%dma_start3A_41 : memref<10000x128xf32, #tpu.memory_space<vmem_shared>>) offsets(%dma_start3A_38 : memref<80xi32, #tpu.memory_space<vmem>>) semaphore(%arg13 : memref<!tpu.dma_semaphore, #tpu.memory_space<semaphore_mem>>) {add = true}
    %dma_wait3A_42 = arith.constant 9920 : i32
    %dma_wait3A_43 = tpu.memref_slice %arg5[%dma_wait3A_42] : memref<10000xi32, #tpu.memory_space<vmem>> -> memref<80xi32, #tpu.memory_space<vmem>>
    %dma_wait3A_44 = arith.constant 0 : i32
    %dma_wait3A_45 = arith.constant 0 : i32
    %dma_wait3A_46 = tpu.memref_slice %arg2[%dma_wait3A_44, %dma_wait3A_45] : memref<10000x128xf32, #tpu.memory_space<hbm>> -> memref<10000x128xf32, #tpu.memory_space<hbm>>
    tpu.wait_indirect_dma semaphore(%arg11 : memref<!tpu.dma_semaphore, #tpu.memory_space<semaphore_mem>>) src(%dma_wait3A_46 : memref<10000x128xf32, #tpu.memory_space<hbm>>) dst(%arg8 : memref<80x128xf32, #tpu.memory_space<vmem>>)
    %dma_wait3A_47 = arith.constant 9840 : i32
    %dma_wait3A_48 = tpu.memref_slice %arg6[%dma_wait3A_47] : memref<10000xi32, #tpu.memory_space<vmem>> -> memref<80xi32, #tpu.memory_space<vmem>>
    %dma_wait3A_49 = arith.constant 0 : i32
    %dma_wait3A_50 = arith.constant 0 : i32
    %dma_wait3A_51 = tpu.memref_slice %arg17[%dma_wait3A_49, %dma_wait3A_50] : memref<10000x128xf32, #tpu.memory_space<vmem_shared>> -> memref<10000x128xf32, #tpu.memory_space<vmem_shared>>
    tpu.wait_indirect_dma semaphore(%arg13 : memref<!tpu.dma_semaphore, #tpu.memory_space<semaphore_mem>>) src(%arg7 : memref<80x128xf32, #tpu.memory_space<vmem>>) dst(%dma_wait3A_51 : memref<10000x128xf32, #tpu.memory_space<vmem_shared>>)
    %dma_start3A_52 = arith.constant 9920 : i32
    %dma_start3A_53 = tpu.memref_slice %arg6[%dma_start3A_52] : memref<10000xi32, #tpu.memory_space<vmem>> -> memref<80xi32, #tpu.memory_space<vmem>>
    %dma_start3A_54 = arith.constant 0 : i32
    %dma_start3A_55 = arith.constant 0 : i32
    %dma_start3A_56 = tpu.memref_slice %arg17[%dma_start3A_54, %dma_start3A_55] : memref<10000x128xf32, #tpu.memory_space<vmem_shared>> -> memref<10000x128xf32, #tpu.memory_space<vmem_shared>>
    tpu.enqueue_indirect_dma source(%arg8 : memref<80x128xf32, #tpu.memory_space<vmem>>) target(%dma_start3A_56 : memref<10000x128xf32, #tpu.memory_space<vmem_shared>>) offsets(%dma_start3A_53 : memref<80xi32, #tpu.memory_space<vmem>>) semaphore(%arg14 : memref<!tpu.dma_semaphore, #tpu.memory_space<semaphore_mem>>) {add = true}
    %dma_wait3A_57 = arith.constant 9920 : i32
    %dma_wait3A_58 = tpu.memref_slice %arg6[%dma_wait3A_57] : memref<10000xi32, #tpu.memory_space<vmem>> -> memref<80xi32, #tpu.memory_space<vmem>>
    %dma_wait3A_59 = arith.constant 0 : i32
    %dma_wait3A_60 = arith.constant 0 : i32
    %dma_wait3A_61 = tpu.memref_slice %arg17[%dma_wait3A_59, %dma_wait3A_60] : memref<10000x128xf32, #tpu.memory_space<vmem_shared>> -> memref<10000x128xf32, #tpu.memory_space<vmem_shared>>
    tpu.wait_indirect_dma semaphore(%arg14 : memref<!tpu.dma_semaphore, #tpu.memory_space<semaphore_mem>>) src(%arg8 : memref<80x128xf32, #tpu.memory_space<vmem>>) dst(%dma_wait3A_61 : memref<10000x128xf32, #tpu.memory_space<vmem_shared>>)
    %barrier3A_62 = arith.constant 0 : index
    tpu.barrier barrier_id(%barrier3A_62)
    %eq3A_63 = arith.constant 0 : i32
    %eq3A_64 = arith.cmpi eq, %arg1, %eq3A_63 : i32
    %convert_element_type3A_65 = arith.extui %eq3A_64 : i1 to i32
    %cond3A_66 = arith.constant 0 : i32
    %cond3A_67 = arith.cmpi ne, %convert_element_type3A_65, %cond3A_66 : i32
    scf.if %cond3A_67 {
      "tpu.region"() ({
        %run_scoped3A = tpu.sem_alloc : memref<!tpu.dma_semaphore, #tpu.memory_space<semaphore_mem>>
        %dma_start3A_68 = arith.constant 0 : i32
        %dma_start3A_69 = arith.constant 0 : i32
        %dma_start3A_70 = tpu.memref_slice %arg4[%arg0, %dma_start3A_68, %dma_start3A_69] : memref<2x10000x128xf32, #tpu.memory_space<hbm>> -> memref<1x10000x128xf32, #tpu.memory_space<hbm>>
        %dma_start3A_71 = tpu.memref_squeeze %dma_start3A_70 : memref<1x10000x128xf32, #tpu.memory_space<hbm>> -> memref<10000x128xf32, #tpu.memory_space<hbm>>
        tpu.enqueue_dma source(%arg17 : memref<10000x128xf32, #tpu.memory_space<vmem_shared>>) target(%dma_start3A_71 : memref<10000x128xf32, #tpu.memory_space<hbm>>) target_semaphore(%run_scoped3A : memref<!tpu.dma_semaphore, #tpu.memory_space<semaphore_mem>>)
        %dma_wait3A_72 = arith.constant 0 : i32
        %dma_wait3A_73 = arith.constant 0 : i32
        %dma_wait3A_74 = tpu.memref_slice %arg4[%arg0, %dma_wait3A_72, %dma_wait3A_73] : memref<2x10000x128xf32, #tpu.memory_space<hbm>> -> memref<1x10000x128xf32, #tpu.memory_space<hbm>>
        %dma_wait3A_75 = tpu.memref_squeeze %dma_wait3A_74 : memref<1x10000x128xf32, #tpu.memory_space<hbm>> -> memref<10000x128xf32, #tpu.memory_space<hbm>>
        tpu.wait_dma2 semaphore(%run_scoped3A : memref<!tpu.dma_semaphore, #tpu.memory_space<semaphore_mem>>) src(%arg17 : memref<10000x128xf32, #tpu.memory_space<vmem_shared>>) dst(%dma_wait3A_75 : memref<10000x128xf32, #tpu.memory_space<hbm>>)
        tpu.yield
      }) : () -> ()
    } else {
    }
    return
  }
}

module attributes {stable_mosaic.version = 14 : i64} {
  func.func @_mm0_body(%arg0: i32, %arg1: memref<2000x128xf32, #tpu.memory_space<vmem>>, %arg2: memref<128x128xf32, #tpu.memory_space<vmem>>, %arg3: memref<2x2000x1xf32, #tpu.memory_space<vmem>>, %arg4: memref<2000x128xf32, #tpu.memory_space<vmem>>, %arg5: memref<2000x1xf32, #tpu.memory_space<vmem>>) attributes {dimension_semantics = [#tpu.dimension_semantics<arbitrary>], iteration_bounds = array<i64: 5>, scalar_prefetch = 0 : i64, scratch_operands = 0 : i64, tpu.core_type = #tpu.core_type<tc>, window_params = [{transform_indices = @transform_0, window_bounds = array<i64: 2000, 128>}, {pipeline_mode = #tpu.pipeline_mode<synchronous>, transform_indices = @transform_1, window_bounds = array<i64: 128, 128>}, {transform_indices = @transform_2, window_bounds = array<i64: 2, 2000, 1>}, {transform_indices = @transform_3, window_bounds = array<i64: 2000, 128>}, {transform_indices = @transform_4, window_bounds = array<i64: 2000, 1>}]} {
    %get3A = arith.constant 0 : index
    %get3A_0 = arith.constant 0 : index
    %get3A_1 = arith.constant 0 : index
    %get3A_2 = vector.load %arg3[%get3A, %get3A_0, %get3A_1] : memref<2x2000x1xf32, #tpu.memory_space<vmem>>, vector<1x2000x1xf32>
    %get3A_3 = vector.shape_cast %get3A_2 : vector<1x2000x1xf32> to vector<2000x1xf32>
    %get3A_4 = arith.constant 1 : index
    %get3A_5 = arith.constant 0 : index
    %get3A_6 = arith.constant 0 : index
    %get3A_7 = vector.load %arg3[%get3A_4, %get3A_5, %get3A_6] : memref<2x2000x1xf32, #tpu.memory_space<vmem>>, vector<1x2000x1xf32>
    %get3A_8 = vector.shape_cast %get3A_7 : vector<1x2000x1xf32> to vector<2000x1xf32>
    %add3A = arith.addf %get3A_3, %get3A_8 : vector<2000x1xf32>
    %add3A_9 = arith.constant 1.000000e+00 : f32
    %add3A_10 = vector.broadcast %add3A_9 : f32 to vector<2000x1xf32>
    %add3A_11 = arith.addf %add3A, %add3A_10 : vector<2000x1xf32>
    %rsqrt3A = math.rsqrt %add3A_11 : vector<2000x1xf32>
    %get3A_12 = arith.constant 0 : index
    %get3A_13 = arith.constant 0 : index
    %get3A_14 = vector.load %arg1[%get3A_12, %get3A_13] : memref<2000x128xf32, #tpu.memory_space<vmem>>, vector<2000x128xf32>
    %get3A_15 = arith.constant 0 : index
    %get3A_16 = arith.constant 0 : index
    %get3A_17 = vector.load %arg2[%get3A_15, %get3A_16] : memref<128x128xf32, #tpu.memory_space<vmem>>, vector<128x128xf32>
    %dot_general3A = arith.constant dense<0.000000e+00> : vector<2000x128xf32>
    %dot_general3A_18 = tpu.matmul %get3A_14, %get3A_17, %dot_general3A {dimension_numbers = #tpu.dot_dimension_numbers<[1], [0], [0], [1], [0, 0, 1, 1], [], []>, transpose_lhs_hint = false} : vector<2000x128xf32>, vector<128x128xf32>, vector<2000x128xf32> -> vector<2000x128xf32>
    %mul3A = vector.broadcast %rsqrt3A : vector<2000x1xf32> to vector<2000x128xf32>
    %mul3A_19 = arith.mulf %dot_general3A_18, %mul3A : vector<2000x128xf32>
    %swap3A = arith.constant 0 : index
    %swap3A_20 = arith.constant 0 : index
    %swap3A_21 = vector.load %arg4[%swap3A, %swap3A_20] : memref<2000x128xf32, #tpu.memory_space<vmem>>, vector<2000x128xf32>
    tpu.vector_store %arg4[%swap3A, %swap3A_20], %mul3A_19 {strides = array<i32>} : memref<2000x128xf32, #tpu.memory_space<vmem>>, vector<2000x128xf32>,
    %swap3A_22 = arith.constant 0 : index
    %swap3A_23 = arith.constant 0 : index
    %swap3A_24 = vector.load %arg5[%swap3A_22, %swap3A_23] : memref<2000x1xf32, #tpu.memory_space<vmem>>, vector<2000x1xf32>
    tpu.vector_store %arg5[%swap3A_22, %swap3A_23], %rsqrt3A {strides = array<i32>} : memref<2000x1xf32, #tpu.memory_space<vmem>>, vector<2000x1xf32>,
    return
  }
  func.func @transform_0(%arg0: i32) -> (i32, i32) {
    %c0_i32 = arith.constant 0 : i32
    %c0_i32_0 = arith.constant 0 : i32
    return %arg0, %c0_i32 : i32, i32
  }
  func.func @transform_1(%arg0: i32) -> (i32, i32) {
    %c0_i32 = arith.constant 0 : i32
    %c0_i32_0 = arith.constant 0 : i32
    %c0_i32_1 = arith.constant 0 : i32
    return %c0_i32, %c0_i32_0 : i32, i32
  }
  func.func @transform_2(%arg0: i32) -> (i32, i32, i32) {
    %c0_i32 = arith.constant 0 : i32
    %c0_i32_0 = arith.constant 0 : i32
    %c0_i32_1 = arith.constant 0 : i32
    return %c0_i32, %arg0, %c0_i32_0 : i32, i32, i32
  }
  func.func @transform_3(%arg0: i32) -> (i32, i32) {
    %c0_i32 = arith.constant 0 : i32
    %c0_i32_0 = arith.constant 0 : i32
    return %arg0, %c0_i32 : i32, i32
  }
  func.func @transform_4(%arg0: i32) -> (i32, i32) {
    %c0_i32 = arith.constant 0 : i32
    %c0_i32_0 = arith.constant 0 : i32
    return %arg0, %c0_i32 : i32, i32
  }
}

module attributes {stable_mosaic.version = 14 : i64} {
  func.func @_mm_body(%arg0: i32, %arg1: memref<2x2000x128xf32, #tpu.memory_space<vmem>>, %arg2: memref<2000x128xf32, #tpu.memory_space<vmem>>, %arg3: memref<2000x1xf32, #tpu.memory_space<vmem>>, %arg4: memref<1x128xf32, #tpu.memory_space<vmem>>, %arg5: memref<128x128xf32, #tpu.memory_space<vmem>>, %arg6: memref<2000x128xf32, #tpu.memory_space<vmem>>) attributes {dimension_semantics = [#tpu.dimension_semantics<arbitrary>], iteration_bounds = array<i64: 5>, scalar_prefetch = 0 : i64, scratch_operands = 0 : i64, tpu.core_type = #tpu.core_type<tc>, window_params = [{transform_indices = @transform_0, window_bounds = array<i64: 2, 2000, 128>}, {transform_indices = @transform_1, window_bounds = array<i64: 2000, 128>}, {transform_indices = @transform_2, window_bounds = array<i64: 2000, 1>}, {pipeline_mode = #tpu.pipeline_mode<synchronous>, transform_indices = @transform_3, window_bounds = array<i64: 1, 128>}, {pipeline_mode = #tpu.pipeline_mode<synchronous>, transform_indices = @transform_4, window_bounds = array<i64: 128, 128>}, {transform_indices = @transform_5, window_bounds = array<i64: 2000, 128>}]} {
    %get3A = arith.constant 0 : index
    %get3A_0 = arith.constant 0 : index
    %get3A_1 = vector.load %arg3[%get3A, %get3A_0] : memref<2000x1xf32, #tpu.memory_space<vmem>>, vector<2000x1xf32>
    %get3A_2 = arith.constant 0 : index
    %get3A_3 = arith.constant 0 : index
    %get3A_4 = arith.constant 0 : index
    %get3A_5 = vector.load %arg1[%get3A_2, %get3A_3, %get3A_4] : memref<2x2000x128xf32, #tpu.memory_space<vmem>>, vector<1x2000x128xf32>
    %get3A_6 = vector.shape_cast %get3A_5 : vector<1x2000x128xf32> to vector<2000x128xf32>
    %get3A_7 = arith.constant 1 : index
    %get3A_8 = arith.constant 0 : index
    %get3A_9 = arith.constant 0 : index
    %get3A_10 = vector.load %arg1[%get3A_7, %get3A_8, %get3A_9] : memref<2x2000x128xf32, #tpu.memory_space<vmem>>, vector<1x2000x128xf32>
    %get3A_11 = vector.shape_cast %get3A_10 : vector<1x2000x128xf32> to vector<2000x128xf32>
    %add3A = arith.addf %get3A_6, %get3A_11 : vector<2000x128xf32>
    %get3A_12 = arith.constant 0 : index
    %get3A_13 = arith.constant 0 : index
    %get3A_14 = vector.load %arg2[%get3A_12, %get3A_13] : memref<2000x128xf32, #tpu.memory_space<vmem>>, vector<2000x128xf32>
    %sub3A = arith.subf %add3A, %get3A_14 : vector<2000x128xf32>
    %mul3A = vector.broadcast %get3A_1 : vector<2000x1xf32> to vector<2000x128xf32>
    %mul3A_15 = arith.mulf %mul3A, %sub3A : vector<2000x128xf32>
    %get3A_16 = arith.constant 0 : index
    %get3A_17 = arith.constant 0 : index
    %get3A_18 = vector.load %arg4[%get3A_16, %get3A_17] : memref<1x128xf32, #tpu.memory_space<vmem>>, vector<1x128xf32>
    %add3A_19 = vector.broadcast %get3A_18 : vector<1x128xf32> to vector<2000x128xf32>
    %add3A_20 = arith.addf %mul3A_15, %add3A_19 : vector<2000x128xf32>
    %max3A = arith.constant 0.000000e+00 : f32
    %max3A_21 = vector.broadcast %max3A : f32 to vector<2000x128xf32>
    %max3A_22 = arith.maximumf %add3A_20, %max3A_21 : vector<2000x128xf32>
    %get3A_23 = arith.constant 0 : index
    %get3A_24 = arith.constant 0 : index
    %get3A_25 = vector.load %arg5[%get3A_23, %get3A_24] : memref<128x128xf32, #tpu.memory_space<vmem>>, vector<128x128xf32>
    %dot_general3A = arith.constant dense<0.000000e+00> : vector<2000x128xf32>
    %dot_general3A_26 = tpu.matmul %max3A_22, %get3A_25, %dot_general3A {dimension_numbers = #tpu.dot_dimension_numbers<[1], [0], [0], [1], [0, 0, 1, 1], [], []>, transpose_lhs_hint = false} : vector<2000x128xf32>, vector<128x128xf32>, vector<2000x128xf32> -> vector<2000x128xf32>
    %mul3A_27 = vector.broadcast %get3A_1 : vector<2000x1xf32> to vector<2000x128xf32>
    %mul3A_28 = arith.mulf %dot_general3A_26, %mul3A_27 : vector<2000x128xf32>
    %swap3A = arith.constant 0 : index
    %swap3A_29 = arith.constant 0 : index
    %swap3A_30 = vector.load %arg6[%swap3A, %swap3A_29] : memref<2000x128xf32, #tpu.memory_space<vmem>>, vector<2000x128xf32>
    tpu.vector_store %arg6[%swap3A, %swap3A_29], %mul3A_28 {strides = array<i32>} : memref<2000x128xf32, #tpu.memory_space<vmem>>, vector<2000x128xf32>,
    return
  }
  func.func @transform_0(%arg0: i32) -> (i32, i32, i32) {
    %c0_i32 = arith.constant 0 : i32
    %c0_i32_0 = arith.constant 0 : i32
    %c0_i32_1 = arith.constant 0 : i32
    return %c0_i32, %arg0, %c0_i32_0 : i32, i32, i32
  }
  func.func @transform_1(%arg0: i32) -> (i32, i32) {
    %c0_i32 = arith.constant 0 : i32
    %c0_i32_0 = arith.constant 0 : i32
    return %arg0, %c0_i32 : i32, i32
  }
  func.func @transform_2(%arg0: i32) -> (i32, i32) {
    %c0_i32 = arith.constant 0 : i32
    %c0_i32_0 = arith.constant 0 : i32
    return %arg0, %c0_i32 : i32, i32
  }
  func.func @transform_3(%arg0: i32) -> (i32, i32) {
    %c0_i32 = arith.constant 0 : i32
    %c0_i32_0 = arith.constant 0 : i32
    %c0_i32_1 = arith.constant 0 : i32
    return %c0_i32, %c0_i32_0 : i32, i32
  }
  func.func @transform_4(%arg0: i32) -> (i32, i32) {
    %c0_i32 = arith.constant 0 : i32
    %c0_i32_0 = arith.constant 0 : i32
    %c0_i32_1 = arith.constant 0 : i32
    return %c0_i32, %c0_i32_0 : i32, i32
  }
  func.func @transform_5(%arg0: i32) -> (i32, i32) {
    %c0_i32 = arith.constant 0 : i32
    %c0_i32_0 = arith.constant 0 : i32
    return %arg0, %c0_i32 : i32, i32
  }
}

module attributes {stable_mosaic.version = 14 : i64} {
  func.func @_final_body(%arg0: i32, %arg1: memref<2x2000x128xf32, #tpu.memory_space<vmem>>, %arg2: memref<2000x128xf32, #tpu.memory_space<vmem>>, %arg3: memref<2000x1xf32, #tpu.memory_space<vmem>>, %arg4: memref<1x128xf32, #tpu.memory_space<vmem>>, %arg5: memref<128x64xf32, #tpu.memory_space<vmem>>, %arg6: memref<1x64xf32, #tpu.memory_space<vmem>>, %arg7: memref<64x1xf32, #tpu.memory_space<vmem>>, %arg8: memref<1x1xf32, #tpu.memory_space<vmem>>, %arg9: memref<2000x1xi32, #tpu.memory_space<vmem>>, %arg10: memref<64x1xf32, #tpu.memory_space<vmem>>, %arg11: memref<64x1xf32, #tpu.memory_space<vmem>>, %arg12: memref<64x1xf32, #tpu.memory_space<vmem>>) attributes {dimension_semantics = [#tpu.dimension_semantics<arbitrary>], iteration_bounds = array<i64: 5>, scalar_prefetch = 0 : i64, scratch_operands = 2 : i64, tpu.core_type = #tpu.core_type<tc>, window_params = [{transform_indices = @transform_0, window_bounds = array<i64: 2, 2000, 128>}, {transform_indices = @transform_1, window_bounds = array<i64: 2000, 128>}, {transform_indices = @transform_2, window_bounds = array<i64: 2000, 1>}, {pipeline_mode = #tpu.pipeline_mode<synchronous>, transform_indices = @transform_3, window_bounds = array<i64: 1, 128>}, {pipeline_mode = #tpu.pipeline_mode<synchronous>, transform_indices = @transform_4, window_bounds = array<i64: 128, 64>}, {pipeline_mode = #tpu.pipeline_mode<synchronous>, transform_indices = @transform_5, window_bounds = array<i64: 1, 64>}, {pipeline_mode = #tpu.pipeline_mode<synchronous>, transform_indices = @transform_6, window_bounds = array<i64: 64, 1>}, {pipeline_mode = #tpu.pipeline_mode<synchronous>, transform_indices = @transform_7, window_bounds = array<i64: 1, 1>}, {transform_indices = @transform_8, window_bounds = array<i64: 2000, 1>}, {pipeline_mode = #tpu.pipeline_mode<synchronous>, transform_indices = @transform_9, window_bounds = array<i64: 64, 1>}]} {
    %eq3A = arith.constant 0 : i32
    %eq3A_0 = arith.cmpi eq, %arg0, %eq3A : i32
    %convert_element_type3A = arith.extui %eq3A_0 : i1 to i32
    %cond3A = arith.constant 0 : i32
    %cond3A_1 = arith.cmpi ne, %convert_element_type3A, %cond3A : i32
    scf.if %cond3A_1 {
      %broadcast_in_dim3A_75 = arith.constant 0.000000e+00 : f32
      %broadcast_in_dim3A_76 = vector.broadcast %broadcast_in_dim3A_75 : f32 to vector<64x1xf32>
      %swap3A_77 = arith.constant 0 : index
      %swap3A_78 = arith.constant 0 : index
      %swap3A_79 = vector.load %arg11[%swap3A_77, %swap3A_78] : memref<64x1xf32, #tpu.memory_space<vmem>>, vector<64x1xf32>
      tpu.vector_store %arg11[%swap3A_77, %swap3A_78], %broadcast_in_dim3A_76 {strides = array<i32>} : memref<64x1xf32, #tpu.memory_space<vmem>>, vector<64x1xf32>,
      %broadcast_in_dim3A_80 = arith.constant 0.000000e+00 : f32
      %broadcast_in_dim3A_81 = vector.broadcast %broadcast_in_dim3A_80 : f32 to vector<64x1xf32>
      %swap3A_82 = arith.constant 0 : index
      %swap3A_83 = arith.constant 0 : index
      %swap3A_84 = vector.load %arg12[%swap3A_82, %swap3A_83] : memref<64x1xf32, #tpu.memory_space<vmem>>, vector<64x1xf32>
      tpu.vector_store %arg12[%swap3A_82, %swap3A_83], %broadcast_in_dim3A_81 {strides = array<i32>} : memref<64x1xf32, #tpu.memory_space<vmem>>, vector<64x1xf32>,
    } else {
    }
    %get3A = arith.constant 0 : index
    %get3A_2 = arith.constant 0 : index
    %get3A_3 = vector.load %arg3[%get3A, %get3A_2] : memref<2000x1xf32, #tpu.memory_space<vmem>>, vector<2000x1xf32>
    %get3A_4 = arith.constant 0 : index
    %get3A_5 = arith.constant 0 : index
    %get3A_6 = arith.constant 0 : index
    %get3A_7 = vector.load %arg1[%get3A_4, %get3A_5, %get3A_6] : memref<2x2000x128xf32, #tpu.memory_space<vmem>>, vector<1x2000x128xf32>
    %get3A_8 = vector.shape_cast %get3A_7 : vector<1x2000x128xf32> to vector<2000x128xf32>
    %get3A_9 = arith.constant 1 : index
    %get3A_10 = arith.constant 0 : index
    %get3A_11 = arith.constant 0 : index
    %get3A_12 = vector.load %arg1[%get3A_9, %get3A_10, %get3A_11] : memref<2x2000x128xf32, #tpu.memory_space<vmem>>, vector<1x2000x128xf32>
    %get3A_13 = vector.shape_cast %get3A_12 : vector<1x2000x128xf32> to vector<2000x128xf32>
    %add3A = arith.addf %get3A_8, %get3A_13 : vector<2000x128xf32>
    %get3A_14 = arith.constant 0 : index
    %get3A_15 = arith.constant 0 : index
    %get3A_16 = vector.load %arg2[%get3A_14, %get3A_15] : memref<2000x128xf32, #tpu.memory_space<vmem>>, vector<2000x128xf32>
    %sub3A = arith.subf %add3A, %get3A_16 : vector<2000x128xf32>
    %mul3A = vector.broadcast %get3A_3 : vector<2000x1xf32> to vector<2000x128xf32>
    %mul3A_17 = arith.mulf %mul3A, %sub3A : vector<2000x128xf32>
    %get3A_18 = arith.constant 0 : index
    %get3A_19 = arith.constant 0 : index
    %get3A_20 = vector.load %arg4[%get3A_18, %get3A_19] : memref<1x128xf32, #tpu.memory_space<vmem>>, vector<1x128xf32>
    %add3A_21 = vector.broadcast %get3A_20 : vector<1x128xf32> to vector<2000x128xf32>
    %add3A_22 = arith.addf %mul3A_17, %add3A_21 : vector<2000x128xf32>
    %get3A_23 = arith.constant 0 : index
    %get3A_24 = arith.constant 0 : index
    %get3A_25 = vector.load %arg5[%get3A_23, %get3A_24] : memref<128x64xf32, #tpu.memory_space<vmem>>, vector<128x64xf32>
    %dot_general3A = arith.constant dense<0.000000e+00> : vector<2000x64xf32>
    %dot_general3A_26 = tpu.matmul %add3A_22, %get3A_25, %dot_general3A {dimension_numbers = #tpu.dot_dimension_numbers<[1], [0], [0], [1], [0, 0, 1, 1], [], []>, transpose_lhs_hint = false} : vector<2000x128xf32>, vector<128x64xf32>, vector<2000x64xf32> -> vector<2000x64xf32>
    %get3A_27 = arith.constant 0 : index
    %get3A_28 = arith.constant 0 : index
    %get3A_29 = vector.load %arg6[%get3A_27, %get3A_28] : memref<1x64xf32, #tpu.memory_space<vmem>>, vector<1x64xf32>
    %add3A_30 = vector.broadcast %get3A_29 : vector<1x64xf32> to vector<2000x64xf32>
    %add3A_31 = arith.addf %dot_general3A_26, %add3A_30 : vector<2000x64xf32>
    %max3A = arith.constant 0.000000e+00 : f32
    %max3A_32 = vector.broadcast %max3A : f32 to vector<2000x64xf32>
    %max3A_33 = arith.maximumf %add3A_31, %max3A_32 : vector<2000x64xf32>
    %get3A_34 = arith.constant 0 : index
    %get3A_35 = arith.constant 0 : index
    %get3A_36 = vector.load %arg7[%get3A_34, %get3A_35] : memref<64x1xf32, #tpu.memory_space<vmem>>, vector<64x1xf32>
    %dot_general3A_37 = arith.constant dense<0.000000e+00> : vector<2000x1xf32>
    %dot_general3A_38 = tpu.matmul %max3A_33, %get3A_36, %dot_general3A_37 {dimension_numbers = #tpu.dot_dimension_numbers<[1], [0], [0], [1], [0, 0, 1, 1], [], []>, transpose_lhs_hint = false} : vector<2000x64xf32>, vector<64x1xf32>, vector<2000x1xf32> -> vector<2000x1xf32>
    %get3A_39 = arith.constant 0 : index
    %get3A_40 = arith.constant 0 : index
    %get3A_41 = vector.load %arg8[%get3A_39, %get3A_40] : memref<1x1xf32, #tpu.memory_space<vmem>>, vector<1x1xf32>
    %add3A_42 = vector.broadcast %get3A_41 : vector<1x1xf32> to vector<2000x1xf32>
    %add3A_43 = arith.addf %dot_general3A_38, %add3A_42 : vector<2000x1xf32>
    %iota3A = tpu.iota {dimensions = array<i32: 1>} : vector<1x64xi32>
    %get3A_44 = arith.constant 0 : index
    %get3A_45 = arith.constant 0 : index
    %get3A_46 = vector.load %arg9[%get3A_44, %get3A_45] : memref<2000x1xi32, #tpu.memory_space<vmem>>, vector<2000x1xi32>
    %eq3A_47 = vector.broadcast %get3A_46 : vector<2000x1xi32> to vector<2000x64xi32>
    %eq3A_48 = vector.broadcast %iota3A : vector<1x64xi32> to vector<2000x64xi32>
    %eq3A_49 = arith.cmpi eq, %eq3A_47, %eq3A_48 : vector<2000x64xi32>
    %convert_element_type3A_50 = arith.extui %eq3A_49 : vector<2000x64xi1> to vector<2000x64xi32>
    %convert_element_type3A_51 = arith.sitofp %convert_element_type3A_50 : vector<2000x64xi32> to vector<2000x64xf32>
    %get3A_52 = arith.constant 0 : index
    %get3A_53 = arith.constant 0 : index
    %get3A_54 = vector.load %arg11[%get3A_52, %get3A_53] : memref<64x1xf32, #tpu.memory_space<vmem>>, vector<64x1xf32>
    %dot_general3A_55 = arith.constant dense<0.000000e+00> : vector<64x1xf32>
    %dot_general3A_56 = tpu.matmul %convert_element_type3A_51, %add3A_43, %dot_general3A_55 {dimension_numbers = #tpu.dot_dimension_numbers<[0], [0], [1], [1], [0, 1, 1, 1], [], []>, transpose_lhs_hint = false} : vector<2000x64xf32>, vector<2000x1xf32>, vector<64x1xf32> -> vector<64x1xf32>
    %add3A_57 = arith.addf %get3A_54, %dot_general3A_56 : vector<64x1xf32>
    %swap3A = arith.constant 0 : index
    %swap3A_58 = arith.constant 0 : index
    %swap3A_59 = vector.load %arg11[%swap3A, %swap3A_58] : memref<64x1xf32, #tpu.memory_space<vmem>>, vector<64x1xf32>
    tpu.vector_store %arg11[%swap3A, %swap3A_58], %add3A_57 {strides = array<i32>} : memref<64x1xf32, #tpu.memory_space<vmem>>, vector<64x1xf32>,
    %get3A_60 = arith.constant 0 : index
    %get3A_61 = arith.constant 0 : index
    %get3A_62 = vector.load %arg12[%get3A_60, %get3A_61] : memref<64x1xf32, #tpu.memory_space<vmem>>, vector<64x1xf32>
    %broadcast_in_dim3A = arith.constant 1.000000e+00 : f32
    %broadcast_in_dim3A_63 = vector.broadcast %broadcast_in_dim3A : f32 to vector<2000x1xf32>
    %dot_general3A_64 = arith.constant dense<0.000000e+00> : vector<64x1xf32>
    %dot_general3A_65 = tpu.matmul %convert_element_type3A_51, %broadcast_in_dim3A_63, %dot_general3A_64 {dimension_numbers = #tpu.dot_dimension_numbers<[0], [0], [1], [1], [0, 1, 1, 1], [], []>, transpose_lhs_hint = false} : vector<2000x64xf32>, vector<2000x1xf32>, vector<64x1xf32> -> vector<64x1xf32>
    %add3A_66 = arith.addf %get3A_62, %dot_general3A_65 : vector<64x1xf32>
    %swap3A_67 = arith.constant 0 : index
    %swap3A_68 = arith.constant 0 : index
    %swap3A_69 = vector.load %arg12[%swap3A_67, %swap3A_68] : memref<64x1xf32, #tpu.memory_space<vmem>>, vector<64x1xf32>
    tpu.vector_store %arg12[%swap3A_67, %swap3A_68], %add3A_66 {strides = array<i32>} : memref<64x1xf32, #tpu.memory_space<vmem>>, vector<64x1xf32>,
    %eq3A_70 = arith.constant 4 : i32
    %eq3A_71 = arith.cmpi eq, %arg0, %eq3A_70 : i32
    %convert_element_type3A_72 = arith.extui %eq3A_71 : i1 to i32
    %cond3A_73 = arith.constant 0 : i32
    %cond3A_74 = arith.cmpi ne, %convert_element_type3A_72, %cond3A_73 : i32
    scf.if %cond3A_74 {
      %get3A_75 = arith.constant 0 : index
      %get3A_76 = arith.constant 0 : index
      %get3A_77 = vector.load %arg11[%get3A_75, %get3A_76] : memref<64x1xf32, #tpu.memory_space<vmem>>, vector<64x1xf32>
      %get3A_78 = arith.constant 0 : index
      %get3A_79 = arith.constant 0 : index
      %get3A_80 = vector.load %arg12[%get3A_78, %get3A_79] : memref<64x1xf32, #tpu.memory_space<vmem>>, vector<64x1xf32>
      %max3A_81 = arith.constant 1.000000e+00 : f32
      %max3A_82 = vector.broadcast %max3A_81 : f32 to vector<64x1xf32>
      %max3A_83 = arith.maximumf %get3A_80, %max3A_82 : vector<64x1xf32>
      %div3A = arith.divf %get3A_77, %max3A_83 : vector<64x1xf32>
      %swap3A_84 = arith.constant 0 : index
      %swap3A_85 = arith.constant 0 : index
      %swap3A_86 = vector.load %arg10[%swap3A_84, %swap3A_85] : memref<64x1xf32, #tpu.memory_space<vmem>>, vector<64x1xf32>
      tpu.vector_store %arg10[%swap3A_84, %swap3A_85], %div3A {strides = array<i32>} : memref<64x1xf32, #tpu.memory_space<vmem>>, vector<64x1xf32>,
    } else {
    }
    return
  }
  func.func @transform_0(%arg0: i32) -> (i32, i32, i32) {
    %c0_i32 = arith.constant 0 : i32
    %c0_i32_0 = arith.constant 0 : i32
    %c0_i32_1 = arith.constant 0 : i32
    return %c0_i32, %arg0, %c0_i32_0 : i32, i32, i32
  }
  func.func @transform_1(%arg0: i32) -> (i32, i32) {
    %c0_i32 = arith.constant 0 : i32
    %c0_i32_0 = arith.constant 0 : i32
    return %arg0, %c0_i32 : i32, i32
  }
  func.func @transform_2(%arg0: i32) -> (i32, i32) {
    %c0_i32 = arith.constant 0 : i32
    %c0_i32_0 = arith.constant 0 : i32
    return %arg0, %c0_i32 : i32, i32
  }
  func.func @transform_3(%arg0: i32) -> (i32, i32) {
    %c0_i32 = arith.constant 0 : i32
    %c0_i32_0 = arith.constant 0 : i32
    %c0_i32_1 = arith.constant 0 : i32
    return %c0_i32, %c0_i32_0 : i32, i32
  }
  func.func @transform_4(%arg0: i32) -> (i32, i32) {
    %c0_i32 = arith.constant 0 : i32
    %c0_i32_0 = arith.constant 0 : i32
    %c0_i32_1 = arith.constant 0 : i32
    return %c0_i32, %c0_i32_0 : i32, i32
  }
  func.func @transform_5(%arg0: i32) -> (i32, i32) {
    %c0_i32 = arith.constant 0 : i32
    %c0_i32_0 = arith.constant 0 : i32
    %c0_i32_1 = arith.constant 0 : i32
    return %c0_i32, %c0_i32_0 : i32, i32
  }
  func.func @transform_6(%arg0: i32) -> (i32, i32) {
    %c0_i32 = arith.constant 0 : i32
    %c0_i32_0 = arith.constant 0 : i32
    %c0_i32_1 = arith.constant 0 : i32
    return %c0_i32, %c0_i32_0 : i32, i32
  }
  func.func @transform_7(%arg0: i32) -> (i32, i32) {
    %c0_i32 = arith.constant 0 : i32
    %c0_i32_0 = arith.constant 0 : i32
    %c0_i32_1 = arith.constant 0 : i32
    return %c0_i32, %c0_i32_0 : i32, i32
  }
  func.func @transform_8(%arg0: i32) -> (i32, i32) {
    %c0_i32 = arith.constant 0 : i32
    %c0_i32_0 = arith.constant 0 : i32
    return %arg0, %c0_i32 : i32, i32
  }
  func.func @transform_9(%arg0: i32) -> (i32, i32) {
    %c0_i32 = arith.constant 0 : i32
    %c0_i32_0 = arith.constant 0 : i32
    %c0_i32_1 = arith.constant 0 : i32
    return %c0_i32, %c0_i32_0 : i32, i32
  }
}

</mosaic_0001>

<sc_bundles>
// kernel: kernel.10.cloned.1.call-start
scs
__scs_entry_jumppad:
0x0: {  	(pc) =	sbr.rel $0x88, $3  }
0x1: {  	(tag) =	ssettag $0x0;
	lr =	simm.s32 $0x1  }
0x2: {  	[smem:$0x3F94] =	sst lr;
	_ =	strace $0xD0000000  }
0x3: {  	_ = 	snop  }
0x4: {  	_ = 	snop  }
0x5: {  	_ = 	snop  }
0x6: {  	_ = 	snop  }
0x7: {  	_ = 	snop  }
__scs_overlays_trampoline_lowered:
0x8: {  	[smem:$0x3FA3] =	sst s0  }
0x9: {  	[smem:$0x3FA4] =	sst s1  }
0xa: {  	[smem:$0x3FA5] =	sst s2  }
0xb: {  	[smem:$0x3FA6] =	sst s3  }
0xc: {  	[smem:$0x3FA7] =	sst s4  }
0xd: {  	[smem:$0x3FA8] =	sst s5  }
0xe: {  	[smem:$0x3FA9] =	sst s6  }
0xf: {  	[smem:$0x3FAA] =	sst s7  }
0x10: {  	[smem:$0x3FAB] =	sst s8  }
0x11: {  	[smem:$0x3FAC] =	sst s9;
	s0 =	simm.s32 @!p0 $0x0  }
0x12: {  	s1 =	sld [smem:$0x3F92];
	s0 =	simm.s32 @p0 $0x1  }
0x13: {  	[smem:$0x3FAD] =	sst s0;
	s0 =	simm.s32 @!p1 $0x0  }
0x14: {  	s2 =	sld [smem:$0x3F91];
	s0 =	simm.s32 @p1 $0x1  }
0x15: {  	[smem:$0x3FAE] =	sst s0;
	s0 =	simm.s32 @!p2 $0x0  }
0x16: {  	s3 =	sld [smem:$0x3FDB];
	s0 =	simm.s32 @p2 $0x1  }
0x17: {  	s4 =	simm.s32 $0x1BF5;
	[smem:$0x3FB0] =	sst s0  }
0x18: {  	s0 =	sld [smem:$0x3F93];
	_ =	swait.ge [sflag:s4], $0x0  }
0x19: {  	s7 =	sld [smem:$0x3F94]  }
0x1a: {  	s8 =	sadd.s32 $0xFFFFE003, lr  }
0x1b: {  	s9 =	sadd.s32 $0xFFFFFEF7, lr;
	s5 =	simm.s32 $0xFFFFFFFF;
	p2 =	slt.u32 s8, $0xFFFFF086  }
0x1c: {  	p1 =	slt.u32 s9, $0xF7A;
	s5 =	simm.s32 @!p2 $0x0  }
0x1d: {  	s5 =	simm.s32 @p1 $0x1;
	p0 =	seq.s32 s7, s2  }
0x1e: {  	s7 =	smul.u32 @!p0 $0xF7A, s2;
	p2 =	seq.s32 @!p0 s5, $0x0  }
0x1f: {  	s9 =	smul.u32 $0xF7A, s1;
	s8 =	simm.s32 @!p0 $0x1BF5;
	p2 =	por !p2, p0  }
0x20: {  	[sflag:s8] =	ssyncset.s32 @!p0 $0xFFFFF086;
	s6 =	sadd.s32 @!p0 s3, s7;
	s7 =	simm.s32 @!p0 $0x108  }
0x21: {  	s3 =	sadd.s32 s3, s9;
	s6 =	sadd.s32 @!p0 $0x88, s6;
	s7 =	simm.s32 @p2 $0x1082  }
0x22: {  	[simem:s7], [sflag:s8] =	dma.local @!p0 [hbm:s6], $0xF7A  }
0x23: {  	s9 =	sor.u32 $0xD0000000, s2;
	s6 =	simm.s32 $0x108;
	_ =	swait.ge @!p0 [sflag:s8], $0x0  }
0x24: {  	s3 =	sadd.s32 $0x88, s3;
	s6 =	simm.s32 @!p1 $0x1082;
	[sflag:s4] =	ssyncset.s32 $0xFFFFF086  }
0x25: {  	[simem:s6], [sflag:s4] =	dma.local [hbm:s3], $0xF7A  }
0x26: {  	[smem:$0x3F94] =	sst s1;
	(tag) =	ssettag s2;
	_ =	strace s9  }
0x27: {  	s1 =	sld [smem:$0x3FA4]  }
0x28: {  	s2 =	sld [smem:$0x3FA5]  }
0x29: {  	s4 =	sld [smem:$0x3FA7]  }
0x2a: {  	p0 =	seq.s32 s5, $0x0;
	s5 =	sld [smem:$0x3FA8]  }
0x2b: {  	s6 =	sld [smem:$0x3FA9]  }
0x2c: {  	s7 =	sld [smem:$0x3FAA]  }
0x2d: {  	s3 =	simm.s32 $0x108;
	s8 =	sld [smem:$0x3FAB]  }
0x2e: {  	s3 =	simm.s32 @!p0 $0x1082;
	s9 =	sld [smem:$0x3FAC]  }
0x2f: {  	lr =	sadd.s32 s0, s3;
	s0 =	sld [smem:$0x3FA3]  }
0x30: {  	s3 =	sld [smem:$0x3FA6]  }
0x31: {  	[smem:$0x3FAF] =	sst s10  }
0x32: {  	s10 =	sld [smem:$0x3FAD];
	_ =	sdelay $0x3  }
0x33: {  	p0 =	seq.s32 s10, $0x1;
	s10 =	sld [smem:$0x3FAF];
	_ =	sdelay $0x3  }
0x34: {  	[smem:$0x3FAF] =	sst s10  }
0x35: {  	s10 =	sld [smem:$0x3FAE];
	_ =	sdelay $0x3  }
0x36: {  	p1 =	seq.s32 s10, $0x1;
	s10 =	sld [smem:$0x3FAF];
	_ =	sdelay $0x3  }
0x37: {  	[smem:$0x3FAF] =	sst s10  }
0x38: {  	s10 =	sld [smem:$0x3FB0]  }
0x39: {  	_ = 	snop;
	(pc) =	sbr.ind lr, $3  }
0x3a: {  	_ = 	snop  }
0x3b: {  	_ = 	snop  }
0x3c: {  	p2 =	seq.s32 s10, $0x1;
	s10 =	sld [smem:$0x3FAF]  }
0x3d: {  	_ =	shalt  }
0x3e: {  	_ =	shalt  }
0x3f: {  	_ =	shalt  }
0x40: {  	_ =	shalt  }
0x41: {  	_ =	shalt  }
0x42: {  	_ =	shalt  }
0x43: {  	_ =	shalt  }
0x44: {  	_ =	shalt  }
0x45: {  	_ =	shalt  }
0x46: {  	_ =	shalt  }
0x47: {  	_ =	shalt  }
0x48: {  	_ =	shalt  }
0x49: {  	_ =	shalt  }
0x4a: {  	_ =	shalt  }
0x4b: {  	_ =	shalt  }
0x4c: {  	_ =	shalt  }
0x4d: {  	_ =	shalt  }
0x4e: {  	_ =	shalt  }
0x4f: {  	_ =	shalt  }
0x50: {  	_ =	shalt  }
0x51: {  	_ =	shalt  }
0x52: {  	_ =	shalt  }
0x53: {  	_ =	shalt  }
0x54: {  	_ =	shalt  }
0x55: {  	_ =	shalt  }
0x56: {  	_ =	shalt  }
0x57: {  	_ =	shalt  }
0x58: {  	_ =	shalt  }
0x59: {  	_ =	shalt  }
0x5a: {  	_ =	shalt  }
0x5b: {  	_ =	shalt  }
0x5c: {  	_ =	shalt  }
0x5d: {  	_ =	shalt  }
0x5e: {  	_ =	shalt  }
0x5f: {  	_ =	shalt  }
0x60: {  	_ =	shalt  }
0x61: {  	_ =	shalt  }
0x62: {  	_ =	shalt  }
0x63: {  	_ =	shalt  }
0x64: {  	_ =	shalt  }
0x65: {  	_ =	shalt  }
0x66: {  	_ =	shalt  }
0x67: {  	_ =	shalt  }
0x68: {  	_ =	shalt  }
0x69: {  	_ =	shalt  }
0x6a: {  	_ =	shalt  }
0x6b: {  	_ =	shalt  }
0x6c: {  	_ =	shalt  }
0x6d: {  	_ =	shalt  }
0x6e: {  	_ =	shalt  }
0x6f: {  	_ =	shalt  }
0x70: {  	_ =	shalt  }
0x71: {  	_ =	shalt  }
0x72: {  	_ =	shalt  }
0x73: {  	_ =	shalt  }
0x74: {  	_ =	shalt  }
0x75: {  	_ =	shalt  }
0x76: {  	_ =	shalt  }
0x77: {  	_ =	shalt  }
0x78: {  	_ =	shalt  }
0x79: {  	_ =	shalt  }
0x7a: {  	_ =	shalt  }
0x7b: {  	_ =	shalt  }
0x7c: {  	_ =	shalt  }
0x7d: {  	_ =	shalt  }
0x7e: {  	_ =	shalt  }
0x7f: {  	_ =	shalt  }
0x80: {  	_ =	shalt  }
0x81: {  	_ =	shalt  }
0x82: {  	_ =	shalt  }
0x83: {  	_ =	shalt  }
0x84: {  	_ =	shalt  }
0x85: {  	_ =	shalt  }
0x86: {  	_ =	shalt  }
0x87: {  	_ =	shalt  }
.Lfunc_end0:
.L_simem_size_0:
called_computation_lowered:
.L_overlay_start_0:
0x88: {  	s2 =	sld [smem:$0x3FD9]  }
0x89: {  	s3 =	sld [smem:$0x3FFE];
	_ =	sdelay $0x1  }
0x8a: {  	s1 =	srdreg.scid  }
0x8b: {  	s0 =	sand.u32 $0x1, s1  }
0x8c: {  	s16 =	sshll.u32 s0, $0xA;
	s2 =	sadd.s32 s3, s2  }
0x8d: {  	s2 =	sadd.s32 s2, s16  }
0x8e: {  	[smem:$0x3FBB] =	sst s2  }
0x8f: {  	_ = 	snop  }
0x90: {  	(tm) =	ssettm $0x1  }
0x91: {  	s17 =	sld [smem:$0x3FFB];
	_ =	sdelay $0x3  }
0x92: {  	_ =	strace s17  }
0x93: {  	s2 =	sld [smem:$0x3FFC];
	_ =	sdelay $0x3  }
0x94: {  	_ =	strace s2  }
0x95: {  	s2 =	sld [smem:$0x3FFD];
	_ =	sdelay $0x3  }
0x96: {  	_ =	strace s2  }
0x97: {  	_ =	strace $0x8FFFFFFF  }
0x98: {  	s18 =	sld [smem:$0x3FDB];
	_ =	sdelay $0x1  }
0x99: {  	s19 =	simm.s32 $_scs_section_size  }
0x9a: {  	s4 =	simm.s32 $_size__tile_overlayer_lowered;
	s5 =	simm.s32 $_tile_overlayer_lowered  }
0x9b: {  	s22 =	simm.s32 $0x1BFF;
	s21 =	sshll.u32 s5, $0x1;
	s2 =	sadd.s32 s19, s18  }
0x9c: {  	s6 =	simm.s32 $0x0;
	s20 =	sshll.u32 s4, $0x1;
	s4 =	sadd.s32 s21, s2  }
0x9d: {  	[timem:s6], [sflag:s22] =	dma.local [hbm:s4], s20  }
0x9e: {  	_ =	swait.ge [sflag:s22], s20  }
0x9f: {  	s3 =	ssub.s32 $0x0, s20;
	[sflag:s22] =	ssyncset.done $0x0  }
0xa0: {  	[sflag:s22] =	ssyncadd.s32 s3;
	_ =	sdelay $0x1  }
0xa1: {  	s23 =	simm.s32 $0x1B8B  }
0xa2: {  	_ =	swait.ge [sflag:s23], $0x1  }
0xa3: {  	[sflag:s23] =	ssyncset.done $0x0  }
0xa4: {  	s25 =	simm.s32 $0x1B8E;
	s24 =	sld [smem:$0x3FFE];
	[sflag:s23] =	ssyncadd.s32 $0xFFFFFFFF  }
0xa5: {  	s26 =	simm.s32 $execute0_lowered;
	[smem:$0x3FD2] =	sst s25  }
0xa6: {  	s4 =	sshll.u32 s26, $0x1;
	_ =	strace $0x80000046;
	[dreg:$0x1] =	wrdreg $0xFFFFFFFF  }
0xa7: {  	s28 =	simm.s32 $_size_execute0_lowered;
	s2 =	sadd.s32 s2, s4;
	[dreg:$0x0] =	wrdreg $0x0  }
0xa8: {  	s4 =	sshll.u32 s28, $0x1;
	[dreg:$0x2] =	wrdreg s2  }
0xa9: {  	[dreg:$0x3] =	wrdreg s4  }
0xaa: {  	[dreg:$0x4] =	wrdreg $0xC0  }
0xab: {  	_ =	task [dreg:s6], $0x5FFFF  }
0xac: {  	[dreg:$0x1] =	wrdreg $0xFFFFFFFF  }
0xad: {  	[dreg:$0x0] =	wrdreg $0x60  }
0xae: {  	[dreg:$0x2] =	wrdreg s24  }
0xaf: {  	[dreg:$0x3] =	wrdreg $0x50000  }
0xb0: {  	[dreg:$0x4] =	wrdreg $0x9  }
0xb1: {  	_ =	task.clear_ibuf [dreg:s6], $0x5FFFF;
	_ =	strace $0x90000046  }
0xb2: {  	s29 =	simm.s32 $0x9;
	_ =	strace $0x80000048  }
0xb3: {  	_ =	swait.ge [sflag:s29], $0x1  }
0xb4: {  	[sflag:s29] =	ssyncadd.s32 $0xFFFFFFFF  }
0xb5: {  	_ =	strace $0x90000048  }
0xb6: {  	_ =	sfence  }
0xb7: {  	s30 =	sld [smem:$0x0];
	_ =	sdelay $0x2  }
0xb8: {  	s31 =	sshll.u32 s1, $0xD;
	s1 =	sshrl.u32 s1, $0x2  }
0xb9: {  	s3 =	sand.u32 $0x4000, s31;
	s1 =	sadd.s32 s1, s30  }
0xba: {  	s0 =	sor.u32 s3, s0;
	s1 =	sshll.u32 s1, $0x11  }
0xbb: {  	s0 =	sor.u32 s1, s0  }
0xbc: {  	s0 =	sadd.s32 $0x8F2B, s0  }
0xbd: {  	[sflag:s0] =	ssyncadd.remote.s32 $0x1  }
0xbe: {  	_ =	sfence.sel $0xFFFF  }
0xbf: {  	[dreg:$0x0] =	wrdreg $0xFFFFFFFF;
	(pc) =	sbr.abs _section_cstart, $3  }
0xc0: {  	[dreg:$0x1] =	wrdreg $0xFFFFFFFF  }
0xc1: {  	_ =	task.clear_ibuf [dreg:s6], $0x2FFFF;
	_ =	strace $0x9FFFFFFF  }
0xc2: {  	(tm) =	ssettm $0x7FFFFFFF  }
0xc3: {  	_ =	shalt  }
tec
execute0_lowered:
.L_overlay_start_1:
0x0: {  	(tag) =	ssettag $0x1  }
0x1: {  	s4 =	rddreg [dreg:$0x0]  }
0x2: {  	s0 =	srdreg.scid;
	s1 =	rddreg [dreg:$0x1]  }
0x3: {  	s7 =	stileid.u32;
	s2 =	simm.s32 $0x0;
	s3 =	sand.u32 $0x1, s0  }
0x4: {  	s10 =	simm.s32 $0x50;
	s11 =	simm.s32 $0x4F80;
	s5 =	sshll.u32 s3, $0x4  }
0x5: {  	s12 =	simm.s32 $0x0;
	s0 =	rddreg [dreg:$0x2];
	s5 =	sor.u32 s7, s5  }
0x6: {  	[smem:$0x7FF] =	sst s2;
	p0 =	sne.s32 s7, $0x0;
	s5 =	smul.u32 $0x2710, s5  }
0x7: {  	_ =	strace $0x80000047;
	s6 =	smul.u32 $0x500, s3;
	s8 =	ssub.s32 $0x2, s3  }
0x8: {  	s3 =	sadd.s32 $0x17400, s4;
	s9 =	sshrl.u32 s8, $0x1;
	s5 =	sshrl.u32 s5, $0x3  }
0x9: {  	v0 =	vlaneseq.u32;
	s7 =	simm.s32 $0x1;
	s6 =	sadd.s32 s6, s4;
	s5 =	sadd.s32 s4, s5  }
0xa: {  	v5 =	vimm.f32 $1.000000000e+00;
	v1 =	vor.u32 $0x10, v0;
	s8 =	ssub.s32 s8, s9;
	s9 =	sshrl.u32 @!p0 s1, $0x3;
	s4 =	sadd.s32 $0xD640, s5  }
0xb: {  	v2 =	vor.u32 $0x20, v0;
	v3 =	vor.u32 $0x30, v0;
	v4 =	vor.u32 $0x40, v0;
	s5 =	sadd.s32 $0x17A00, s6;
	s6 =	smax.u32 s8, $0x1;
	s8 =	simm.s32 $0x2780  }
.LBB2_1:
0xc: {  	[tilespmem:s2], [sflag:$0x1] =	stream.linear.gather [hbm4b:s4+s2], $0x2710, $0x38;
	[tilespmem:$0x5280] =	vst v63  }
0xd: {  	_ =	swait.ge [sflag:s7], $0x2710  }
0xe: {  	[sflag:s7] =	ssyncset.done $0x0  }
0xf: {  	[sflag:s7] =	ssyncadd.s32 $0xFFFFD8F0  }
0x10: {  	[tilespmem:s8], [sflag:$0x1] =	stream.linear.gather [hbm4b:s3+s2], $0x2800, $0x38;
	[tilespmem:$0x5280] =	vst v63  }
0x11: {  	_ =	swait.ge [sflag:s7], $0x2800  }
0x12: {  	[sflag:s7] =	ssyncset.done $0x0  }
0x13: {  	s13 =	simm.s32 @!p0 $0x1C01;
	[sflag:s7] =	ssyncadd.s32 $0xFFFFD800  }
0x14: {  	[spmem:s9], [sflag:s13] =	dma.local @!p0 [hbm:s3], $0x500  }
0x15: {  	s13 =	simm.s32 @!p0 $0x1  }
0x16: {  	_ =	swait.ge @!p0 [sflag:s13], $0x500  }
0x17: {  	[sflag:s13] =	ssyncset.done @!p0 $0x0  }
0x18: {  	[sflag:s13] =	ssyncadd.s32 @!p0 $0xFFFFFB00  }
0x19: {  	[tilespmem:$0x4F80] =	vst v0  }
0x1a: {  	[tilespmem:$0x4F90] =	vst v1  }
0x1b: {  	[tilespmem:$0x4FA0] =	vst v2  }
0x1c: {  	[tilespmem:$0x4FB0] =	vst v3  }
0x1d: {  	s14 =	simm.s32 $0x0;
	s13 =	simm.s32 $0x40;
	[tilespmem:$0x4FC0] =	vst v4  }
.LBB2_2:
0x1e: {  	p1 =	sne.s32 s13, $0x9C00;
	v6 =	vld [tilespmem:s14+$0x0];
	_ =	sdelay $0x3  }
.Ltmp0:
0x1f: {  	(pc) =	sbr.rel @p1 .LBB2_2-.Ltmp0, $2  }
0x20: {  	_ =	sdelay $0x2  }
0x21: {  	s14 =	sshra.s32 s13, $0x2;
	s13 =	sadd.s32 $0x40, s13;
	[tilespmem:v6+s8+$0x0] =	vst.idx.add.f32.msk $0xffff, v5  }
0x22: {  	v6 =	vld [tilespmem:s14+$0x0];
	_ =	sdelay $0x7  }
0x23: {  	[tilespmem:v6+s8+$0x0] =	vst.idx.add.f32.msk $0xffff, v5  }
0x24: {  	[bflag:$0x0] =	sbarrier.arrive $0xFFFF  }
0x25: {  	[spmem:s1] =	stream.indirect.scatter.add.f32 [tilespmem:s8], [sflag:$0x1], $0x80, s11, s10, $0xb8;
	[tilespmem:$0x5280] =	vst v63  }
0x26: {  	_ =	swait.ge [sflag:s7], $0x2800  }
0x27: {  	[sflag:s7] =	ssyncset.done $0x0  }
0x28: {  	s12 =	sadd.s32 $0x1, s12;
	[sflag:s7] =	ssyncadd.s32 $0xFFFFD800  }
0x29: {  	s13 =	simm.s32 @!p0 $0x1C01;
	p1 =	sne.s32 s12, s6;
	[bflag:$0x0] =	sbarrier.arrive $0xFFFF  }
0x2a: {  	[hbm:s5], [sflag:s13] =	dma.local @!p0 [spmem:s9], $0x500  }
.Ltmp1:
0x2b: {  	_ = 	snop;
	(pc) =	sbr.rel @p1 .LBB2_1-.Ltmp1, $4  }
0x2c: {  	s13 =	simm.s32 @!p0 $0x1  }
0x2d: {  	_ =	swait.ge @!p0 [sflag:s13], $0x500  }
0x2e: {  	[sflag:s13] =	ssyncset.done @!p0 $0x0  }
0x2f: {  	[sflag:s13] =	ssyncadd.s32 @!p0 $0xFFFFFB00  }
0x30: {  	_ =	sfence.sel $0x180000  }
0x31: {  	[bflag:$0x0] =	sbarrier.arrive $0xFFFF  }
0x32: {  	_ =	strace $0x90000047  }
0x33: {  	s0 =	sadd.s32 @!p0 $0x100000, s0;
	[bflag:$0x2] =	sbarrier.arrive $0xFFFF  }
0x34: {  	[sflag:s0] =	ssyncadd.tile.s32 @!p0 $0x1;
	_ =	shalt  }
.Lfunc_end2:
_tile_overlayer_lowered:
.L_overlay_start_2:
0x35: {  	(tag) =	ssettag $0x2  }
0x36: {  	s0 =	rddreg [dreg:$0x0];
	s2 =	stileid.u32  }
0x37: {  	s1 =	rddreg [dreg:$0x1];
	p0 =	sne.s32 s2, $0x0  }
0x38: {  	s3 =	rddreg [dreg:$0x2];
	[bflag:$0x3] =	sbarrier.arrive $0xFFFF;
	s2 =	simm.s32 @!p0 $0x1C01  }
0x39: {  	[timem:s3], [sflag:s2] =	dma.local @!p0 [hbm:s0], s1  }
0x3a: {  	s0 =	simm.s32 @!p0 $0x1  }
0x3b: {  	_ =	swait.ge @!p0 [sflag:s0], s1  }
0x3c: {  	s1 =	ssub.s32 @!p0 $0x0, s1;
	[sflag:s0] =	ssyncset.done @!p0 $0x0  }
0x3d: {  	[sflag:s0] =	ssyncadd.s32 @!p0 s1  }
0x3e: {  	[bflag:$0x3] =	sbarrier.arrive $0xFFFF  }
0x3f: {  	_ =	shalt  }

// kernel: kernel.13.cloned.1.call-start
scs
__scs_entry_jumppad:
0x0: {  	(pc) =	sbr.rel $0x88, $3  }
0x1: {  	(tag) =	ssettag $0x0;
	lr =	simm.s32 $0x1  }
0x2: {  	[smem:$0x3F94] =	sst lr;
	_ =	strace $0xD0000000  }
0x3: {  	_ = 	snop  }
0x4: {  	_ = 	snop  }
0x5: {  	_ = 	snop  }
0x6: {  	_ = 	snop  }
0x7: {  	_ = 	snop  }
__scs_overlays_trampoline_lowered:
0x8: {  	[smem:$0x3FA3] =	sst s0  }
0x9: {  	[smem:$0x3FA4] =	sst s1  }
0xa: {  	[smem:$0x3FA5] =	sst s2  }
0xb: {  	[smem:$0x3FA6] =	sst s3  }
0xc: {  	[smem:$0x3FA7] =	sst s4  }
0xd: {  	[smem:$0x3FA8] =	sst s5  }
0xe: {  	[smem:$0x3FA9] =	sst s6  }
0xf: {  	[smem:$0x3FAA] =	sst s7  }
0x10: {  	[smem:$0x3FAB] =	sst s8  }
0x11: {  	[smem:$0x3FAC] =	sst s9;
	s0 =	simm.s32 @!p0 $0x0  }
0x12: {  	s1 =	sld [smem:$0x3F92];
	s0 =	simm.s32 @p0 $0x1  }
0x13: {  	[smem:$0x3FAD] =	sst s0;
	s0 =	simm.s32 @!p1 $0x0  }
0x14: {  	s2 =	sld [smem:$0x3F91];
	s0 =	simm.s32 @p1 $0x1  }
0x15: {  	[smem:$0x3FAE] =	sst s0;
	s0 =	simm.s32 @!p2 $0x0  }
0x16: {  	s3 =	sld [smem:$0x3FDB];
	s0 =	simm.s32 @p2 $0x1  }
0x17: {  	s4 =	simm.s32 $0x1BF5;
	[smem:$0x3FB0] =	sst s0  }
0x18: {  	s0 =	sld [smem:$0x3F93];
	_ =	swait.ge [sflag:s4], $0x0  }
0x19: {  	s7 =	sld [smem:$0x3F94]  }
0x1a: {  	s8 =	sadd.s32 $0xFFFFE003, lr  }
0x1b: {  	s9 =	sadd.s32 $0xFFFFFEF7, lr;
	s5 =	simm.s32 $0xFFFFFFFF;
	p2 =	slt.u32 s8, $0xFFFFF086  }
0x1c: {  	p1 =	slt.u32 s9, $0xF7A;
	s5 =	simm.s32 @!p2 $0x0  }
0x1d: {  	s5 =	simm.s32 @p1 $0x1;
	p0 =	seq.s32 s7, s2  }
0x1e: {  	s7 =	smul.u32 @!p0 $0xF7A, s2;
	p2 =	seq.s32 @!p0 s5, $0x0  }
0x1f: {  	s9 =	smul.u32 $0xF7A, s1;
	s8 =	simm.s32 @!p0 $0x1BF5;
	p2 =	por !p2, p0  }
0x20: {  	[sflag:s8] =	ssyncset.s32 @!p0 $0xFFFFF086;
	s6 =	sadd.s32 @!p0 s3, s7;
	s7 =	simm.s32 @!p0 $0x108  }
0x21: {  	s3 =	sadd.s32 s3, s9;
	s6 =	sadd.s32 @!p0 $0x88, s6;
	s7 =	simm.s32 @p2 $0x1082  }
0x22: {  	[simem:s7], [sflag:s8] =	dma.local @!p0 [hbm:s6], $0xF7A  }
0x23: {  	s9 =	sor.u32 $0xD0000000, s2;
	s6 =	simm.s32 $0x108;
	_ =	swait.ge @!p0 [sflag:s8], $0x0  }
0x24: {  	s3 =	sadd.s32 $0x88, s3;
	s6 =	simm.s32 @!p1 $0x1082;
	[sflag:s4] =	ssyncset.s32 $0xFFFFF086  }
0x25: {  	[simem:s6], [sflag:s4] =	dma.local [hbm:s3], $0xF7A  }
0x26: {  	[smem:$0x3F94] =	sst s1;
	(tag) =	ssettag s2;
	_ =	strace s9  }
0x27: {  	s1 =	sld [smem:$0x3FA4]  }
0x28: {  	s2 =	sld [smem:$0x3FA5]  }
0x29: {  	s4 =	sld [smem:$0x3FA7]  }
0x2a: {  	p0 =	seq.s32 s5, $0x0;
	s5 =	sld [smem:$0x3FA8]  }
0x2b: {  	s6 =	sld [smem:$0x3FA9]  }
0x2c: {  	s7 =	sld [smem:$0x3FAA]  }
0x2d: {  	s3 =	simm.s32 $0x108;
	s8 =	sld [smem:$0x3FAB]  }
0x2e: {  	s3 =	simm.s32 @!p0 $0x1082;
	s9 =	sld [smem:$0x3FAC]  }
0x2f: {  	lr =	sadd.s32 s0, s3;
	s0 =	sld [smem:$0x3FA3]  }
0x30: {  	s3 =	sld [smem:$0x3FA6]  }
0x31: {  	[smem:$0x3FAF] =	sst s10  }
0x32: {  	s10 =	sld [smem:$0x3FAD];
	_ =	sdelay $0x3  }
0x33: {  	p0 =	seq.s32 s10, $0x1;
	s10 =	sld [smem:$0x3FAF];
	_ =	sdelay $0x3  }
0x34: {  	[smem:$0x3FAF] =	sst s10  }
0x35: {  	s10 =	sld [smem:$0x3FAE];
	_ =	sdelay $0x3  }
0x36: {  	p1 =	seq.s32 s10, $0x1;
	s10 =	sld [smem:$0x3FAF];
	_ =	sdelay $0x3  }
0x37: {  	[smem:$0x3FAF] =	sst s10  }
0x38: {  	s10 =	sld [smem:$0x3FB0]  }
0x39: {  	_ = 	snop;
	(pc) =	sbr.ind lr, $3  }
0x3a: {  	_ = 	snop  }
0x3b: {  	_ = 	snop  }
0x3c: {  	p2 =	seq.s32 s10, $0x1;
	s10 =	sld [smem:$0x3FAF]  }
0x3d: {  	_ =	shalt  }
0x3e: {  	_ =	shalt  }
0x3f: {  	_ =	shalt  }
0x40: {  	_ =	shalt  }
0x41: {  	_ =	shalt  }
0x42: {  	_ =	shalt  }
0x43: {  	_ =	shalt  }
0x44: {  	_ =	shalt  }
0x45: {  	_ =	shalt  }
0x46: {  	_ =	shalt  }
0x47: {  	_ =	shalt  }
0x48: {  	_ =	shalt  }
0x49: {  	_ =	shalt  }
0x4a: {  	_ =	shalt  }
0x4b: {  	_ =	shalt  }
0x4c: {  	_ =	shalt  }
0x4d: {  	_ =	shalt  }
0x4e: {  	_ =	shalt  }
0x4f: {  	_ =	shalt  }
0x50: {  	_ =	shalt  }
0x51: {  	_ =	shalt  }
0x52: {  	_ =	shalt  }
0x53: {  	_ =	shalt  }
0x54: {  	_ =	shalt  }
0x55: {  	_ =	shalt  }
0x56: {  	_ =	shalt  }
0x57: {  	_ =	shalt  }
0x58: {  	_ =	shalt  }
0x59: {  	_ =	shalt  }
0x5a: {  	_ =	shalt  }
0x5b: {  	_ =	shalt  }
0x5c: {  	_ =	shalt  }
0x5d: {  	_ =	shalt  }
0x5e: {  	_ =	shalt  }
0x5f: {  	_ =	shalt  }
0x60: {  	_ =	shalt  }
0x61: {  	_ =	shalt  }
0x62: {  	_ =	shalt  }
0x63: {  	_ =	shalt  }
0x64: {  	_ =	shalt  }
0x65: {  	_ =	shalt  }
0x66: {  	_ =	shalt  }
0x67: {  	_ =	shalt  }
0x68: {  	_ =	shalt  }
0x69: {  	_ =	shalt  }
0x6a: {  	_ =	shalt  }
0x6b: {  	_ =	shalt  }
0x6c: {  	_ =	shalt  }
0x6d: {  	_ =	shalt  }
0x6e: {  	_ =	shalt  }
0x6f: {  	_ =	shalt  }
0x70: {  	_ =	shalt  }
0x71: {  	_ =	shalt  }
0x72: {  	_ =	shalt  }
0x73: {  	_ =	shalt  }
0x74: {  	_ =	shalt  }
0x75: {  	_ =	shalt  }
0x76: {  	_ =	shalt  }
0x77: {  	_ =	shalt  }
0x78: {  	_ =	shalt  }
0x79: {  	_ =	shalt  }
0x7a: {  	_ =	shalt  }
0x7b: {  	_ =	shalt  }
0x7c: {  	_ =	shalt  }
0x7d: {  	_ =	shalt  }
0x7e: {  	_ =	shalt  }
0x7f: {  	_ =	shalt  }
0x80: {  	_ =	shalt  }
0x81: {  	_ =	shalt  }
0x82: {  	_ =	shalt  }
0x83: {  	_ =	shalt  }
0x84: {  	_ =	shalt  }
0x85: {  	_ =	shalt  }
0x86: {  	_ =	shalt  }
0x87: {  	_ =	shalt  }
.Lfunc_end0:
.L_simem_size_0:
called_computation.1_lowered:
.L_overlay_start_0:
0x88: {  	s2 =	sld [smem:$0x3FD9]  }
0x89: {  	s3 =	sld [smem:$0x3FFE];
	_ =	sdelay $0x1  }
0x8a: {  	s1 =	srdreg.scid  }
0x8b: {  	s0 =	sand.u32 $0x1, s1  }
0x8c: {  	s16 =	sshll.u32 s0, $0xA;
	s2 =	sadd.s32 s3, s2  }
0x8d: {  	s2 =	sadd.s32 s2, s16  }
0x8e: {  	[smem:$0x3FBB] =	sst s2  }
0x8f: {  	_ = 	snop  }
0x90: {  	(tm) =	ssettm $0x1  }
0x91: {  	s17 =	sld [smem:$0x3FFB];
	_ =	sdelay $0x3  }
0x92: {  	_ =	strace s17  }
0x93: {  	s2 =	sld [smem:$0x3FFC];
	_ =	sdelay $0x3  }
0x94: {  	_ =	strace s2  }
0x95: {  	s2 =	sld [smem:$0x3FFD];
	_ =	sdelay $0x3  }
0x96: {  	_ =	strace s2  }
0x97: {  	_ =	strace $0x8FFFFFFF  }
0x98: {  	s18 =	sld [smem:$0x3FDB];
	_ =	sdelay $0x1  }
0x99: {  	s19 =	simm.s32 $_scs_section_size  }
0x9a: {  	s4 =	simm.s32 $_size__tile_overlayer_lowered;
	s5 =	simm.s32 $_tile_overlayer_lowered  }
0x9b: {  	s22 =	simm.s32 $0x1BFF;
	s21 =	sshll.u32 s5, $0x1;
	s2 =	sadd.s32 s19, s18  }
0x9c: {  	s6 =	simm.s32 $0x0;
	s20 =	sshll.u32 s4, $0x1;
	s4 =	sadd.s32 s21, s2  }
0x9d: {  	[timem:s6], [sflag:s22] =	dma.local [hbm:s4], s20  }
0x9e: {  	_ =	swait.ge [sflag:s22], s20  }
0x9f: {  	s3 =	ssub.s32 $0x0, s20;
	[sflag:s22] =	ssyncset.done $0x0  }
0xa0: {  	[sflag:s22] =	ssyncadd.s32 s3;
	_ =	sdelay $0x1  }
0xa1: {  	s23 =	simm.s32 $0x1B8B  }
0xa2: {  	_ =	swait.ge [sflag:s23], $0x1  }
0xa3: {  	[sflag:s23] =	ssyncset.done $0x0  }
0xa4: {  	s25 =	simm.s32 $0x1B8E;
	s24 =	sld [smem:$0x3FFE];
	[sflag:s23] =	ssyncadd.s32 $0xFFFFFFFF  }
0xa5: {  	s26 =	simm.s32 $execute0_lowered;
	[smem:$0x3FD2] =	sst s25  }
0xa6: {  	s4 =	sshll.u32 s26, $0x1;
	_ =	strace $0x80000049;
	[dreg:$0x1] =	wrdreg $0xFFFFFFFF  }
0xa7: {  	s28 =	simm.s32 $_size_execute0_lowered;
	s2 =	sadd.s32 s2, s4;
	[dreg:$0x0] =	wrdreg $0x0  }
0xa8: {  	s4 =	sshll.u32 s28, $0x1;
	[dreg:$0x2] =	wrdreg s2  }
0xa9: {  	[dreg:$0x3] =	wrdreg s4  }
0xaa: {  	[dreg:$0x4] =	wrdreg $0xC0  }
0xab: {  	_ =	task [dreg:s6], $0x5FFFF  }
0xac: {  	[dreg:$0x1] =	wrdreg $0xFFFFFFFF  }
0xad: {  	[dreg:$0x0] =	wrdreg $0x60  }
0xae: {  	[dreg:$0x2] =	wrdreg s24  }
0xaf: {  	[dreg:$0x3] =	wrdreg $0xC7000  }
0xb0: {  	[dreg:$0x4] =	wrdreg $0x9  }
0xb1: {  	_ =	task.clear_ibuf [dreg:s6], $0x5FFFF;
	_ =	strace $0x90000049  }
0xb2: {  	s29 =	simm.s32 $0x9;
	_ =	strace $0x8000004B  }
0xb3: {  	_ =	swait.ge [sflag:s29], $0x1  }
0xb4: {  	[sflag:s29] =	ssyncadd.s32 $0xFFFFFFFF  }
0xb5: {  	_ =	strace $0x9000004B  }
0xb6: {  	_ =	sfence  }
0xb7: {  	s30 =	sld [smem:$0x0];
	_ =	sdelay $0x2  }
0xb8: {  	s31 =	sshll.u32 s1, $0xD;
	s1 =	sshrl.u32 s1, $0x2  }
0xb9: {  	s3 =	sand.u32 $0x4000, s31;
	s1 =	sadd.s32 s1, s30  }
0xba: {  	s0 =	sor.u32 s3, s0;
	s1 =	sshll.u32 s1, $0x11  }
0xbb: {  	s0 =	sor.u32 s1, s0  }
0xbc: {  	s0 =	sadd.s32 $0x8F2B, s0  }
0xbd: {  	[sflag:s0] =	ssyncadd.remote.s32 $0x1  }
0xbe: {  	_ =	sfence.sel $0xFFFF  }
0xbf: {  	[dreg:$0x0] =	wrdreg $0xFFFFFFFF;
	(pc) =	sbr.abs _section_cstart, $3  }
0xc0: {  	[dreg:$0x1] =	wrdreg $0xFFFFFFFF  }
0xc1: {  	_ =	task.clear_ibuf [dreg:s6], $0x2FFFF;
	_ =	strace $0x9FFFFFFF  }
0xc2: {  	(tm) =	ssettm $0x7FFFFFFF  }
0xc3: {  	_ =	shalt  }
tec
execute0_lowered:
.L_overlay_start_1:
0x0: {  	(tag) =	ssettag $0x1  }
0x1: {  	s4 =	rddreg [dreg:$0x0]  }
0x2: {  	s0 =	srdreg.scid;
	s1 =	rddreg [dreg:$0x1]  }
0x3: {  	s8 =	stileid.u32;
	s2 =	simm.s32 $0x0;
	s10 =	simm.s32 $0x2780  }
0x4: {  	s11 =	simm.s32 $0x50;
	s12 =	simm.s32 $0x4F00;
	s13 =	simm.s32 $0x7700  }
0x5: {  	s14 =	simm.s32 $0x1;
	s15 =	simm.s32 $0xA0;
	s16 =	simm.s32 $0x9F00  }
0x6: {  	s17 =	simm.s32 $0x2;
	s18 =	simm.s32 $0x4;
	s19 =	simm.s32 $0xF0  }
0x7: {  	s20 =	simm.s32 $0x27D0;
	s21 =	simm.s32 $0x3;
	s22 =	simm.s32 $0x5  }
0x8: {  	s23 =	simm.s32 $0x140;
	s24 =	simm.s32 $0x2820;
	s5 =	sand.u32 $0x1, s0  }
0x9: {  	s25 =	simm.s32 $0x6;
	s26 =	simm.s32 $0x4DF0;
	s3 =	sshll.u32 s5, $0x4  }
0xa: {  	s28 =	simm.s32 $0x4E40;
	s29 =	simm.s32 $0x0;
	s3 =	sor.u32 s8, s3  }
0xb: {  	[smem:$0x7FF] =	sst s2;
	p0 =	sne.s32 s8, $0x0;
	s6 =	smul.u32 $0x2710, s3  }
0xc: {  	_ =	strace $0x8000004A;
	s7 =	smul.u32 $0x27100, s5;
	s5 =	ssub.s32 $0x2, s5  }
0xd: {  	s31 =	sshrl.u32 s5, $0x1;
	s8 =	sshrl.u32 @!p0 s1, $0x3;
	s6 =	sshrl.u32 s6, $0x3  }
0xe: {  	s3 =	sadd.s32 $0x17400, s4;
	s7 =	sadd.s32 s7, s4;
	s6 =	sadd.s32 s6, s4  }
0xf: {  	s9 =	ssub.s32 s5, s31;
	s4 =	sadd.s32 $0x3A00, s6;
	s5 =	sadd.s32 $0xD640, s6  }
0x10: {  	s6 =	sadd.s32 $0x3E600, s7;
	s7 =	smax.u32 s9, $0x1;
	s9 =	simm.s32 $0x8  }
.LBB2_1:
0x11: {  	s30 =	simm.s32 @!p0 $0x1C07  }
0x12: {  	[spmem:s8], [sflag:s30] =	dma.local @!p0 [hbm:s3], $0x27100  }
0x13: {  	[tilespmem:s2], [sflag:$0x8] =	stream.linear.gather [hbm4b:s4+s2], $0x2710, $0x38;
	[tilespmem:$0x1FF80] =	vst v63  }
0x14: {  	_ =	swait.ge [sflag:s9], $0x2710  }
0x15: {  	[sflag:s9] =	ssyncset.done $0x0  }
0x16: {  	[sflag:s9] =	ssyncadd.s32 $0xFFFFD8F0  }
0x17: {  	[tilespmem:s10], [sflag:$0x8] =	stream.linear.gather [hbm4b:s5+s2], $0x2710, $0x38;
	[tilespmem:$0x1FF80] =	vst v63  }
0x18: {  	_ =	swait.ge [sflag:s9], $0x2710  }
0x19: {  	[sflag:s9] =	ssyncset.done $0x0  }
0x1a: {  	s30 =	simm.s32 @!p0 $0x7;
	[sflag:s9] =	ssyncadd.s32 $0xFFFFD8F0  }
0x1b: {  	_ =	swait.ge @!p0 [sflag:s30], $0x27100  }
0x1c: {  	[sflag:s30] =	ssyncset.done @!p0 $0x0  }
0x1d: {  	[sflag:s30] =	ssyncadd.s32 @!p0 $0xFFFD8F00  }
0x1e: {  	[tilespmem:s12], [sflag:$0x1] =	stream.indirect.gather [hbm4b:s3+s11], $0x80, s2, s11, $0xb8;
	[tilespmem:$0x1FF80] =	vst v63  }
0x1f: {  	_ = 	snop  }
0x20: {  	[tilespmem:s13], [sflag:$0x2] =	stream.indirect.gather [hbm4b:s3+s11], $0x80, s11, s11, $0xb8;
	[tilespmem:$0x1FF80] =	vst v63  }
0x21: {  	[bflag:$0x0] =	sbarrier.arrive $0xFFFF  }
0x22: {  	_ =	swait.ge [sflag:s14], $0x2800  }
0x23: {  	[sflag:s14] =	ssyncset.done $0x0  }
0x24: {  	[sflag:s14] =	ssyncadd.s32 $0xFFFFD800  }
0x25: {  	[tilespmem:s16], [sflag:$0x3] =	stream.indirect.gather [hbm4b:s3+s11], $0x80, s15, s11, $0xb8;
	[tilespmem:$0x1FF80] =	vst v63  }
0x26: {  	_ = 	snop  }
0x27: {  	[spmem:s1] =	stream.indirect.scatter.add.f32 [tilespmem:s12], [sflag:$0x4], $0x80, s10, s11, $0xb8;
	[tilespmem:$0x1FF80] =	vst v63  }
0x28: {  	_ =	swait.ge [sflag:s17], $0x2800  }
0x29: {  	[sflag:s17] =	ssyncset.done $0x0  }
0x2a: {  	[sflag:s17] =	ssyncadd.s32 $0xFFFFD800  }
0x2b: {  	_ =	swait.ge [sflag:s18], $0x2800  }
0x2c: {  	[sflag:s18] =	ssyncset.done $0x0  }
0x2d: {  	[sflag:s18] =	ssyncadd.s32 $0xFFFFD800  }
0x2e: {  	[tilespmem:s12], [sflag:$0x1] =	stream.indirect.gather [hbm4b:s3+s11], $0x80, s19, s11, $0xb8;
	[tilespmem:$0x1FF80] =	vst v63  }
0x2f: {  	_ = 	snop  }
0x30: {  	[spmem:s1] =	stream.indirect.scatter.add.f32 [tilespmem:s13], [sflag:$0x5], $0x80, s20, s11, $0xb8;
	[tilespmem:$0x1FF80] =	vst v63  }
0x31: {  	_ =	swait.ge [sflag:s21], $0x2800  }
0x32: {  	[sflag:s21] =	ssyncset.done $0x0  }
0x33: {  	[sflag:s21] =	ssyncadd.s32 $0xFFFFD800  }
0x34: {  	_ =	swait.ge [sflag:s22], $0x2800  }
0x35: {  	[sflag:s22] =	ssyncset.done $0x0  }
0x36: {  	[sflag:s22] =	ssyncadd.s32 $0xFFFFD800  }
0x37: {  	[tilespmem:s13], [sflag:$0x2] =	stream.indirect.gather [hbm4b:s3+s11], $0x80, s23, s11, $0xb8;
	[tilespmem:$0x1FF80] =	vst v63  }
0x38: {  	_ = 	snop  }
0x39: {  	[spmem:s1] =	stream.indirect.scatter.add.f32 [tilespmem:s16], [sflag:$0x6], $0x80, s24, s11, $0xb8;
	[tilespmem:$0x1FF80] =	vst v63  }
0x3a: {  	_ =	swait.ge [sflag:s14], $0x2800  }
0x3b: {  	[sflag:s14] =	ssyncset.done $0x0  }
0x3c: {  	[sflag:s14] =	ssyncadd.s32 $0xFFFFD800  }
0x3d: {  	_ =	swait.ge [sflag:s25], $0x2800  }
0x3e: {  	[sflag:s25] =	ssyncset.done $0x0  }
0x3f: {  	s30 =	simm.s32 $0x190;
	[sflag:s25] =	ssyncadd.s32 $0xFFFFD800  }
0x40: {  	[tilespmem:s16], [sflag:$0x3] =	stream.indirect.gather [hbm4b:s3+s11], $0x80, s30, s11, $0xb8;
	[tilespmem:$0x1FF80] =	vst v63  }
0x41: {  	s30 =	simm.s32 $0x2870  }
0x42: {  	[spmem:s1] =	stream.indirect.scatter.add.f32 [tilespmem:s12], [sflag:$0x4], $0x80, s30, s11, $0xb8;
	[tilespmem:$0x1FF80] =	vst v63  }
0x43: {  	_ =	swait.ge [sflag:s17], $0x2800  }
0x44: {  	[sflag:s17] =	ssyncset.done $0x0  }
0x45: {  	[sflag:s17] =	ssyncadd.s32 $0xFFFFD800  }
0x46: {  	_ =	swait.ge [sflag:s18], $0x2800  }
0x47: {  	[sflag:s18] =	ssyncset.done $0x0  }
0x48: {  	s30 =	simm.s32 $0x1E0;
	[sflag:s18] =	ssyncadd.s32 $0xFFFFD800  }
0x49: {  	[tilespmem:s12], [sflag:$0x1] =	stream.indirect.gather [hbm4b:s3+s11], $0x80, s30, s11, $0xb8;
	[tilespmem:$0x1FF80] =	vst v63  }
0x4a: {  	s30 =	simm.s32 $0x28C0  }
0x4b: {  	[spmem:s1] =	stream.indirect.scatter.add.f32 [tilespmem:s13], [sflag:$0x5], $0x80, s30, s11, $0xb8;
	[tilespmem:$0x1FF80] =	vst v63  }
0x4c: {  	_ =	swait.ge [sflag:s21], $0x2800  }
0x4d: {  	[sflag:s21] =	ssyncset.done $0x0  }
0x4e: {  	[sflag:s21] =	ssyncadd.s32 $0xFFFFD800  }
0x4f: {  	_ =	swait.ge [sflag:s22], $0x2800  }
0x50: {  	[sflag:s22] =	ssyncset.done $0x0  }
0x51: {  	s30 =	simm.s32 $0x230;
	[sflag:s22] =	ssyncadd.s32 $0xFFFFD800  }
0x52: {  	[tilespmem:s13], [sflag:$0x2] =	stream.indirect.gather [hbm4b:s3+s11], $0x80, s30, s11, $0xb8;
	[tilespmem:$0x1FF80] =	vst v63  }
0x53: {  	s31 =	simm.s32 $0x2910;
	s30 =	simm.s32 $0x3C0  }
.LBB2_2:
0x54: {  	[spmem:s1] =	stream.indirect.scatter.add.f32 [tilespmem:s16], [sflag:$0x6], $0x80, s31, s11, $0xb8;
	[tilespmem:$0x1FF80] =	vst v63  }
0x55: {  	s31 =	smov.u32 s30  }
0x56: {  	p1 =	sne.s32 s30, $0x9240;
	s30 =	sadd.s32 $0x3C0, s30;
	_ =	swait.ge [sflag:s14], $0x2800  }
0x57: {  	[sflag:s14] =	ssyncset.done $0x0  }
0x58: {  	[sflag:s14] =	ssyncadd.s32 $0xFFFFD800  }
0x59: {  	_ =	swait.ge [sflag:s25], $0x2800  }
0x5a: {  	s31 =	sshra.s32 s31, $0x2;
	[sflag:s25] =	ssyncset.done $0x0  }
0x5b: {  	s0 =	sadd.s32 $0x190, s31;
	[sflag:s25] =	ssyncadd.s32 $0xFFFFD800  }
0x5c: {  	[tilespmem:s16], [sflag:$0x3] =	stream.indirect.gather [hbm4b:s3+s11], $0x80, s0, s11, $0xb8;
	[tilespmem:$0x1FF80] =	vst v63  }
0x5d: {  	s0 =	sadd.s32 $0x2870, s31  }
0x5e: {  	[spmem:s1] =	stream.indirect.scatter.add.f32 [tilespmem:s12], [sflag:$0x4], $0x80, s0, s11, $0xb8;
	[tilespmem:$0x1FF80] =	vst v63  }
0x5f: {  	_ =	swait.ge [sflag:s17], $0x2800  }
0x60: {  	[sflag:s17] =	ssyncset.done $0x0  }
0x61: {  	[sflag:s17] =	ssyncadd.s32 $0xFFFFD800  }
0x62: {  	_ =	swait.ge [sflag:s18], $0x2800  }
0x63: {  	[sflag:s18] =	ssyncset.done $0x0  }
0x64: {  	s0 =	sadd.s32 $0x1E0, s31;
	[sflag:s18] =	ssyncadd.s32 $0xFFFFD800  }
0x65: {  	[tilespmem:s12], [sflag:$0x1] =	stream.indirect.gather [hbm4b:s3+s11], $0x80, s0, s11, $0xb8;
	[tilespmem:$0x1FF80] =	vst v63  }
0x66: {  	s0 =	sadd.s32 $0x28C0, s31  }
0x67: {  	[spmem:s1] =	stream.indirect.scatter.add.f32 [tilespmem:s13], [sflag:$0x5], $0x80, s0, s11, $0xb8;
	[tilespmem:$0x1FF80] =	vst v63  }
0x68: {  	_ =	swait.ge [sflag:s21], $0x2800  }
0x69: {  	[sflag:s21] =	ssyncset.done $0x0  }
0x6a: {  	[sflag:s21] =	ssyncadd.s32 $0xFFFFD800  }
.Ltmp0:
0x6b: {  	_ =	swait.ge [sflag:s22], $0x2800;
	(pc) =	sbr.rel @p1 .LBB2_2-.Ltmp0, $4  }
0x6c: {  	[sflag:s22] =	ssyncset.done $0x0  }
0x6d: {  	s0 =	sadd.s32 $0x230, s31;
	[sflag:s22] =	ssyncadd.s32 $0xFFFFD800  }
0x6e: {  	[tilespmem:s13], [sflag:$0x2] =	stream.indirect.gather [hbm4b:s3+s11], $0x80, s0, s11, $0xb8;
	[tilespmem:$0x1FF80] =	vst v63  }
0x6f: {  	s31 =	sadd.s32 $0x2910, s31  }
0x70: {  	[spmem:s1] =	stream.indirect.scatter.add.f32 [tilespmem:s16], [sflag:$0x6], $0x80, s31, s11, $0xb8;
	[tilespmem:$0x1FF80] =	vst v63  }
0x71: {  	_ =	swait.ge [sflag:s14], $0x2800  }
0x72: {  	[sflag:s14] =	ssyncset.done $0x0  }
0x73: {  	[sflag:s14] =	ssyncadd.s32 $0xFFFFD800  }
0x74: {  	_ =	swait.ge [sflag:s25], $0x2800  }
0x75: {  	[sflag:s25] =	ssyncset.done $0x0  }
0x76: {  	[sflag:s25] =	ssyncadd.s32 $0xFFFFD800  }
0x77: {  	[spmem:s1] =	stream.indirect.scatter.add.f32 [tilespmem:s12], [sflag:$0x4], $0x80, s26, s11, $0xb8;
	[tilespmem:$0x1FF80] =	vst v63  }
0x78: {  	_ =	swait.ge [sflag:s17], $0x2800  }
0x79: {  	[sflag:s17] =	ssyncset.done $0x0  }
0x7a: {  	[sflag:s17] =	ssyncadd.s32 $0xFFFFD800  }
0x7b: {  	_ =	swait.ge [sflag:s18], $0x2800  }
0x7c: {  	[sflag:s18] =	ssyncset.done $0x0  }
0x7d: {  	[sflag:s18] =	ssyncadd.s32 $0xFFFFD800  }
0x7e: {  	[spmem:s1] =	stream.indirect.scatter.add.f32 [tilespmem:s13], [sflag:$0x5], $0x80, s28, s11, $0xb8;
	[tilespmem:$0x1FF80] =	vst v63  }
0x7f: {  	_ =	swait.ge [sflag:s22], $0x2800  }
0x80: {  	[sflag:s22] =	ssyncset.done $0x0  }
0x81: {  	s29 =	sadd.s32 $0x1, s29;
	[sflag:s22] =	ssyncadd.s32 $0xFFFFD800  }
0x82: {  	s0 =	simm.s32 @!p0 $0x1C08;
	p1 =	sne.s32 s29, s7;
	[bflag:$0x0] =	sbarrier.arrive $0xFFFF  }
0x83: {  	[hbm:s6], [sflag:s0] =	dma.local @!p0 [spmem:s8], $0x27100  }
.Ltmp1:
0x84: {  	_ = 	snop;
	(pc) =	sbr.rel @p1 .LBB2_1-.Ltmp1, $4  }
0x85: {  	s0 =	simm.s32 @!p0 $0x8  }
0x86: {  	_ =	swait.ge @!p0 [sflag:s0], $0x27100  }
0x87: {  	[sflag:s0] =	ssyncset.done @!p0 $0x0  }
0x88: {  	[sflag:s0] =	ssyncadd.s32 @!p0 $0xFFFD8F00  }
0x89: {  	_ =	sfence.sel $0x180000  }
0x8a: {  	[bflag:$0x0] =	sbarrier.arrive $0xFFFF  }
0x8b: {  	_ =	strace $0x9000004A  }
0x8c: {  	[bflag:$0x2] =	sbarrier.arrive $0xFFFF  }
0x8d: {  	s0 =	rddreg [dreg:$0x2]  }
0x8e: {  	s0 =	sadd.s32 @!p0 $0x100000, s0  }
0x8f: {  	[sflag:s0] =	ssyncadd.tile.s32 @!p0 $0x1;
	_ =	shalt  }
.Lfunc_end2:
_tile_overlayer_lowered:
.L_overlay_start_2:
0x90: {  	(tag) =	ssettag $0x2  }
0x91: {  	s0 =	rddreg [dreg:$0x0];
	s2 =	stileid.u32  }
0x92: {  	s1 =	rddreg [dreg:$0x1];
	p0 =	sne.s32 s2, $0x0  }
0x93: {  	s3 =	rddreg [dreg:$0x2];
	[bflag:$0x3] =	sbarrier.arrive $0xFFFF;
	s2 =	simm.s32 @!p0 $0x1C08  }
0x94: {  	[timem:s3], [sflag:s2] =	dma.local @!p0 [hbm:s0], s1  }
0x95: {  	s0 =	simm.s32 @!p0 $0x8  }
0x96: {  	_ =	swait.ge @!p0 [sflag:s0], s1  }
0x97: {  	s1 =	ssub.s32 @!p0 $0x0, s1;
	[sflag:s0] =	ssyncset.done @!p0 $0x0  }
0x98: {  	[sflag:s0] =	ssyncadd.s32 @!p0 s1  }
0x99: {  	[bflag:$0x3] =	sbarrier.arrive $0xFFFF  }
0x9a: {  	_ =	shalt  }

// kernel: kernel.16.cloned.1.call-start
scs
__scs_entry_jumppad:
0x0: {  	(pc) =	sbr.rel $0x88, $3  }
0x1: {  	(tag) =	ssettag $0x0;
	lr =	simm.s32 $0x1  }
0x2: {  	[smem:$0x3F94] =	sst lr;
	_ =	strace $0xD0000000  }
0x3: {  	_ = 	snop  }
0x4: {  	_ = 	snop  }
0x5: {  	_ = 	snop  }
0x6: {  	_ = 	snop  }
0x7: {  	_ = 	snop  }
__scs_overlays_trampoline_lowered:
0x8: {  	[smem:$0x3FA3] =	sst s0  }
0x9: {  	[smem:$0x3FA4] =	sst s1  }
0xa: {  	[smem:$0x3FA5] =	sst s2  }
0xb: {  	[smem:$0x3FA6] =	sst s3  }
0xc: {  	[smem:$0x3FA7] =	sst s4  }
0xd: {  	[smem:$0x3FA8] =	sst s5  }
0xe: {  	[smem:$0x3FA9] =	sst s6  }
0xf: {  	[smem:$0x3FAA] =	sst s7  }
0x10: {  	[smem:$0x3FAB] =	sst s8  }
0x11: {  	[smem:$0x3FAC] =	sst s9;
	s0 =	simm.s32 @!p0 $0x0  }
0x12: {  	s1 =	sld [smem:$0x3F92];
	s0 =	simm.s32 @p0 $0x1  }
0x13: {  	[smem:$0x3FAD] =	sst s0;
	s0 =	simm.s32 @!p1 $0x0  }
0x14: {  	s2 =	sld [smem:$0x3F91];
	s0 =	simm.s32 @p1 $0x1  }
0x15: {  	[smem:$0x3FAE] =	sst s0;
	s0 =	simm.s32 @!p2 $0x0  }
0x16: {  	s3 =	sld [smem:$0x3FDB];
	s0 =	simm.s32 @p2 $0x1  }
0x17: {  	s4 =	simm.s32 $0x1BF5;
	[smem:$0x3FB0] =	sst s0  }
0x18: {  	s0 =	sld [smem:$0x3F93];
	_ =	swait.ge [sflag:s4], $0x0  }
0x19: {  	s7 =	sld [smem:$0x3F94]  }
0x1a: {  	s8 =	sadd.s32 $0xFFFFE003, lr  }
0x1b: {  	s9 =	sadd.s32 $0xFFFFFEF7, lr;
	s5 =	simm.s32 $0xFFFFFFFF;
	p2 =	slt.u32 s8, $0xFFFFF086  }
0x1c: {  	p1 =	slt.u32 s9, $0xF7A;
	s5 =	simm.s32 @!p2 $0x0  }
0x1d: {  	s5 =	simm.s32 @p1 $0x1;
	p0 =	seq.s32 s7, s2  }
0x1e: {  	s7 =	smul.u32 @!p0 $0xF7A, s2;
	p2 =	seq.s32 @!p0 s5, $0x0  }
0x1f: {  	s9 =	smul.u32 $0xF7A, s1;
	s8 =	simm.s32 @!p0 $0x1BF5;
	p2 =	por !p2, p0  }
0x20: {  	[sflag:s8] =	ssyncset.s32 @!p0 $0xFFFFF086;
	s6 =	sadd.s32 @!p0 s3, s7;
	s7 =	simm.s32 @!p0 $0x108  }
0x21: {  	s3 =	sadd.s32 s3, s9;
	s6 =	sadd.s32 @!p0 $0x88, s6;
	s7 =	simm.s32 @p2 $0x1082  }
0x22: {  	[simem:s7], [sflag:s8] =	dma.local @!p0 [hbm:s6], $0xF7A  }
0x23: {  	s9 =	sor.u32 $0xD0000000, s2;
	s6 =	simm.s32 $0x108;
	_ =	swait.ge @!p0 [sflag:s8], $0x0  }
0x24: {  	s3 =	sadd.s32 $0x88, s3;
	s6 =	simm.s32 @!p1 $0x1082;
	[sflag:s4] =	ssyncset.s32 $0xFFFFF086  }
0x25: {  	[simem:s6], [sflag:s4] =	dma.local [hbm:s3], $0xF7A  }
0x26: {  	[smem:$0x3F94] =	sst s1;
	(tag) =	ssettag s2;
	_ =	strace s9  }
0x27: {  	s1 =	sld [smem:$0x3FA4]  }
0x28: {  	s2 =	sld [smem:$0x3FA5]  }
0x29: {  	s4 =	sld [smem:$0x3FA7]  }
0x2a: {  	p0 =	seq.s32 s5, $0x0;
	s5 =	sld [smem:$0x3FA8]  }
0x2b: {  	s6 =	sld [smem:$0x3FA9]  }
0x2c: {  	s7 =	sld [smem:$0x3FAA]  }
0x2d: {  	s3 =	simm.s32 $0x108;
	s8 =	sld [smem:$0x3FAB]  }
0x2e: {  	s3 =	simm.s32 @!p0 $0x1082;
	s9 =	sld [smem:$0x3FAC]  }
0x2f: {  	lr =	sadd.s32 s0, s3;
	s0 =	sld [smem:$0x3FA3]  }
0x30: {  	s3 =	sld [smem:$0x3FA6]  }
0x31: {  	[smem:$0x3FAF] =	sst s10  }
0x32: {  	s10 =	sld [smem:$0x3FAD];
	_ =	sdelay $0x3  }
0x33: {  	p0 =	seq.s32 s10, $0x1;
	s10 =	sld [smem:$0x3FAF];
	_ =	sdelay $0x3  }
0x34: {  	[smem:$0x3FAF] =	sst s10  }
0x35: {  	s10 =	sld [smem:$0x3FAE];
	_ =	sdelay $0x3  }
0x36: {  	p1 =	seq.s32 s10, $0x1;
	s10 =	sld [smem:$0x3FAF];
	_ =	sdelay $0x3  }
0x37: {  	[smem:$0x3FAF] =	sst s10  }
0x38: {  	s10 =	sld [smem:$0x3FB0]  }
0x39: {  	_ = 	snop;
	(pc) =	sbr.ind lr, $3  }
0x3a: {  	_ = 	snop  }
0x3b: {  	_ = 	snop  }
0x3c: {  	p2 =	seq.s32 s10, $0x1;
	s10 =	sld [smem:$0x3FAF]  }
0x3d: {  	_ =	shalt  }
0x3e: {  	_ =	shalt  }
0x3f: {  	_ =	shalt  }
0x40: {  	_ =	shalt  }
0x41: {  	_ =	shalt  }
0x42: {  	_ =	shalt  }
0x43: {  	_ =	shalt  }
0x44: {  	_ =	shalt  }
0x45: {  	_ =	shalt  }
0x46: {  	_ =	shalt  }
0x47: {  	_ =	shalt  }
0x48: {  	_ =	shalt  }
0x49: {  	_ =	shalt  }
0x4a: {  	_ =	shalt  }
0x4b: {  	_ =	shalt  }
0x4c: {  	_ =	shalt  }
0x4d: {  	_ =	shalt  }
0x4e: {  	_ =	shalt  }
0x4f: {  	_ =	shalt  }
0x50: {  	_ =	shalt  }
0x51: {  	_ =	shalt  }
0x52: {  	_ =	shalt  }
0x53: {  	_ =	shalt  }
0x54: {  	_ =	shalt  }
0x55: {  	_ =	shalt  }
0x56: {  	_ =	shalt  }
0x57: {  	_ =	shalt  }
0x58: {  	_ =	shalt  }
0x59: {  	_ =	shalt  }
0x5a: {  	_ =	shalt  }
0x5b: {  	_ =	shalt  }
0x5c: {  	_ =	shalt  }
0x5d: {  	_ =	shalt  }
0x5e: {  	_ =	shalt  }
0x5f: {  	_ =	shalt  }
0x60: {  	_ =	shalt  }
0x61: {  	_ =	shalt  }
0x62: {  	_ =	shalt  }
0x63: {  	_ =	shalt  }
0x64: {  	_ =	shalt  }
0x65: {  	_ =	shalt  }
0x66: {  	_ =	shalt  }
0x67: {  	_ =	shalt  }
0x68: {  	_ =	shalt  }
0x69: {  	_ =	shalt  }
0x6a: {  	_ =	shalt  }
0x6b: {  	_ =	shalt  }
0x6c: {  	_ =	shalt  }
0x6d: {  	_ =	shalt  }
0x6e: {  	_ =	shalt  }
0x6f: {  	_ =	shalt  }
0x70: {  	_ =	shalt  }
0x71: {  	_ =	shalt  }
0x72: {  	_ =	shalt  }
0x73: {  	_ =	shalt  }
0x74: {  	_ =	shalt  }
0x75: {  	_ =	shalt  }
0x76: {  	_ =	shalt  }
0x77: {  	_ =	shalt  }
0x78: {  	_ =	shalt  }
0x79: {  	_ =	shalt  }
0x7a: {  	_ =	shalt  }
0x7b: {  	_ =	shalt  }
0x7c: {  	_ =	shalt  }
0x7d: {  	_ =	shalt  }
0x7e: {  	_ =	shalt  }
0x7f: {  	_ =	shalt  }
0x80: {  	_ =	shalt  }
0x81: {  	_ =	shalt  }
0x82: {  	_ =	shalt  }
0x83: {  	_ =	shalt  }
0x84: {  	_ =	shalt  }
0x85: {  	_ =	shalt  }
0x86: {  	_ =	shalt  }
0x87: {  	_ =	shalt  }
.Lfunc_end0:
.L_simem_size_0:
called_computation.2_lowered:
.L_overlay_start_0:
0x88: {  	s2 =	sld [smem:$0x3FD9]  }
0x89: {  	s3 =	sld [smem:$0x3FFE];
	_ =	sdelay $0x1  }
0x8a: {  	s1 =	srdreg.scid  }
0x8b: {  	s0 =	sand.u32 $0x1, s1  }
0x8c: {  	s16 =	sshll.u32 s0, $0xA;
	s2 =	sadd.s32 s3, s2  }
0x8d: {  	s2 =	sadd.s32 s2, s16  }
0x8e: {  	[smem:$0x3FBB] =	sst s2  }
0x8f: {  	_ = 	snop  }
0x90: {  	(tm) =	ssettm $0x1  }
0x91: {  	s17 =	sld [smem:$0x3FFB];
	_ =	sdelay $0x3  }
0x92: {  	_ =	strace s17  }
0x93: {  	s2 =	sld [smem:$0x3FFC];
	_ =	sdelay $0x3  }
0x94: {  	_ =	strace s2  }
0x95: {  	s2 =	sld [smem:$0x3FFD];
	_ =	sdelay $0x3  }
0x96: {  	_ =	strace s2  }
0x97: {  	_ =	strace $0x8FFFFFFF  }
0x98: {  	s18 =	sld [smem:$0x3FDB];
	_ =	sdelay $0x1  }
0x99: {  	s19 =	simm.s32 $_scs_section_size  }
0x9a: {  	s4 =	simm.s32 $_size__tile_overlayer_lowered;
	s5 =	simm.s32 $_tile_overlayer_lowered  }
0x9b: {  	s22 =	simm.s32 $0x1BFF;
	s21 =	sshll.u32 s5, $0x1;
	s2 =	sadd.s32 s19, s18  }
0x9c: {  	s6 =	simm.s32 $0x0;
	s20 =	sshll.u32 s4, $0x1;
	s4 =	sadd.s32 s21, s2  }
0x9d: {  	[timem:s6], [sflag:s22] =	dma.local [hbm:s4], s20  }
0x9e: {  	_ =	swait.ge [sflag:s22], s20  }
0x9f: {  	s3 =	ssub.s32 $0x0, s20;
	[sflag:s22] =	ssyncset.done $0x0  }
0xa0: {  	[sflag:s22] =	ssyncadd.s32 s3;
	_ =	sdelay $0x1  }
0xa1: {  	s23 =	simm.s32 $0x1B8B  }
0xa2: {  	_ =	swait.ge [sflag:s23], $0x1  }
0xa3: {  	[sflag:s23] =	ssyncset.done $0x0  }
0xa4: {  	s25 =	simm.s32 $0x1B8E;
	s24 =	sld [smem:$0x3FFE];
	[sflag:s23] =	ssyncadd.s32 $0xFFFFFFFF  }
0xa5: {  	s26 =	simm.s32 $execute0_lowered;
	[smem:$0x3FD2] =	sst s25  }
0xa6: {  	s4 =	sshll.u32 s26, $0x1;
	_ =	strace $0x8000004C;
	[dreg:$0x1] =	wrdreg $0xFFFFFFFF  }
0xa7: {  	s28 =	simm.s32 $_size_execute0_lowered;
	s2 =	sadd.s32 s2, s4;
	[dreg:$0x0] =	wrdreg $0x0  }
0xa8: {  	s4 =	sshll.u32 s28, $0x1;
	[dreg:$0x2] =	wrdreg s2  }
0xa9: {  	[dreg:$0x3] =	wrdreg s4  }
0xaa: {  	[dreg:$0x4] =	wrdreg $0xC0  }
0xab: {  	_ =	task [dreg:s6], $0x5FFFF  }
0xac: {  	[dreg:$0x1] =	wrdreg $0xFFFFFFFF  }
0xad: {  	[dreg:$0x0] =	wrdreg $0x60  }
0xae: {  	[dreg:$0x2] =	wrdreg s24  }
0xaf: {  	[dreg:$0x3] =	wrdreg $0xC7000  }
0xb0: {  	[dreg:$0x4] =	wrdreg $0x9  }
0xb1: {  	_ =	task.clear_ibuf [dreg:s6], $0x5FFFF;
	_ =	strace $0x9000004C  }
0xb2: {  	s29 =	simm.s32 $0x9;
	_ =	strace $0x8000004E  }
0xb3: {  	_ =	swait.ge [sflag:s29], $0x1  }
0xb4: {  	[sflag:s29] =	ssyncadd.s32 $0xFFFFFFFF  }
0xb5: {  	_ =	strace $0x9000004E  }
0xb6: {  	_ =	sfence  }
0xb7: {  	s30 =	sld [smem:$0x0];
	_ =	sdelay $0x2  }
0xb8: {  	s31 =	sshll.u32 s1, $0xD;
	s1 =	sshrl.u32 s1, $0x2  }
0xb9: {  	s3 =	sand.u32 $0x4000, s31;
	s1 =	sadd.s32 s1, s30  }
0xba: {  	s0 =	sor.u32 s3, s0;
	s1 =	sshll.u32 s1, $0x11  }
0xbb: {  	s0 =	sor.u32 s1, s0  }
0xbc: {  	s0 =	sadd.s32 $0x8F2B, s0  }
0xbd: {  	[sflag:s0] =	ssyncadd.remote.s32 $0x1  }
0xbe: {  	_ =	sfence.sel $0xFFFF  }
0xbf: {  	[dreg:$0x0] =	wrdreg $0xFFFFFFFF;
	(pc) =	sbr.abs _section_cstart, $3  }
0xc0: {  	[dreg:$0x1] =	wrdreg $0xFFFFFFFF  }
0xc1: {  	_ =	task.clear_ibuf [dreg:s6], $0x2FFFF;
	_ =	strace $0x9FFFFFFF  }
0xc2: {  	(tm) =	ssettm $0x7FFFFFFF  }
0xc3: {  	_ =	shalt  }
tec
execute0_lowered:
.L_overlay_start_1:
0x0: {  	(tag) =	ssettag $0x1  }
0x1: {  	s4 =	rddreg [dreg:$0x0]  }
0x2: {  	s0 =	srdreg.scid;
	s1 =	rddreg [dreg:$0x1]  }
0x3: {  	s8 =	stileid.u32;
	s2 =	simm.s32 $0x0;
	s10 =	simm.s32 $0x2780  }
0x4: {  	s11 =	simm.s32 $0x50;
	s12 =	simm.s32 $0x4F00;
	s13 =	simm.s32 $0x7700  }
0x5: {  	s14 =	simm.s32 $0x1;
	s15 =	simm.s32 $0xA0;
	s16 =	simm.s32 $0x9F00  }
0x6: {  	s17 =	simm.s32 $0x2;
	s18 =	simm.s32 $0x4;
	s19 =	simm.s32 $0xF0  }
0x7: {  	s20 =	simm.s32 $0x27D0;
	s21 =	simm.s32 $0x3;
	s22 =	simm.s32 $0x5  }
0x8: {  	s23 =	simm.s32 $0x140;
	s24 =	simm.s32 $0x2820;
	s5 =	sand.u32 $0x1, s0  }
0x9: {  	s25 =	simm.s32 $0x6;
	s26 =	simm.s32 $0x4DF0;
	s3 =	sshll.u32 s5, $0x4  }
0xa: {  	s28 =	simm.s32 $0x4E40;
	s29 =	simm.s32 $0x0;
	s3 =	sor.u32 s8, s3  }
0xb: {  	[smem:$0x7FF] =	sst s2;
	p0 =	sne.s32 s8, $0x0;
	s6 =	smul.u32 $0x2710, s3  }
0xc: {  	_ =	strace $0x8000004D;
	s7 =	smul.u32 $0x27100, s5;
	s5 =	ssub.s32 $0x2, s5  }
0xd: {  	s31 =	sshrl.u32 s5, $0x1;
	s8 =	sshrl.u32 @!p0 s1, $0x3;
	s6 =	sshrl.u32 s6, $0x3  }
0xe: {  	s3 =	sadd.s32 $0x17400, s4;
	s7 =	sadd.s32 s7, s4;
	s6 =	sadd.s32 s6, s4  }
0xf: {  	s9 =	ssub.s32 s5, s31;
	s4 =	sadd.s32 $0x3A00, s6;
	s5 =	sadd.s32 $0xD640, s6  }
0x10: {  	s6 =	sadd.s32 $0x3E600, s7;
	s7 =	smax.u32 s9, $0x1;
	s9 =	simm.s32 $0x8  }
.LBB2_1:
0x11: {  	s30 =	simm.s32 @!p0 $0x1C07  }
0x12: {  	[spmem:s8], [sflag:s30] =	dma.local @!p0 [hbm:s3], $0x27100  }
0x13: {  	[tilespmem:s2], [sflag:$0x8] =	stream.linear.gather [hbm4b:s4+s2], $0x2710, $0x38;
	[tilespmem:$0x1FF80] =	vst v63  }
0x14: {  	_ =	swait.ge [sflag:s9], $0x2710  }
0x15: {  	[sflag:s9] =	ssyncset.done $0x0  }
0x16: {  	[sflag:s9] =	ssyncadd.s32 $0xFFFFD8F0  }
0x17: {  	[tilespmem:s10], [sflag:$0x8] =	stream.linear.gather [hbm4b:s5+s2], $0x2710, $0x38;
	[tilespmem:$0x1FF80] =	vst v63  }
0x18: {  	_ =	swait.ge [sflag:s9], $0x2710  }
0x19: {  	[sflag:s9] =	ssyncset.done $0x0  }
0x1a: {  	s30 =	simm.s32 @!p0 $0x7;
	[sflag:s9] =	ssyncadd.s32 $0xFFFFD8F0  }
0x1b: {  	_ =	swait.ge @!p0 [sflag:s30], $0x27100  }
0x1c: {  	[sflag:s30] =	ssyncset.done @!p0 $0x0  }
0x1d: {  	[sflag:s30] =	ssyncadd.s32 @!p0 $0xFFFD8F00  }
0x1e: {  	[tilespmem:s12], [sflag:$0x1] =	stream.indirect.gather [hbm4b:s3+s11], $0x80, s2, s11, $0xb8;
	[tilespmem:$0x1FF80] =	vst v63  }
0x1f: {  	_ = 	snop  }
0x20: {  	[tilespmem:s13], [sflag:$0x2] =	stream.indirect.gather [hbm4b:s3+s11], $0x80, s11, s11, $0xb8;
	[tilespmem:$0x1FF80] =	vst v63  }
0x21: {  	[bflag:$0x0] =	sbarrier.arrive $0xFFFF  }
0x22: {  	_ =	swait.ge [sflag:s14], $0x2800  }
0x23: {  	[sflag:s14] =	ssyncset.done $0x0  }
0x24: {  	[sflag:s14] =	ssyncadd.s32 $0xFFFFD800  }
0x25: {  	[tilespmem:s16], [sflag:$0x3] =	stream.indirect.gather [hbm4b:s3+s11], $0x80, s15, s11, $0xb8;
	[tilespmem:$0x1FF80] =	vst v63  }
0x26: {  	_ = 	snop  }
0x27: {  	[spmem:s1] =	stream.indirect.scatter.add.f32 [tilespmem:s12], [sflag:$0x4], $0x80, s10, s11, $0xb8;
	[tilespmem:$0x1FF80] =	vst v63  }
0x28: {  	_ =	swait.ge [sflag:s17], $0x2800  }
0x29: {  	[sflag:s17] =	ssyncset.done $0x0  }
0x2a: {  	[sflag:s17] =	ssyncadd.s32 $0xFFFFD800  }
0x2b: {  	_ =	swait.ge [sflag:s18], $0x2800  }
0x2c: {  	[sflag:s18] =	ssyncset.done $0x0  }
0x2d: {  	[sflag:s18] =	ssyncadd.s32 $0xFFFFD800  }
0x2e: {  	[tilespmem:s12], [sflag:$0x1] =	stream.indirect.gather [hbm4b:s3+s11], $0x80, s19, s11, $0xb8;
	[tilespmem:$0x1FF80] =	vst v63  }
0x2f: {  	_ = 	snop  }
0x30: {  	[spmem:s1] =	stream.indirect.scatter.add.f32 [tilespmem:s13], [sflag:$0x5], $0x80, s20, s11, $0xb8;
	[tilespmem:$0x1FF80] =	vst v63  }
0x31: {  	_ =	swait.ge [sflag:s21], $0x2800  }
0x32: {  	[sflag:s21] =	ssyncset.done $0x0  }
0x33: {  	[sflag:s21] =	ssyncadd.s32 $0xFFFFD800  }
0x34: {  	_ =	swait.ge [sflag:s22], $0x2800  }
0x35: {  	[sflag:s22] =	ssyncset.done $0x0  }
0x36: {  	[sflag:s22] =	ssyncadd.s32 $0xFFFFD800  }
0x37: {  	[tilespmem:s13], [sflag:$0x2] =	stream.indirect.gather [hbm4b:s3+s11], $0x80, s23, s11, $0xb8;
	[tilespmem:$0x1FF80] =	vst v63  }
0x38: {  	_ = 	snop  }
0x39: {  	[spmem:s1] =	stream.indirect.scatter.add.f32 [tilespmem:s16], [sflag:$0x6], $0x80, s24, s11, $0xb8;
	[tilespmem:$0x1FF80] =	vst v63  }
0x3a: {  	_ =	swait.ge [sflag:s14], $0x2800  }
0x3b: {  	[sflag:s14] =	ssyncset.done $0x0  }
0x3c: {  	[sflag:s14] =	ssyncadd.s32 $0xFFFFD800  }
0x3d: {  	_ =	swait.ge [sflag:s25], $0x2800  }
0x3e: {  	[sflag:s25] =	ssyncset.done $0x0  }
0x3f: {  	s30 =	simm.s32 $0x190;
	[sflag:s25] =	ssyncadd.s32 $0xFFFFD800  }
0x40: {  	[tilespmem:s16], [sflag:$0x3] =	stream.indirect.gather [hbm4b:s3+s11], $0x80, s30, s11, $0xb8;
	[tilespmem:$0x1FF80] =	vst v63  }
0x41: {  	s30 =	simm.s32 $0x2870  }
0x42: {  	[spmem:s1] =	stream.indirect.scatter.add.f32 [tilespmem:s12], [sflag:$0x4], $0x80, s30, s11, $0xb8;
	[tilespmem:$0x1FF80] =	vst v63  }
0x43: {  	_ =	swait.ge [sflag:s17], $0x2800  }
0x44: {  	[sflag:s17] =	ssyncset.done $0x0  }
0x45: {  	[sflag:s17] =	ssyncadd.s32 $0xFFFFD800  }
0x46: {  	_ =	swait.ge [sflag:s18], $0x2800  }
0x47: {  	[sflag:s18] =	ssyncset.done $0x0  }
0x48: {  	s30 =	simm.s32 $0x1E0;
	[sflag:s18] =	ssyncadd.s32 $0xFFFFD800  }
0x49: {  	[tilespmem:s12], [sflag:$0x1] =	stream.indirect.gather [hbm4b:s3+s11], $0x80, s30, s11, $0xb8;
	[tilespmem:$0x1FF80] =	vst v63  }
0x4a: {  	s30 =	simm.s32 $0x28C0  }
0x4b: {  	[spmem:s1] =	stream.indirect.scatter.add.f32 [tilespmem:s13], [sflag:$0x5], $0x80, s30, s11, $0xb8;
	[tilespmem:$0x1FF80] =	vst v63  }
0x4c: {  	_ =	swait.ge [sflag:s21], $0x2800  }
0x4d: {  	[sflag:s21] =	ssyncset.done $0x0  }
0x4e: {  	[sflag:s21] =	ssyncadd.s32 $0xFFFFD800  }
0x4f: {  	_ =	swait.ge [sflag:s22], $0x2800  }
0x50: {  	[sflag:s22] =	ssyncset.done $0x0  }
0x51: {  	s30 =	simm.s32 $0x230;
	[sflag:s22] =	ssyncadd.s32 $0xFFFFD800  }
0x52: {  	[tilespmem:s13], [sflag:$0x2] =	stream.indirect.gather [hbm4b:s3+s11], $0x80, s30, s11, $0xb8;
	[tilespmem:$0x1FF80] =	vst v63  }
0x53: {  	s31 =	simm.s32 $0x2910;
	s30 =	simm.s32 $0x3C0  }
.LBB2_2:
0x54: {  	[spmem:s1] =	stream.indirect.scatter.add.f32 [tilespmem:s16], [sflag:$0x6], $0x80, s31, s11, $0xb8;
	[tilespmem:$0x1FF80] =	vst v63  }
0x55: {  	s31 =	smov.u32 s30  }
0x56: {  	p1 =	sne.s32 s30, $0x9240;
	s30 =	sadd.s32 $0x3C0, s30;
	_ =	swait.ge [sflag:s14], $0x2800  }
0x57: {  	[sflag:s14] =	ssyncset.done $0x0  }
0x58: {  	[sflag:s14] =	ssyncadd.s32 $0xFFFFD800  }
0x59: {  	_ =	swait.ge [sflag:s25], $0x2800  }
0x5a: {  	s31 =	sshra.s32 s31, $0x2;
	[sflag:s25] =	ssyncset.done $0x0  }
0x5b: {  	s0 =	sadd.s32 $0x190, s31;
	[sflag:s25] =	ssyncadd.s32 $0xFFFFD800  }
0x5c: {  	[tilespmem:s16], [sflag:$0x3] =	stream.indirect.gather [hbm4b:s3+s11], $0x80, s0, s11, $0xb8;
	[tilespmem:$0x1FF80] =	vst v63  }
0x5d: {  	s0 =	sadd.s32 $0x2870, s31  }
0x5e: {  	[spmem:s1] =	stream.indirect.scatter.add.f32 [tilespmem:s12], [sflag:$0x4], $0x80, s0, s11, $0xb8;
	[tilespmem:$0x1FF80] =	vst v63  }
0x5f: {  	_ =	swait.ge [sflag:s17], $0x2800  }
0x60: {  	[sflag:s17] =	ssyncset.done $0x0  }
0x61: {  	[sflag:s17] =	ssyncadd.s32 $0xFFFFD800  }
0x62: {  	_ =	swait.ge [sflag:s18], $0x2800  }
0x63: {  	[sflag:s18] =	ssyncset.done $0x0  }
0x64: {  	s0 =	sadd.s32 $0x1E0, s31;
	[sflag:s18] =	ssyncadd.s32 $0xFFFFD800  }
0x65: {  	[tilespmem:s12], [sflag:$0x1] =	stream.indirect.gather [hbm4b:s3+s11], $0x80, s0, s11, $0xb8;
	[tilespmem:$0x1FF80] =	vst v63  }
0x66: {  	s0 =	sadd.s32 $0x28C0, s31  }
0x67: {  	[spmem:s1] =	stream.indirect.scatter.add.f32 [tilespmem:s13], [sflag:$0x5], $0x80, s0, s11, $0xb8;
	[tilespmem:$0x1FF80] =	vst v63  }
0x68: {  	_ =	swait.ge [sflag:s21], $0x2800  }
0x69: {  	[sflag:s21] =	ssyncset.done $0x0  }
0x6a: {  	[sflag:s21] =	ssyncadd.s32 $0xFFFFD800  }
.Ltmp0:
0x6b: {  	_ =	swait.ge [sflag:s22], $0x2800;
	(pc) =	sbr.rel @p1 .LBB2_2-.Ltmp0, $4  }
0x6c: {  	[sflag:s22] =	ssyncset.done $0x0  }
0x6d: {  	s0 =	sadd.s32 $0x230, s31;
	[sflag:s22] =	ssyncadd.s32 $0xFFFFD800  }
0x6e: {  	[tilespmem:s13], [sflag:$0x2] =	stream.indirect.gather [hbm4b:s3+s11], $0x80, s0, s11, $0xb8;
	[tilespmem:$0x1FF80] =	vst v63  }
0x6f: {  	s31 =	sadd.s32 $0x2910, s31  }
0x70: {  	[spmem:s1] =	stream.indirect.scatter.add.f32 [tilespmem:s16], [sflag:$0x6], $0x80, s31, s11, $0xb8;
	[tilespmem:$0x1FF80] =	vst v63  }
0x71: {  	_ =	swait.ge [sflag:s14], $0x2800  }
0x72: {  	[sflag:s14] =	ssyncset.done $0x0  }
0x73: {  	[sflag:s14] =	ssyncadd.s32 $0xFFFFD800  }
0x74: {  	_ =	swait.ge [sflag:s25], $0x2800  }
0x75: {  	[sflag:s25] =	ssyncset.done $0x0  }
0x76: {  	[sflag:s25] =	ssyncadd.s32 $0xFFFFD800  }
0x77: {  	[spmem:s1] =	stream.indirect.scatter.add.f32 [tilespmem:s12], [sflag:$0x4], $0x80, s26, s11, $0xb8;
	[tilespmem:$0x1FF80] =	vst v63  }
0x78: {  	_ =	swait.ge [sflag:s17], $0x2800  }
0x79: {  	[sflag:s17] =	ssyncset.done $0x0  }
0x7a: {  	[sflag:s17] =	ssyncadd.s32 $0xFFFFD800  }
0x7b: {  	_ =	swait.ge [sflag:s18], $0x2800  }
0x7c: {  	[sflag:s18] =	ssyncset.done $0x0  }
0x7d: {  	[sflag:s18] =	ssyncadd.s32 $0xFFFFD800  }
0x7e: {  	[spmem:s1] =	stream.indirect.scatter.add.f32 [tilespmem:s13], [sflag:$0x5], $0x80, s28, s11, $0xb8;
	[tilespmem:$0x1FF80] =	vst v63  }
0x7f: {  	_ =	swait.ge [sflag:s22], $0x2800  }
0x80: {  	[sflag:s22] =	ssyncset.done $0x0  }
0x81: {  	s29 =	sadd.s32 $0x1, s29;
	[sflag:s22] =	ssyncadd.s32 $0xFFFFD800  }
0x82: {  	s0 =	simm.s32 @!p0 $0x1C08;
	p1 =	sne.s32 s29, s7;
	[bflag:$0x0] =	sbarrier.arrive $0xFFFF  }
0x83: {  	[hbm:s6], [sflag:s0] =	dma.local @!p0 [spmem:s8], $0x27100  }
.Ltmp1:
0x84: {  	_ = 	snop;
	(pc) =	sbr.rel @p1 .LBB2_1-.Ltmp1, $4  }
0x85: {  	s0 =	simm.s32 @!p0 $0x8  }
0x86: {  	_ =	swait.ge @!p0 [sflag:s0], $0x27100  }
0x87: {  	[sflag:s0] =	ssyncset.done @!p0 $0x0  }
0x88: {  	[sflag:s0] =	ssyncadd.s32 @!p0 $0xFFFD8F00  }
0x89: {  	_ =	sfence.sel $0x180000  }
0x8a: {  	[bflag:$0x0] =	sbarrier.arrive $0xFFFF  }
0x8b: {  	_ =	strace $0x9000004D  }
0x8c: {  	[bflag:$0x2] =	sbarrier.arrive $0xFFFF  }
0x8d: {  	s0 =	rddreg [dreg:$0x2]  }
0x8e: {  	s0 =	sadd.s32 @!p0 $0x100000, s0  }
0x8f: {  	[sflag:s0] =	ssyncadd.tile.s32 @!p0 $0x1;
	_ =	shalt  }
.Lfunc_end2:
_tile_overlayer_lowered:
.L_overlay_start_2:
0x90: {  	(tag) =	ssettag $0x2  }
0x91: {  	s0 =	rddreg [dreg:$0x0];
	s2 =	stileid.u32  }
0x92: {  	s1 =	rddreg [dreg:$0x1];
	p0 =	sne.s32 s2, $0x0  }
0x93: {  	s3 =	rddreg [dreg:$0x2];
	[bflag:$0x3] =	sbarrier.arrive $0xFFFF;
	s2 =	simm.s32 @!p0 $0x1C08  }
0x94: {  	[timem:s3], [sflag:s2] =	dma.local @!p0 [hbm:s0], s1  }
0x95: {  	s0 =	simm.s32 @!p0 $0x8  }
0x96: {  	_ =	swait.ge @!p0 [sflag:s0], s1  }
0x97: {  	s1 =	ssub.s32 @!p0 $0x0, s1;
	[sflag:s0] =	ssyncset.done @!p0 $0x0  }
0x98: {  	[sflag:s0] =	ssyncadd.s32 @!p0 s1  }
0x99: {  	[bflag:$0x3] =	sbarrier.arrive $0xFFFF  }
0x9a: {  	_ =	shalt  }

// kernel: kernel.19.cloned.1.call-start
scs
__scs_entry_jumppad:
0x0: {  	(pc) =	sbr.rel $0x88, $3  }
0x1: {  	(tag) =	ssettag $0x0;
	lr =	simm.s32 $0x1  }
0x2: {  	[smem:$0x3F94] =	sst lr;
	_ =	strace $0xD0000000  }
0x3: {  	_ = 	snop  }
0x4: {  	_ = 	snop  }
0x5: {  	_ = 	snop  }
0x6: {  	_ = 	snop  }
0x7: {  	_ = 	snop  }
__scs_overlays_trampoline_lowered:
0x8: {  	[smem:$0x3FA3] =	sst s0  }
0x9: {  	[smem:$0x3FA4] =	sst s1  }
0xa: {  	[smem:$0x3FA5] =	sst s2  }
0xb: {  	[smem:$0x3FA6] =	sst s3  }
0xc: {  	[smem:$0x3FA7] =	sst s4  }
0xd: {  	[smem:$0x3FA8] =	sst s5  }
0xe: {  	[smem:$0x3FA9] =	sst s6  }
0xf: {  	[smem:$0x3FAA] =	sst s7  }
0x10: {  	[smem:$0x3FAB] =	sst s8  }
0x11: {  	[smem:$0x3FAC] =	sst s9;
	s0 =	simm.s32 @!p0 $0x0  }
0x12: {  	s1 =	sld [smem:$0x3F92];
	s0 =	simm.s32 @p0 $0x1  }
0x13: {  	[smem:$0x3FAD] =	sst s0;
	s0 =	simm.s32 @!p1 $0x0  }
0x14: {  	s2 =	sld [smem:$0x3F91];
	s0 =	simm.s32 @p1 $0x1  }
0x15: {  	[smem:$0x3FAE] =	sst s0;
	s0 =	simm.s32 @!p2 $0x0  }
0x16: {  	s3 =	sld [smem:$0x3FDB];
	s0 =	simm.s32 @p2 $0x1  }
0x17: {  	s4 =	simm.s32 $0x1BF5;
	[smem:$0x3FB0] =	sst s0  }
0x18: {  	s0 =	sld [smem:$0x3F93];
	_ =	swait.ge [sflag:s4], $0x0  }
0x19: {  	s7 =	sld [smem:$0x3F94]  }
0x1a: {  	s8 =	sadd.s32 $0xFFFFE003, lr  }
0x1b: {  	s9 =	sadd.s32 $0xFFFFFEF7, lr;
	s5 =	simm.s32 $0xFFFFFFFF;
	p2 =	slt.u32 s8, $0xFFFFF086  }
0x1c: {  	p1 =	slt.u32 s9, $0xF7A;
	s5 =	simm.s32 @!p2 $0x0  }
0x1d: {  	s5 =	simm.s32 @p1 $0x1;
	p0 =	seq.s32 s7, s2  }
0x1e: {  	s7 =	smul.u32 @!p0 $0xF7A, s2;
	p2 =	seq.s32 @!p0 s5, $0x0  }
0x1f: {  	s9 =	smul.u32 $0xF7A, s1;
	s8 =	simm.s32 @!p0 $0x1BF5;
	p2 =	por !p2, p0  }
0x20: {  	[sflag:s8] =	ssyncset.s32 @!p0 $0xFFFFF086;
	s6 =	sadd.s32 @!p0 s3, s7;
	s7 =	simm.s32 @!p0 $0x108  }
0x21: {  	s3 =	sadd.s32 s3, s9;
	s6 =	sadd.s32 @!p0 $0x88, s6;
	s7 =	simm.s32 @p2 $0x1082  }
0x22: {  	[simem:s7], [sflag:s8] =	dma.local @!p0 [hbm:s6], $0xF7A  }
0x23: {  	s9 =	sor.u32 $0xD0000000, s2;
	s6 =	simm.s32 $0x108;
	_ =	swait.ge @!p0 [sflag:s8], $0x0  }
0x24: {  	s3 =	sadd.s32 $0x88, s3;
	s6 =	simm.s32 @!p1 $0x1082;
	[sflag:s4] =	ssyncset.s32 $0xFFFFF086  }
0x25: {  	[simem:s6], [sflag:s4] =	dma.local [hbm:s3], $0xF7A  }
0x26: {  	[smem:$0x3F94] =	sst s1;
	(tag) =	ssettag s2;
	_ =	strace s9  }
0x27: {  	s1 =	sld [smem:$0x3FA4]  }
0x28: {  	s2 =	sld [smem:$0x3FA5]  }
0x29: {  	s4 =	sld [smem:$0x3FA7]  }
0x2a: {  	p0 =	seq.s32 s5, $0x0;
	s5 =	sld [smem:$0x3FA8]  }
0x2b: {  	s6 =	sld [smem:$0x3FA9]  }
0x2c: {  	s7 =	sld [smem:$0x3FAA]  }
0x2d: {  	s3 =	simm.s32 $0x108;
	s8 =	sld [smem:$0x3FAB]  }
0x2e: {  	s3 =	simm.s32 @!p0 $0x1082;
	s9 =	sld [smem:$0x3FAC]  }
0x2f: {  	lr =	sadd.s32 s0, s3;
	s0 =	sld [smem:$0x3FA3]  }
0x30: {  	s3 =	sld [smem:$0x3FA6]  }
0x31: {  	[smem:$0x3FAF] =	sst s10  }
0x32: {  	s10 =	sld [smem:$0x3FAD];
	_ =	sdelay $0x3  }
0x33: {  	p0 =	seq.s32 s10, $0x1;
	s10 =	sld [smem:$0x3FAF];
	_ =	sdelay $0x3  }
0x34: {  	[smem:$0x3FAF] =	sst s10  }
0x35: {  	s10 =	sld [smem:$0x3FAE];
	_ =	sdelay $0x3  }
0x36: {  	p1 =	seq.s32 s10, $0x1;
	s10 =	sld [smem:$0x3FAF];
	_ =	sdelay $0x3  }
0x37: {  	[smem:$0x3FAF] =	sst s10  }
0x38: {  	s10 =	sld [smem:$0x3FB0]  }
0x39: {  	_ = 	snop;
	(pc) =	sbr.ind lr, $3  }
0x3a: {  	_ = 	snop  }
0x3b: {  	_ = 	snop  }
0x3c: {  	p2 =	seq.s32 s10, $0x1;
	s10 =	sld [smem:$0x3FAF]  }
0x3d: {  	_ =	shalt  }
0x3e: {  	_ =	shalt  }
0x3f: {  	_ =	shalt  }
0x40: {  	_ =	shalt  }
0x41: {  	_ =	shalt  }
0x42: {  	_ =	shalt  }
0x43: {  	_ =	shalt  }
0x44: {  	_ =	shalt  }
0x45: {  	_ =	shalt  }
0x46: {  	_ =	shalt  }
0x47: {  	_ =	shalt  }
0x48: {  	_ =	shalt  }
0x49: {  	_ =	shalt  }
0x4a: {  	_ =	shalt  }
0x4b: {  	_ =	shalt  }
0x4c: {  	_ =	shalt  }
0x4d: {  	_ =	shalt  }
0x4e: {  	_ =	shalt  }
0x4f: {  	_ =	shalt  }
0x50: {  	_ =	shalt  }
0x51: {  	_ =	shalt  }
0x52: {  	_ =	shalt  }
0x53: {  	_ =	shalt  }
0x54: {  	_ =	shalt  }
0x55: {  	_ =	shalt  }
0x56: {  	_ =	shalt  }
0x57: {  	_ =	shalt  }
0x58: {  	_ =	shalt  }
0x59: {  	_ =	shalt  }
0x5a: {  	_ =	shalt  }
0x5b: {  	_ =	shalt  }
0x5c: {  	_ =	shalt  }
0x5d: {  	_ =	shalt  }
0x5e: {  	_ =	shalt  }
0x5f: {  	_ =	shalt  }
0x60: {  	_ =	shalt  }
0x61: {  	_ =	shalt  }
0x62: {  	_ =	shalt  }
0x63: {  	_ =	shalt  }
0x64: {  	_ =	shalt  }
0x65: {  	_ =	shalt  }
0x66: {  	_ =	shalt  }
0x67: {  	_ =	shalt  }
0x68: {  	_ =	shalt  }
0x69: {  	_ =	shalt  }
0x6a: {  	_ =	shalt  }
0x6b: {  	_ =	shalt  }
0x6c: {  	_ =	shalt  }
0x6d: {  	_ =	shalt  }
0x6e: {  	_ =	shalt  }
0x6f: {  	_ =	shalt  }
0x70: {  	_ =	shalt  }
0x71: {  	_ =	shalt  }
0x72: {  	_ =	shalt  }
0x73: {  	_ =	shalt  }
0x74: {  	_ =	shalt  }
0x75: {  	_ =	shalt  }
0x76: {  	_ =	shalt  }
0x77: {  	_ =	shalt  }
0x78: {  	_ =	shalt  }
0x79: {  	_ =	shalt  }
0x7a: {  	_ =	shalt  }
0x7b: {  	_ =	shalt  }
0x7c: {  	_ =	shalt  }
0x7d: {  	_ =	shalt  }
0x7e: {  	_ =	shalt  }
0x7f: {  	_ =	shalt  }
0x80: {  	_ =	shalt  }
0x81: {  	_ =	shalt  }
0x82: {  	_ =	shalt  }
0x83: {  	_ =	shalt  }
0x84: {  	_ =	shalt  }
0x85: {  	_ =	shalt  }
0x86: {  	_ =	shalt  }
0x87: {  	_ =	shalt  }
.Lfunc_end0:
.L_simem_size_0:
called_computation.3_lowered:
.L_overlay_start_0:
0x88: {  	s2 =	sld [smem:$0x3FD9]  }
0x89: {  	s3 =	sld [smem:$0x3FFE];
	_ =	sdelay $0x1  }
0x8a: {  	s1 =	srdreg.scid  }
0x8b: {  	s0 =	sand.u32 $0x1, s1  }
0x8c: {  	s16 =	sshll.u32 s0, $0xA;
	s2 =	sadd.s32 s3, s2  }
0x8d: {  	s2 =	sadd.s32 s2, s16  }
0x8e: {  	[smem:$0x3FBB] =	sst s2  }
0x8f: {  	_ = 	snop  }
0x90: {  	(tm) =	ssettm $0x1  }
0x91: {  	s17 =	sld [smem:$0x3FFB];
	_ =	sdelay $0x3  }
0x92: {  	_ =	strace s17  }
0x93: {  	s2 =	sld [smem:$0x3FFC];
	_ =	sdelay $0x3  }
0x94: {  	_ =	strace s2  }
0x95: {  	s2 =	sld [smem:$0x3FFD];
	_ =	sdelay $0x3  }
0x96: {  	_ =	strace s2  }
0x97: {  	_ =	strace $0x8FFFFFFF  }
0x98: {  	s18 =	sld [smem:$0x3FDB];
	_ =	sdelay $0x1  }
0x99: {  	s19 =	simm.s32 $_scs_section_size  }
0x9a: {  	s4 =	simm.s32 $_size__tile_overlayer_lowered;
	s5 =	simm.s32 $_tile_overlayer_lowered  }
0x9b: {  	s22 =	simm.s32 $0x1BFF;
	s21 =	sshll.u32 s5, $0x1;
	s2 =	sadd.s32 s19, s18  }
0x9c: {  	s6 =	simm.s32 $0x0;
	s20 =	sshll.u32 s4, $0x1;
	s4 =	sadd.s32 s21, s2  }
0x9d: {  	[timem:s6], [sflag:s22] =	dma.local [hbm:s4], s20  }
0x9e: {  	_ =	swait.ge [sflag:s22], s20  }
0x9f: {  	s3 =	ssub.s32 $0x0, s20;
	[sflag:s22] =	ssyncset.done $0x0  }
0xa0: {  	[sflag:s22] =	ssyncadd.s32 s3;
	_ =	sdelay $0x1  }
0xa1: {  	s23 =	simm.s32 $0x1B8B  }
0xa2: {  	_ =	swait.ge [sflag:s23], $0x1  }
0xa3: {  	[sflag:s23] =	ssyncset.done $0x0  }
0xa4: {  	s25 =	simm.s32 $0x1B8E;
	s24 =	sld [smem:$0x3FFE];
	[sflag:s23] =	ssyncadd.s32 $0xFFFFFFFF  }
0xa5: {  	s26 =	simm.s32 $execute0_lowered;
	[smem:$0x3FD2] =	sst s25  }
0xa6: {  	s4 =	sshll.u32 s26, $0x1;
	_ =	strace $0x8000004F;
	[dreg:$0x1] =	wrdreg $0xFFFFFFFF  }
0xa7: {  	s28 =	simm.s32 $_size_execute0_lowered;
	s2 =	sadd.s32 s2, s4;
	[dreg:$0x0] =	wrdreg $0x0  }
0xa8: {  	s4 =	sshll.u32 s28, $0x1;
	[dreg:$0x2] =	wrdreg s2  }
0xa9: {  	[dreg:$0x3] =	wrdreg s4  }
0xaa: {  	[dreg:$0x4] =	wrdreg $0xC0  }
0xab: {  	_ =	task [dreg:s6], $0x5FFFF  }
0xac: {  	[dreg:$0x1] =	wrdreg $0xFFFFFFFF  }
0xad: {  	[dreg:$0x0] =	wrdreg $0x60  }
0xae: {  	[dreg:$0x2] =	wrdreg s24  }
0xaf: {  	[dreg:$0x3] =	wrdreg $0xC7000  }
0xb0: {  	[dreg:$0x4] =	wrdreg $0x9  }
0xb1: {  	_ =	task.clear_ibuf [dreg:s6], $0x5FFFF;
	_ =	strace $0x9000004F  }
0xb2: {  	s29 =	simm.s32 $0x9;
	_ =	strace $0x80000051  }
0xb3: {  	_ =	swait.ge [sflag:s29], $0x1  }
0xb4: {  	[sflag:s29] =	ssyncadd.s32 $0xFFFFFFFF  }
0xb5: {  	_ =	strace $0x90000051  }
0xb6: {  	_ =	sfence  }
0xb7: {  	s30 =	sld [smem:$0x0];
	_ =	sdelay $0x2  }
0xb8: {  	s31 =	sshll.u32 s1, $0xD;
	s1 =	sshrl.u32 s1, $0x2  }
0xb9: {  	s3 =	sand.u32 $0x4000, s31;
	s1 =	sadd.s32 s1, s30  }
0xba: {  	s0 =	sor.u32 s3, s0;
	s1 =	sshll.u32 s1, $0x11  }
0xbb: {  	s0 =	sor.u32 s1, s0  }
0xbc: {  	s0 =	sadd.s32 $0x8F2B, s0  }
0xbd: {  	[sflag:s0] =	ssyncadd.remote.s32 $0x1  }
0xbe: {  	_ =	sfence.sel $0xFFFF  }
0xbf: {  	[dreg:$0x0] =	wrdreg $0xFFFFFFFF;
	(pc) =	sbr.abs _section_cstart, $3  }
0xc0: {  	[dreg:$0x1] =	wrdreg $0xFFFFFFFF  }
0xc1: {  	_ =	task.clear_ibuf [dreg:s6], $0x2FFFF;
	_ =	strace $0x9FFFFFFF  }
0xc2: {  	(tm) =	ssettm $0x7FFFFFFF  }
0xc3: {  	_ =	shalt  }
tec
execute0_lowered:
.L_overlay_start_1:
0x0: {  	(tag) =	ssettag $0x1  }
0x1: {  	s4 =	rddreg [dreg:$0x0]  }
0x2: {  	s0 =	srdreg.scid;
	s1 =	rddreg [dreg:$0x1]  }
0x3: {  	s8 =	stileid.u32;
	s2 =	simm.s32 $0x0;
	s10 =	simm.s32 $0x2780  }
0x4: {  	s11 =	simm.s32 $0x50;
	s12 =	simm.s32 $0x4F00;
	s13 =	simm.s32 $0x7700  }
0x5: {  	s14 =	simm.s32 $0x1;
	s15 =	simm.s32 $0xA0;
	s16 =	simm.s32 $0x9F00  }
0x6: {  	s17 =	simm.s32 $0x2;
	s18 =	simm.s32 $0x4;
	s19 =	simm.s32 $0xF0  }
0x7: {  	s20 =	simm.s32 $0x27D0;
	s21 =	simm.s32 $0x3;
	s22 =	simm.s32 $0x5  }
0x8: {  	s23 =	simm.s32 $0x140;
	s24 =	simm.s32 $0x2820;
	s5 =	sand.u32 $0x1, s0  }
0x9: {  	s25 =	simm.s32 $0x6;
	s26 =	simm.s32 $0x4DF0;
	s3 =	sshll.u32 s5, $0x4  }
0xa: {  	s28 =	simm.s32 $0x4E40;
	s29 =	simm.s32 $0x0;
	s3 =	sor.u32 s8, s3  }
0xb: {  	[smem:$0x7FF] =	sst s2;
	p0 =	sne.s32 s8, $0x0;
	s6 =	smul.u32 $0x2710, s3  }
0xc: {  	_ =	strace $0x80000050;
	s7 =	smul.u32 $0x27100, s5;
	s5 =	ssub.s32 $0x2, s5  }
0xd: {  	s31 =	sshrl.u32 s5, $0x1;
	s8 =	sshrl.u32 @!p0 s1, $0x3;
	s6 =	sshrl.u32 s6, $0x3  }
0xe: {  	s3 =	sadd.s32 $0x17400, s4;
	s7 =	sadd.s32 s7, s4;
	s6 =	sadd.s32 s6, s4  }
0xf: {  	s9 =	ssub.s32 s5, s31;
	s4 =	sadd.s32 $0x3A00, s6;
	s5 =	sadd.s32 $0xD640, s6  }
0x10: {  	s6 =	sadd.s32 $0x3E600, s7;
	s7 =	smax.u32 s9, $0x1;
	s9 =	simm.s32 $0x8  }
.LBB2_1:
0x11: {  	s30 =	simm.s32 @!p0 $0x1C07  }
0x12: {  	[spmem:s8], [sflag:s30] =	dma.local @!p0 [hbm:s3], $0x27100  }
0x13: {  	[tilespmem:s2], [sflag:$0x8] =	stream.linear.gather [hbm4b:s4+s2], $0x2710, $0x38;
	[tilespmem:$0x1FF80] =	vst v63  }
0x14: {  	_ =	swait.ge [sflag:s9], $0x2710  }
0x15: {  	[sflag:s9] =	ssyncset.done $0x0  }
0x16: {  	[sflag:s9] =	ssyncadd.s32 $0xFFFFD8F0  }
0x17: {  	[tilespmem:s10], [sflag:$0x8] =	stream.linear.gather [hbm4b:s5+s2], $0x2710, $0x38;
	[tilespmem:$0x1FF80] =	vst v63  }
0x18: {  	_ =	swait.ge [sflag:s9], $0x2710  }
0x19: {  	[sflag:s9] =	ssyncset.done $0x0  }
0x1a: {  	s30 =	simm.s32 @!p0 $0x7;
	[sflag:s9] =	ssyncadd.s32 $0xFFFFD8F0  }
0x1b: {  	_ =	swait.ge @!p0 [sflag:s30], $0x27100  }
0x1c: {  	[sflag:s30] =	ssyncset.done @!p0 $0x0  }
0x1d: {  	[sflag:s30] =	ssyncadd.s32 @!p0 $0xFFFD8F00  }
0x1e: {  	[tilespmem:s12], [sflag:$0x1] =	stream.indirect.gather [hbm4b:s3+s11], $0x80, s2, s11, $0xb8;
	[tilespmem:$0x1FF80] =	vst v63  }
0x1f: {  	_ = 	snop  }
0x20: {  	[tilespmem:s13], [sflag:$0x2] =	stream.indirect.gather [hbm4b:s3+s11], $0x80, s11, s11, $0xb8;
	[tilespmem:$0x1FF80] =	vst v63  }
0x21: {  	[bflag:$0x0] =	sbarrier.arrive $0xFFFF  }
0x22: {  	_ =	swait.ge [sflag:s14], $0x2800  }
0x23: {  	[sflag:s14] =	ssyncset.done $0x0  }
0x24: {  	[sflag:s14] =	ssyncadd.s32 $0xFFFFD800  }
0x25: {  	[tilespmem:s16], [sflag:$0x3] =	stream.indirect.gather [hbm4b:s3+s11], $0x80, s15, s11, $0xb8;
	[tilespmem:$0x1FF80] =	vst v63  }
0x26: {  	_ = 	snop  }
0x27: {  	[spmem:s1] =	stream.indirect.scatter.add.f32 [tilespmem:s12], [sflag:$0x4], $0x80, s10, s11, $0xb8;
	[tilespmem:$0x1FF80] =	vst v63  }
0x28: {  	_ =	swait.ge [sflag:s17], $0x2800  }
0x29: {  	[sflag:s17] =	ssyncset.done $0x0  }
0x2a: {  	[sflag:s17] =	ssyncadd.s32 $0xFFFFD800  }
0x2b: {  	_ =	swait.ge [sflag:s18], $0x2800  }
0x2c: {  	[sflag:s18] =	ssyncset.done $0x0  }
0x2d: {  	[sflag:s18] =	ssyncadd.s32 $0xFFFFD800  }
0x2e: {  	[tilespmem:s12], [sflag:$0x1] =	stream.indirect.gather [hbm4b:s3+s11], $0x80, s19, s11, $0xb8;
	[tilespmem:$0x1FF80] =	vst v63  }
0x2f: {  	_ = 	snop  }
0x30: {  	[spmem:s1] =	stream.indirect.scatter.add.f32 [tilespmem:s13], [sflag:$0x5], $0x80, s20, s11, $0xb8;
	[tilespmem:$0x1FF80] =	vst v63  }
0x31: {  	_ =	swait.ge [sflag:s21], $0x2800  }
0x32: {  	[sflag:s21] =	ssyncset.done $0x0  }
0x33: {  	[sflag:s21] =	ssyncadd.s32 $0xFFFFD800  }
0x34: {  	_ =	swait.ge [sflag:s22], $0x2800  }
0x35: {  	[sflag:s22] =	ssyncset.done $0x0  }
0x36: {  	[sflag:s22] =	ssyncadd.s32 $0xFFFFD800  }
0x37: {  	[tilespmem:s13], [sflag:$0x2] =	stream.indirect.gather [hbm4b:s3+s11], $0x80, s23, s11, $0xb8;
	[tilespmem:$0x1FF80] =	vst v63  }
0x38: {  	_ = 	snop  }
0x39: {  	[spmem:s1] =	stream.indirect.scatter.add.f32 [tilespmem:s16], [sflag:$0x6], $0x80, s24, s11, $0xb8;
	[tilespmem:$0x1FF80] =	vst v63  }
0x3a: {  	_ =	swait.ge [sflag:s14], $0x2800  }
0x3b: {  	[sflag:s14] =	ssyncset.done $0x0  }
0x3c: {  	[sflag:s14] =	ssyncadd.s32 $0xFFFFD800  }
0x3d: {  	_ =	swait.ge [sflag:s25], $0x2800  }
0x3e: {  	[sflag:s25] =	ssyncset.done $0x0  }
0x3f: {  	s30 =	simm.s32 $0x190;
	[sflag:s25] =	ssyncadd.s32 $0xFFFFD800  }
0x40: {  	[tilespmem:s16], [sflag:$0x3] =	stream.indirect.gather [hbm4b:s3+s11], $0x80, s30, s11, $0xb8;
	[tilespmem:$0x1FF80] =	vst v63  }
0x41: {  	s30 =	simm.s32 $0x2870  }
0x42: {  	[spmem:s1] =	stream.indirect.scatter.add.f32 [tilespmem:s12], [sflag:$0x4], $0x80, s30, s11, $0xb8;
	[tilespmem:$0x1FF80] =	vst v63  }
0x43: {  	_ =	swait.ge [sflag:s17], $0x2800  }
0x44: {  	[sflag:s17] =	ssyncset.done $0x0  }
0x45: {  	[sflag:s17] =	ssyncadd.s32 $0xFFFFD800  }
0x46: {  	_ =	swait.ge [sflag:s18], $0x2800  }
0x47: {  	[sflag:s18] =	ssyncset.done $0x0  }
0x48: {  	s30 =	simm.s32 $0x1E0;
	[sflag:s18] =	ssyncadd.s32 $0xFFFFD800  }
0x49: {  	[tilespmem:s12], [sflag:$0x1] =	stream.indirect.gather [hbm4b:s3+s11], $0x80, s30, s11, $0xb8;
	[tilespmem:$0x1FF80] =	vst v63  }
0x4a: {  	s30 =	simm.s32 $0x28C0  }
0x4b: {  	[spmem:s1] =	stream.indirect.scatter.add.f32 [tilespmem:s13], [sflag:$0x5], $0x80, s30, s11, $0xb8;
	[tilespmem:$0x1FF80] =	vst v63  }
0x4c: {  	_ =	swait.ge [sflag:s21], $0x2800  }
0x4d: {  	[sflag:s21] =	ssyncset.done $0x0  }
0x4e: {  	[sflag:s21] =	ssyncadd.s32 $0xFFFFD800  }
0x4f: {  	_ =	swait.ge [sflag:s22], $0x2800  }
0x50: {  	[sflag:s22] =	ssyncset.done $0x0  }
0x51: {  	s30 =	simm.s32 $0x230;
	[sflag:s22] =	ssyncadd.s32 $0xFFFFD800  }
0x52: {  	[tilespmem:s13], [sflag:$0x2] =	stream.indirect.gather [hbm4b:s3+s11], $0x80, s30, s11, $0xb8;
	[tilespmem:$0x1FF80] =	vst v63  }
0x53: {  	s31 =	simm.s32 $0x2910;
	s30 =	simm.s32 $0x3C0  }
.LBB2_2:
0x54: {  	[spmem:s1] =	stream.indirect.scatter.add.f32 [tilespmem:s16], [sflag:$0x6], $0x80, s31, s11, $0xb8;
	[tilespmem:$0x1FF80] =	vst v63  }
0x55: {  	s31 =	smov.u32 s30  }
0x56: {  	p1 =	sne.s32 s30, $0x9240;
	s30 =	sadd.s32 $0x3C0, s30;
	_ =	swait.ge [sflag:s14], $0x2800  }
0x57: {  	[sflag:s14] =	ssyncset.done $0x0  }
0x58: {  	[sflag:s14] =	ssyncadd.s32 $0xFFFFD800  }
0x59: {  	_ =	swait.ge [sflag:s25], $0x2800  }
0x5a: {  	s31 =	sshra.s32 s31, $0x2;
	[sflag:s25] =	ssyncset.done $0x0  }
0x5b: {  	s0 =	sadd.s32 $0x190, s31;
	[sflag:s25] =	ssyncadd.s32 $0xFFFFD800  }
0x5c: {  	[tilespmem:s16], [sflag:$0x3] =	stream.indirect.gather [hbm4b:s3+s11], $0x80, s0, s11, $0xb8;
	[tilespmem:$0x1FF80] =	vst v63  }
0x5d: {  	s0 =	sadd.s32 $0x2870, s31  }
0x5e: {  	[spmem:s1] =	stream.indirect.scatter.add.f32 [tilespmem:s12], [sflag:$0x4], $0x80, s0, s11, $0xb8;
	[tilespmem:$0x1FF80] =	vst v63  }
0x5f: {  	_ =	swait.ge [sflag:s17], $0x2800  }
0x60: {  	[sflag:s17] =	ssyncset.done $0x0  }
0x61: {  	[sflag:s17] =	ssyncadd.s32 $0xFFFFD800  }
0x62: {  	_ =	swait.ge [sflag:s18], $0x2800  }
0x63: {  	[sflag:s18] =	ssyncset.done $0x0  }
0x64: {  	s0 =	sadd.s32 $0x1E0, s31;
	[sflag:s18] =	ssyncadd.s32 $0xFFFFD800  }
0x65: {  	[tilespmem:s12], [sflag:$0x1] =	stream.indirect.gather [hbm4b:s3+s11], $0x80, s0, s11, $0xb8;
	[tilespmem:$0x1FF80] =	vst v63  }
0x66: {  	s0 =	sadd.s32 $0x28C0, s31  }
0x67: {  	[spmem:s1] =	stream.indirect.scatter.add.f32 [tilespmem:s13], [sflag:$0x5], $0x80, s0, s11, $0xb8;
	[tilespmem:$0x1FF80] =	vst v63  }
0x68: {  	_ =	swait.ge [sflag:s21], $0x2800  }
0x69: {  	[sflag:s21] =	ssyncset.done $0x0  }
0x6a: {  	[sflag:s21] =	ssyncadd.s32 $0xFFFFD800  }
.Ltmp0:
0x6b: {  	_ =	swait.ge [sflag:s22], $0x2800;
	(pc) =	sbr.rel @p1 .LBB2_2-.Ltmp0, $4  }
0x6c: {  	[sflag:s22] =	ssyncset.done $0x0  }
0x6d: {  	s0 =	sadd.s32 $0x230, s31;
	[sflag:s22] =	ssyncadd.s32 $0xFFFFD800  }
0x6e: {  	[tilespmem:s13], [sflag:$0x2] =	stream.indirect.gather [hbm4b:s3+s11], $0x80, s0, s11, $0xb8;
	[tilespmem:$0x1FF80] =	vst v63  }
0x6f: {  	s31 =	sadd.s32 $0x2910, s31  }
0x70: {  	[spmem:s1] =	stream.indirect.scatter.add.f32 [tilespmem:s16], [sflag:$0x6], $0x80, s31, s11, $0xb8;
	[tilespmem:$0x1FF80] =	vst v63  }
0x71: {  	_ =	swait.ge [sflag:s14], $0x2800  }
0x72: {  	[sflag:s14] =	ssyncset.done $0x0  }
0x73: {  	[sflag:s14] =	ssyncadd.s32 $0xFFFFD800  }
0x74: {  	_ =	swait.ge [sflag:s25], $0x2800  }
0x75: {  	[sflag:s25] =	ssyncset.done $0x0  }
0x76: {  	[sflag:s25] =	ssyncadd.s32 $0xFFFFD800  }
0x77: {  	[spmem:s1] =	stream.indirect.scatter.add.f32 [tilespmem:s12], [sflag:$0x4], $0x80, s26, s11, $0xb8;
	[tilespmem:$0x1FF80] =	vst v63  }
0x78: {  	_ =	swait.ge [sflag:s17], $0x2800  }
0x79: {  	[sflag:s17] =	ssyncset.done $0x0  }
0x7a: {  	[sflag:s17] =	ssyncadd.s32 $0xFFFFD800  }
0x7b: {  	_ =	swait.ge [sflag:s18], $0x2800  }
0x7c: {  	[sflag:s18] =	ssyncset.done $0x0  }
0x7d: {  	[sflag:s18] =	ssyncadd.s32 $0xFFFFD800  }
0x7e: {  	[spmem:s1] =	stream.indirect.scatter.add.f32 [tilespmem:s13], [sflag:$0x5], $0x80, s28, s11, $0xb8;
	[tilespmem:$0x1FF80] =	vst v63  }
0x7f: {  	_ =	swait.ge [sflag:s22], $0x2800  }
0x80: {  	[sflag:s22] =	ssyncset.done $0x0  }
0x81: {  	s29 =	sadd.s32 $0x1, s29;
	[sflag:s22] =	ssyncadd.s32 $0xFFFFD800  }
0x82: {  	s0 =	simm.s32 @!p0 $0x1C08;
	p1 =	sne.s32 s29, s7;
	[bflag:$0x0] =	sbarrier.arrive $0xFFFF  }
0x83: {  	[hbm:s6], [sflag:s0] =	dma.local @!p0 [spmem:s8], $0x27100  }
.Ltmp1:
0x84: {  	_ = 	snop;
	(pc) =	sbr.rel @p1 .LBB2_1-.Ltmp1, $4  }
0x85: {  	s0 =	simm.s32 @!p0 $0x8  }
0x86: {  	_ =	swait.ge @!p0 [sflag:s0], $0x27100  }
0x87: {  	[sflag:s0] =	ssyncset.done @!p0 $0x0  }
0x88: {  	[sflag:s0] =	ssyncadd.s32 @!p0 $0xFFFD8F00  }
0x89: {  	_ =	sfence.sel $0x180000  }
0x8a: {  	[bflag:$0x0] =	sbarrier.arrive $0xFFFF  }
0x8b: {  	_ =	strace $0x90000050  }
0x8c: {  	[bflag:$0x2] =	sbarrier.arrive $0xFFFF  }
0x8d: {  	s0 =	rddreg [dreg:$0x2]  }
0x8e: {  	s0 =	sadd.s32 @!p0 $0x100000, s0  }
0x8f: {  	[sflag:s0] =	ssyncadd.tile.s32 @!p0 $0x1;
	_ =	shalt  }
.Lfunc_end2:
_tile_overlayer_lowered:
.L_overlay_start_2:
0x90: {  	(tag) =	ssettag $0x2  }
0x91: {  	s0 =	rddreg [dreg:$0x0];
	s2 =	stileid.u32  }
0x92: {  	s1 =	rddreg [dreg:$0x1];
	p0 =	sne.s32 s2, $0x0  }
0x93: {  	s3 =	rddreg [dreg:$0x2];
	[bflag:$0x3] =	sbarrier.arrive $0xFFFF;
	s2 =	simm.s32 @!p0 $0x1C08  }
0x94: {  	[timem:s3], [sflag:s2] =	dma.local @!p0 [hbm:s0], s1  }
0x95: {  	s0 =	simm.s32 @!p0 $0x8  }
0x96: {  	_ =	swait.ge @!p0 [sflag:s0], s1  }
0x97: {  	s1 =	ssub.s32 @!p0 $0x0, s1;
	[sflag:s0] =	ssyncset.done @!p0 $0x0  }
0x98: {  	[sflag:s0] =	ssyncadd.s32 @!p0 s1  }
0x99: {  	[bflag:$0x3] =	sbarrier.arrive $0xFFFF  }
0x9a: {  	_ =	shalt  }

</sc_bundles>
